<compile_context>
chip_gen: v7x
topology: tpu7x:2x2x1
jax: 0.10.2.dev20260603
libtpu: 0.0.44.dev20260713+nightly
codegen_flags: <defaults>
</compile_context>

<pallas_src>
import functools

import jax
import jax.numpy as jnp
from jax import lax
from jax.experimental import pallas as pl
from jax.experimental.pallas import tpu as pltpu
from jax.experimental.pallas import tpu_sc as plsc

N_NODES = 10000
N_EDGES = 320000
D = 128

NC = 2
NS = 16
NW = NC * NS
EPT = N_EDGES // NW
K = 80
NB = EPT // K
SB = 25
NSUP = NB // SB
RB = 624
TAIL = N_NODES - NS * RB


def _mm_body(x_ref, wt_ref, b_ref, o_ref):
    o_ref[...] = (
        jnp.dot(x_ref[...], wt_ref[...], preferred_element_type=jnp.float32)
        + b_ref[...]
    )


def _matmul(x, wt, b2):
    blk = 1000
    return pl.pallas_call(
        _mm_body,
        grid=(N_NODES // blk,),
        in_specs=[
            pl.BlockSpec((blk, D), lambda i: (i, 0)),
            pl.BlockSpec((D, D), lambda i: (0, 0)),
            pl.BlockSpec((1, D), lambda i: (0, 0)),
        ],
        out_specs=pl.BlockSpec((blk, D), lambda i: (i, 0)),
        out_shape=jax.ShapeDtypeStruct((N_NODES, D), jnp.float32),
    )(x, wt, b2)


_mesh = plsc.VectorSubcoreMesh(core_axis_name="c", subcore_axis_name="s")


@functools.partial(
    pl.kernel,
    mesh=_mesh,
    out_type=jax.ShapeDtypeStruct((NC * N_NODES, D), jnp.float32),
    scratch_types=[
        pltpu.VMEM((SB, K), jnp.int32),
        pltpu.VMEM((SB, K), jnp.int32),
        pltpu.VMEM((SB, K), jnp.float32),
        pltpu.VMEM((3 * K, D), jnp.float32),
        pltpu.VMEM_SHARED((N_NODES, D), jnp.float32),
        pltpu.SemaphoreType.DMA,
        pltpu.SemaphoreType.DMA,
        pltpu.SemaphoreType.DMA,
    ],
)
def _sc_edges(out_hbm, col_hbm, row_hbm, val_hbm, part_hbm,
              colv, rowv, valv, rbuf, agg, gsem, gsem2, ssem):
    c = lax.axis_index("c")
    s = lax.axis_index("s")
    wid = c * NS + s

    def _zrow(i, carry):
        for j in range(D // 16):
            rbuf[i, pl.ds(j * 16, 16)] = jnp.zeros((16,), jnp.float32)
        return carry

    lax.fori_loop(0, K, _zrow, 0)
    zsrc = rbuf.at[pl.ds(0, K)]
    for kk in range(RB // K):
        pltpu.sync_copy(zsrc, agg.at[pl.ds(s * RB + kk * K, K)])
    rem = RB - (RB // K) * K
    if rem:
        pltpu.sync_copy(
            rbuf.at[pl.ds(0, rem)],
            agg.at[pl.ds(s * RB + (RB // K) * K, rem)],
        )

    @pl.when(s == NS - 1)
    def _ztail():
        pltpu.sync_copy(rbuf.at[pl.ds(0, TAIL)], agg.at[pl.ds(NS * RB, TAIL)])

    plsc.subcore_barrier()

    H = K // 2

    def _super(u, carry):
        pltpu.sync_copy(col_hbm.at[wid, u], colv)
        pltpu.sync_copy(row_hbm.at[wid, u], rowv)
        pltpu.sync_copy(val_hbm.at[wid, u], valv)

        pltpu.async_copy(
            out_hbm.at[colv.at[0, pl.ds(0, H)]], rbuf.at[pl.ds(0, H)], gsem
        )
        pltpu.async_copy(
            out_hbm.at[colv.at[0, pl.ds(H, H)]], rbuf.at[pl.ds(H, H)], gsem2
        )

        def _block(b, c1):
            off = lax.rem(b, 3) * K
            qoff = lax.rem(b + 1, 3) * K

            @pl.when(b + 1 < SB)
            def _issue_next():
                @pl.when(b >= 2)
                def _drain_prev_scatter():
                    pltpu.make_async_copy(
                        rbuf.at[pl.ds(qoff, K)],
                        agg.at[rowv.at[b - 2]],
                        ssem,
                    ).wait()

                pltpu.async_copy(
                    out_hbm.at[colv.at[b + 1, pl.ds(0, H)]],
                    rbuf.at[pl.ds(qoff, H)], gsem
                )
                pltpu.async_copy(
                    out_hbm.at[colv.at[b + 1, pl.ds(H, H)]],
                    rbuf.at[pl.ds(qoff + H, H)], gsem2
                )

            pltpu.make_async_copy(
                out_hbm.at[colv.at[b, pl.ds(0, H)]],
                rbuf.at[pl.ds(off, H)], gsem
            ).wait()
            pltpu.make_async_copy(
                out_hbm.at[colv.at[b, pl.ds(H, H)]],
                rbuf.at[pl.ds(off + H, H)], gsem2
            ).wait()

            def _grp(t, c2):
                vchunk = valv[b, pl.ds(t * 16, 16)]
                for e16 in range(16):
                    v = vchunk[e16]
                    e = off + t * 16 + e16
                    for j in range(D // 16):
                        sl = pl.ds(j * 16, 16)
                        rbuf[e, sl] = rbuf[e, sl] * v
                return c2

            lax.fori_loop(0, K // 16, _grp, 0)

            pltpu.async_copy(
                rbuf.at[pl.ds(off, K)], agg.at[rowv.at[b]], ssem, add=True
            )
            return c1

        lax.fori_loop(0, SB, _block, 0)

        for bb in (SB - 3, SB - 2, SB - 1):
            pltpu.make_async_copy(
                rbuf.at[pl.ds((bb % 3) * K, K)], agg.at[rowv.at[bb]], ssem
            ).wait()
        return carry

    lax.fori_loop(0, NSUP, _super, 0)

    plsc.subcore_barrier()
    pltpu.sync_copy(
        agg.at[pl.ds(s * RB, RB)],
        part_hbm.at[pl.ds(c * N_NODES + s * RB, RB)],
    )

    @pl.when(s == NS - 1)
    def _wtail():
        pltpu.sync_copy(
            agg.at[pl.ds(NS * RB, TAIL)],
            part_hbm.at[pl.ds(c * N_NODES + NS * RB, TAIL)],
        )


def _combine_body(p0_ref, p1_ref, o_ref):
    a = p0_ref[...] + p1_ref[...]
    o_ref[...] = jnp.where(a > 0.0, a, jnp.exp(a) - 1.0)


def _combine(parts):
    blk = 1000
    nblk = N_NODES // blk
    return pl.pallas_call(
        _combine_body,
        grid=(nblk,),
        in_specs=[
            pl.BlockSpec((blk, D), lambda i: (i, 0)),
            pl.BlockSpec((blk, D), lambda i: (nblk + i, 0)),
        ],
        out_specs=pl.BlockSpec((blk, D), lambda i: (i, 0)),
        out_shape=jax.ShapeDtypeStruct((N_NODES, D), jnp.float32),
    )(parts, parts)


def kernel(x, adj_indices, adj_values, W, b):
    row = adj_indices[0].astype(jnp.int32).reshape(NW, NSUP, SB, K)
    col = adj_indices[1].astype(jnp.int32).reshape(NW, NSUP, SB, K)
    vals = adj_values.astype(jnp.float32).reshape(NW, NSUP, SB, K)
    out = _matmul(x, W.T, b.reshape(1, D))
    parts = _sc_edges(out, col, row, vals)
    return _combine(parts)

# --- scband reference (transcript-rebuilt; emitter-appended) ---
"""Pipeline reference for scband-graph-conv-5231270167040 (READ-ONLY COPY).

The authoritative reference and input builder live on the scoring server;
editing this copy changes nothing except your own understanding.
"""

import jax, jax.numpy as jnp
import numpy as np

N_NODES = 10000
N_EDGES = 320000
D_IN = 128
D_OUT = 128


def setup_inputs(seed: int = 0) -> dict:
    key = jax.random.key(seed)
    k1, k2, k3, k4, k5 = jax.random.split(key, 5)
    x = jax.random.normal(k1, (N_NODES, D_IN), dtype=jnp.float32)
    adj_indices = jax.random.randint(k2, (2, N_EDGES), 0, N_NODES, dtype=jnp.int64)
    adj_values = jax.random.uniform(k3, (N_EDGES,), dtype=jnp.float32)
    # nn.Linear(inp, out): weight [out, in], bias [out], kaiming-uniform-like init
    bound = 1.0 / np.sqrt(D_IN)
    W = jax.random.uniform(k4, (D_OUT, D_IN), minval=-bound, maxval=bound, dtype=jnp.float32)
    b = jax.random.uniform(k5, (D_OUT,), minval=-bound, maxval=bound, dtype=jnp.float32)
    return {"x": x, "adj_indices": adj_indices, "adj_values": adj_values, "W": W, "b": b}


def reference(x, adj_indices, adj_values, W, b):
    # out = self.linear(x)
    out = x @ W.T + b
    # torch.spmm(adj, out): result[i] = sum_j adj[i, j] * out[j]
    row = adj_indices[0]
    col = adj_indices[1]
    gathered = jnp.take(out, col, axis=0) * adj_values[:, None]
    agg = jax.ops.segment_sum(gathered, row, num_segments=N_NODES)
    # F.elu
    return jax.nn.elu(agg)

if __name__ == "__main__":
    import jax
    _d = setup_inputs()
    print(jax.jit(kernel)(*tuple(_d.values())))

</pallas_src>

<mosaic_0001>
#map = affine_map<(d0, d1) -> (0, 0)>
#map1 = affine_map<(d0, d1) -> (0, 0, 0, 0)>
module attributes {stable_mosaic.version = 14 : i64} {
  func.func @_sc_edges(%arg0: i32, %arg1: i32, %arg2: memref<10000x128xf32, #tpu.memory_space<hbm>>, %arg3: memref<32x5x25x80xi32, #tpu.memory_space<hbm>>, %arg4: memref<32x5x25x80xi32, #tpu.memory_space<hbm>>, %arg5: memref<32x5x25x80xf32, #tpu.memory_space<hbm>>, %arg6: memref<20000x128xf32, #tpu.memory_space<hbm>>, %arg7: memref<25x80xi32, #tpu.memory_space<vmem>>, %arg8: memref<25x80xi32, #tpu.memory_space<vmem>>, %arg9: memref<25x80xf32, #tpu.memory_space<vmem>>, %arg10: memref<240x128xf32, #tpu.memory_space<vmem>>, %arg11: memref<10000x128xf32, #tpu.memory_space<vmem_shared>>, %arg12: memref<!tpu.dma_semaphore, #tpu.memory_space<semaphore_mem>>, %arg13: memref<!tpu.dma_semaphore, #tpu.memory_space<semaphore_mem>>, %arg14: memref<!tpu.dma_semaphore, #tpu.memory_space<semaphore_mem>>) attributes {dimension_semantics = [#tpu.dimension_semantics<core_parallel>, #tpu.dimension_semantics<subcore_parallel>], iteration_bounds = array<i64: 2, 16>, scalar_prefetch = 0 : i64, scratch_operands = 8 : i64, tpu.core_type = #tpu.core_type<sc_vector_subcore>, window_params = [{transform_indices = #map}, {transform_indices = #map1}, {transform_indices = #map1}, {transform_indices = #map1}, {transform_indices = #map}]} {
    %mul3A = arith.constant 16 : i32
    %mul3A_0 = arith.muli %arg0, %mul3A : i32
    %add3A = arith.addi %mul3A_0, %arg1 : i32
    %scan3A = arith.constant 0 : i32
    %scan3A_1 = arith.constant 0 : i32
    %scan3A_2 = arith.constant 80 : i32
    %scan3A_3 = arith.addi %scan3A_1, %scan3A_2 : i32
    %scan3A_4 = arith.constant 1 : i32
    scf.for %scan3A_59 = %scan3A_1 to %scan3A_3 step %scan3A_4  : i32 {
      %broadcast_in_dim3A = arith.constant 0.000000e+00 : f32
      %broadcast_in_dim3A_60 = vector.broadcast %broadcast_in_dim3A : f32 to vector<16xf32>
      %swap3A = arith.index_cast %scan3A_59 : i32 to index
      %swap3A_61 = arith.constant 0 : index
      %swap3A_62 = tpu.vector_load %arg10[%swap3A, %swap3A_61] {strides = array<i32>} : memref<240x128xf32, #tpu.memory_space<vmem>>, vector<1x16xf32>,
      %swap3A_63 = vector.shape_cast %swap3A_62 : vector<1x16xf32> to vector<16xf32>
      %swap3A_64 = vector.shape_cast %broadcast_in_dim3A_60 : vector<16xf32> to vector<1x16xf32>
      tpu.vector_store %arg10[%swap3A, %swap3A_61], %swap3A_64 {strides = array<i32>} : memref<240x128xf32, #tpu.memory_space<vmem>>, vector<1x16xf32>,
      %broadcast_in_dim3A_65 = arith.constant 0.000000e+00 : f32
      %broadcast_in_dim3A_66 = vector.broadcast %broadcast_in_dim3A_65 : f32 to vector<16xf32>
      %swap3A_67 = arith.index_cast %scan3A_59 : i32 to index
      %swap3A_68 = arith.constant 16 : index
      %swap3A_69 = tpu.vector_load %arg10[%swap3A_67, %swap3A_68] {strides = array<i32>} : memref<240x128xf32, #tpu.memory_space<vmem>>, vector<1x16xf32>,
      %swap3A_70 = vector.shape_cast %swap3A_69 : vector<1x16xf32> to vector<16xf32>
      %swap3A_71 = vector.shape_cast %broadcast_in_dim3A_66 : vector<16xf32> to vector<1x16xf32>
      tpu.vector_store %arg10[%swap3A_67, %swap3A_68], %swap3A_71 {strides = array<i32>} : memref<240x128xf32, #tpu.memory_space<vmem>>, vector<1x16xf32>,
      %broadcast_in_dim3A_72 = arith.constant 0.000000e+00 : f32
      %broadcast_in_dim3A_73 = vector.broadcast %broadcast_in_dim3A_72 : f32 to vector<16xf32>
      %swap3A_74 = arith.index_cast %scan3A_59 : i32 to index
      %swap3A_75 = arith.constant 32 : index
      %swap3A_76 = tpu.vector_load %arg10[%swap3A_74, %swap3A_75] {strides = array<i32>} : memref<240x128xf32, #tpu.memory_space<vmem>>, vector<1x16xf32>,
      %swap3A_77 = vector.shape_cast %swap3A_76 : vector<1x16xf32> to vector<16xf32>
      %swap3A_78 = vector.shape_cast %broadcast_in_dim3A_73 : vector<16xf32> to vector<1x16xf32>
      tpu.vector_store %arg10[%swap3A_74, %swap3A_75], %swap3A_78 {strides = array<i32>} : memref<240x128xf32, #tpu.memory_space<vmem>>, vector<1x16xf32>,
      %broadcast_in_dim3A_79 = arith.constant 0.000000e+00 : f32
      %broadcast_in_dim3A_80 = vector.broadcast %broadcast_in_dim3A_79 : f32 to vector<16xf32>
      %swap3A_81 = arith.index_cast %scan3A_59 : i32 to index
      %swap3A_82 = arith.constant 48 : index
      %swap3A_83 = tpu.vector_load %arg10[%swap3A_81, %swap3A_82] {strides = array<i32>} : memref<240x128xf32, #tpu.memory_space<vmem>>, vector<1x16xf32>,
      %swap3A_84 = vector.shape_cast %swap3A_83 : vector<1x16xf32> to vector<16xf32>
      %swap3A_85 = vector.shape_cast %broadcast_in_dim3A_80 : vector<16xf32> to vector<1x16xf32>
      tpu.vector_store %arg10[%swap3A_81, %swap3A_82], %swap3A_85 {strides = array<i32>} : memref<240x128xf32, #tpu.memory_space<vmem>>, vector<1x16xf32>,
      %broadcast_in_dim3A_86 = arith.constant 0.000000e+00 : f32
      %broadcast_in_dim3A_87 = vector.broadcast %broadcast_in_dim3A_86 : f32 to vector<16xf32>
      %swap3A_88 = arith.index_cast %scan3A_59 : i32 to index
      %swap3A_89 = arith.constant 64 : index
      %swap3A_90 = tpu.vector_load %arg10[%swap3A_88, %swap3A_89] {strides = array<i32>} : memref<240x128xf32, #tpu.memory_space<vmem>>, vector<1x16xf32>,
      %swap3A_91 = vector.shape_cast %swap3A_90 : vector<1x16xf32> to vector<16xf32>
      %swap3A_92 = vector.shape_cast %broadcast_in_dim3A_87 : vector<16xf32> to vector<1x16xf32>
      tpu.vector_store %arg10[%swap3A_88, %swap3A_89], %swap3A_92 {strides = array<i32>} : memref<240x128xf32, #tpu.memory_space<vmem>>, vector<1x16xf32>,
      %broadcast_in_dim3A_93 = arith.constant 0.000000e+00 : f32
      %broadcast_in_dim3A_94 = vector.broadcast %broadcast_in_dim3A_93 : f32 to vector<16xf32>
      %swap3A_95 = arith.index_cast %scan3A_59 : i32 to index
      %swap3A_96 = arith.constant 80 : index
      %swap3A_97 = tpu.vector_load %arg10[%swap3A_95, %swap3A_96] {strides = array<i32>} : memref<240x128xf32, #tpu.memory_space<vmem>>, vector<1x16xf32>,
      %swap3A_98 = vector.shape_cast %swap3A_97 : vector<1x16xf32> to vector<16xf32>
      %swap3A_99 = vector.shape_cast %broadcast_in_dim3A_94 : vector<16xf32> to vector<1x16xf32>
      tpu.vector_store %arg10[%swap3A_95, %swap3A_96], %swap3A_99 {strides = array<i32>} : memref<240x128xf32, #tpu.memory_space<vmem>>, vector<1x16xf32>,
      %broadcast_in_dim3A_100 = arith.constant 0.000000e+00 : f32
      %broadcast_in_dim3A_101 = vector.broadcast %broadcast_in_dim3A_100 : f32 to vector<16xf32>
      %swap3A_102 = arith.index_cast %scan3A_59 : i32 to index
      %swap3A_103 = arith.constant 96 : index
      %swap3A_104 = tpu.vector_load %arg10[%swap3A_102, %swap3A_103] {strides = array<i32>} : memref<240x128xf32, #tpu.memory_space<vmem>>, vector<1x16xf32>,
      %swap3A_105 = vector.shape_cast %swap3A_104 : vector<1x16xf32> to vector<16xf32>
      %swap3A_106 = vector.shape_cast %broadcast_in_dim3A_101 : vector<16xf32> to vector<1x16xf32>
      tpu.vector_store %arg10[%swap3A_102, %swap3A_103], %swap3A_106 {strides = array<i32>} : memref<240x128xf32, #tpu.memory_space<vmem>>, vector<1x16xf32>,
      %broadcast_in_dim3A_107 = arith.constant 0.000000e+00 : f32
      %broadcast_in_dim3A_108 = vector.broadcast %broadcast_in_dim3A_107 : f32 to vector<16xf32>
      %swap3A_109 = arith.index_cast %scan3A_59 : i32 to index
      %swap3A_110 = arith.constant 112 : index
      %swap3A_111 = tpu.vector_load %arg10[%swap3A_109, %swap3A_110] {strides = array<i32>} : memref<240x128xf32, #tpu.memory_space<vmem>>, vector<1x16xf32>,
      %swap3A_112 = vector.shape_cast %swap3A_111 : vector<1x16xf32> to vector<16xf32>
      %swap3A_113 = vector.shape_cast %broadcast_in_dim3A_108 : vector<16xf32> to vector<1x16xf32>
      tpu.vector_store %arg10[%swap3A_109, %swap3A_110], %swap3A_113 {strides = array<i32>} : memref<240x128xf32, #tpu.memory_space<vmem>>, vector<1x16xf32>,
    }
    %scan3A_5 = arith.constant 80 : i32
    %mul3A_6 = arith.constant 624 : i32
    %mul3A_7 = arith.muli %arg1, %mul3A_6 : i32
    %add3A_8 = arith.constant 0 : i32
    %add3A_9 = arith.addi %mul3A_7, %add3A_8 : i32
    "tpu.region"() ({
      %run_scoped3A = tpu.sem_alloc : memref<!tpu.dma_semaphore, #tpu.memory_space<semaphore_mem>>
      %dma_start3A = arith.constant 0 : i32
      %dma_start3A_59 = arith.constant 0 : i32
      %dma_start3A_60 = tpu.memref_slice %arg10[%dma_start3A, %dma_start3A_59] : memref<240x128xf32, #tpu.memory_space<vmem>> -> memref<80x128xf32, #tpu.memory_space<vmem>>
      %dma_start3A_61 = arith.constant 0 : i32
      %dma_start3A_62 = tpu.memref_slice %arg11[%add3A_9, %dma_start3A_61] : memref<10000x128xf32, #tpu.memory_space<vmem_shared>> -> memref<80x128xf32, #tpu.memory_space<vmem_shared>>
      %dma_start3A_63 = arith.constant 0 : i32
      %dma_start3A_64 = tpu.memref_slice %arg11[%add3A_9, %dma_start3A_63] : memref<10000x128xf32, #tpu.memory_space<vmem_shared>> -> memref<80x128xf32, #tpu.memory_space<vmem_shared>>
      %dma_start3A_65 = arith.constant 0 : i32
      %dma_start3A_66 = arith.constant 0 : i32
      %dma_start3A_67 = tpu.memref_slice %arg10[%dma_start3A_65, %dma_start3A_66] : memref<240x128xf32, #tpu.memory_space<vmem>> -> memref<80x128xf32, #tpu.memory_space<vmem>>
      tpu.enqueue_dma source(%dma_start3A_67 : memref<80x128xf32, #tpu.memory_space<vmem>>) target(%dma_start3A_64 : memref<80x128xf32, #tpu.memory_space<vmem_shared>>) target_semaphore(%run_scoped3A : memref<!tpu.dma_semaphore, #tpu.memory_space<semaphore_mem>>)
      %dma_wait3A = arith.constant 0 : i32
      %dma_wait3A_68 = arith.constant 0 : i32
      %dma_wait3A_69 = tpu.memref_slice %arg10[%dma_wait3A, %dma_wait3A_68] : memref<240x128xf32, #tpu.memory_space<vmem>> -> memref<80x128xf32, #tpu.memory_space<vmem>>
      %dma_wait3A_70 = arith.constant 0 : i32
      %dma_wait3A_71 = tpu.memref_slice %arg11[%add3A_9, %dma_wait3A_70] : memref<10000x128xf32, #tpu.memory_space<vmem_shared>> -> memref<80x128xf32, #tpu.memory_space<vmem_shared>>
      %dma_wait3A_72 = arith.constant 0 : i32
      %dma_wait3A_73 = tpu.memref_slice %arg11[%add3A_9, %dma_wait3A_72] : memref<10000x128xf32, #tpu.memory_space<vmem_shared>> -> memref<80x128xf32, #tpu.memory_space<vmem_shared>>
      %dma_wait3A_74 = arith.constant 0 : i32
      %dma_wait3A_75 = arith.constant 0 : i32
      %dma_wait3A_76 = tpu.memref_slice %arg10[%dma_wait3A_74, %dma_wait3A_75] : memref<240x128xf32, #tpu.memory_space<vmem>> -> memref<80x128xf32, #tpu.memory_space<vmem>>
      tpu.wait_dma2 semaphore(%run_scoped3A : memref<!tpu.dma_semaphore, #tpu.memory_space<semaphore_mem>>) src(%dma_wait3A_76 : memref<80x128xf32, #tpu.memory_space<vmem>>) dst(%dma_wait3A_73 : memref<80x128xf32, #tpu.memory_space<vmem_shared>>)
      tpu.yield
    }) : () -> ()
    %mul3A_10 = arith.constant 624 : i32
    %mul3A_11 = arith.muli %arg1, %mul3A_10 : i32
    %add3A_12 = arith.constant 80 : i32
    %add3A_13 = arith.addi %mul3A_11, %add3A_12 : i32
    "tpu.region"() ({
      %run_scoped3A = tpu.sem_alloc : memref<!tpu.dma_semaphore, #tpu.memory_space<semaphore_mem>>
      %dma_start3A = arith.constant 0 : i32
      %dma_start3A_59 = arith.constant 0 : i32
      %dma_start3A_60 = tpu.memref_slice %arg10[%dma_start3A, %dma_start3A_59] : memref<240x128xf32, #tpu.memory_space<vmem>> -> memref<80x128xf32, #tpu.memory_space<vmem>>
      %dma_start3A_61 = arith.constant 0 : i32
      %dma_start3A_62 = tpu.memref_slice %arg11[%add3A_13, %dma_start3A_61] : memref<10000x128xf32, #tpu.memory_space<vmem_shared>> -> memref<80x128xf32, #tpu.memory_space<vmem_shared>>
      %dma_start3A_63 = arith.constant 0 : i32
      %dma_start3A_64 = tpu.memref_slice %arg11[%add3A_13, %dma_start3A_63] : memref<10000x128xf32, #tpu.memory_space<vmem_shared>> -> memref<80x128xf32, #tpu.memory_space<vmem_shared>>
      %dma_start3A_65 = arith.constant 0 : i32
      %dma_start3A_66 = arith.constant 0 : i32
      %dma_start3A_67 = tpu.memref_slice %arg10[%dma_start3A_65, %dma_start3A_66] : memref<240x128xf32, #tpu.memory_space<vmem>> -> memref<80x128xf32, #tpu.memory_space<vmem>>
      tpu.enqueue_dma source(%dma_start3A_67 : memref<80x128xf32, #tpu.memory_space<vmem>>) target(%dma_start3A_64 : memref<80x128xf32, #tpu.memory_space<vmem_shared>>) target_semaphore(%run_scoped3A : memref<!tpu.dma_semaphore, #tpu.memory_space<semaphore_mem>>)
      %dma_wait3A = arith.constant 0 : i32
      %dma_wait3A_68 = arith.constant 0 : i32
      %dma_wait3A_69 = tpu.memref_slice %arg10[%dma_wait3A, %dma_wait3A_68] : memref<240x128xf32, #tpu.memory_space<vmem>> -> memref<80x128xf32, #tpu.memory_space<vmem>>
      %dma_wait3A_70 = arith.constant 0 : i32
      %dma_wait3A_71 = tpu.memref_slice %arg11[%add3A_13, %dma_wait3A_70] : memref<10000x128xf32, #tpu.memory_space<vmem_shared>> -> memref<80x128xf32, #tpu.memory_space<vmem_shared>>
      %dma_wait3A_72 = arith.constant 0 : i32
      %dma_wait3A_73 = tpu.memref_slice %arg11[%add3A_13, %dma_wait3A_72] : memref<10000x128xf32, #tpu.memory_space<vmem_shared>> -> memref<80x128xf32, #tpu.memory_space<vmem_shared>>
      %dma_wait3A_74 = arith.constant 0 : i32
      %dma_wait3A_75 = arith.constant 0 : i32
      %dma_wait3A_76 = tpu.memref_slice %arg10[%dma_wait3A_74, %dma_wait3A_75] : memref<240x128xf32, #tpu.memory_space<vmem>> -> memref<80x128xf32, #tpu.memory_space<vmem>>
      tpu.wait_dma2 semaphore(%run_scoped3A : memref<!tpu.dma_semaphore, #tpu.memory_space<semaphore_mem>>) src(%dma_wait3A_76 : memref<80x128xf32, #tpu.memory_space<vmem>>) dst(%dma_wait3A_73 : memref<80x128xf32, #tpu.memory_space<vmem_shared>>)
      tpu.yield
    }) : () -> ()
    %mul3A_14 = arith.constant 624 : i32
    %mul3A_15 = arith.muli %arg1, %mul3A_14 : i32
    %add3A_16 = arith.constant 160 : i32
    %add3A_17 = arith.addi %mul3A_15, %add3A_16 : i32
    "tpu.region"() ({
      %run_scoped3A = tpu.sem_alloc : memref<!tpu.dma_semaphore, #tpu.memory_space<semaphore_mem>>
      %dma_start3A = arith.constant 0 : i32
      %dma_start3A_59 = arith.constant 0 : i32
      %dma_start3A_60 = tpu.memref_slice %arg10[%dma_start3A, %dma_start3A_59] : memref<240x128xf32, #tpu.memory_space<vmem>> -> memref<80x128xf32, #tpu.memory_space<vmem>>
      %dma_start3A_61 = arith.constant 0 : i32
      %dma_start3A_62 = tpu.memref_slice %arg11[%add3A_17, %dma_start3A_61] : memref<10000x128xf32, #tpu.memory_space<vmem_shared>> -> memref<80x128xf32, #tpu.memory_space<vmem_shared>>
      %dma_start3A_63 = arith.constant 0 : i32
      %dma_start3A_64 = tpu.memref_slice %arg11[%add3A_17, %dma_start3A_63] : memref<10000x128xf32, #tpu.memory_space<vmem_shared>> -> memref<80x128xf32, #tpu.memory_space<vmem_shared>>
      %dma_start3A_65 = arith.constant 0 : i32
      %dma_start3A_66 = arith.constant 0 : i32
      %dma_start3A_67 = tpu.memref_slice %arg10[%dma_start3A_65, %dma_start3A_66] : memref<240x128xf32, #tpu.memory_space<vmem>> -> memref<80x128xf32, #tpu.memory_space<vmem>>
      tpu.enqueue_dma source(%dma_start3A_67 : memref<80x128xf32, #tpu.memory_space<vmem>>) target(%dma_start3A_64 : memref<80x128xf32, #tpu.memory_space<vmem_shared>>) target_semaphore(%run_scoped3A : memref<!tpu.dma_semaphore, #tpu.memory_space<semaphore_mem>>)
      %dma_wait3A = arith.constant 0 : i32
      %dma_wait3A_68 = arith.constant 0 : i32
      %dma_wait3A_69 = tpu.memref_slice %arg10[%dma_wait3A, %dma_wait3A_68] : memref<240x128xf32, #tpu.memory_space<vmem>> -> memref<80x128xf32, #tpu.memory_space<vmem>>
      %dma_wait3A_70 = arith.constant 0 : i32
      %dma_wait3A_71 = tpu.memref_slice %arg11[%add3A_17, %dma_wait3A_70] : memref<10000x128xf32, #tpu.memory_space<vmem_shared>> -> memref<80x128xf32, #tpu.memory_space<vmem_shared>>
      %dma_wait3A_72 = arith.constant 0 : i32
      %dma_wait3A_73 = tpu.memref_slice %arg11[%add3A_17, %dma_wait3A_72] : memref<10000x128xf32, #tpu.memory_space<vmem_shared>> -> memref<80x128xf32, #tpu.memory_space<vmem_shared>>
      %dma_wait3A_74 = arith.constant 0 : i32
      %dma_wait3A_75 = arith.constant 0 : i32
      %dma_wait3A_76 = tpu.memref_slice %arg10[%dma_wait3A_74, %dma_wait3A_75] : memref<240x128xf32, #tpu.memory_space<vmem>> -> memref<80x128xf32, #tpu.memory_space<vmem>>
      tpu.wait_dma2 semaphore(%run_scoped3A : memref<!tpu.dma_semaphore, #tpu.memory_space<semaphore_mem>>) src(%dma_wait3A_76 : memref<80x128xf32, #tpu.memory_space<vmem>>) dst(%dma_wait3A_73 : memref<80x128xf32, #tpu.memory_space<vmem_shared>>)
      tpu.yield
    }) : () -> ()
    %mul3A_18 = arith.constant 624 : i32
    %mul3A_19 = arith.muli %arg1, %mul3A_18 : i32
    %add3A_20 = arith.constant 240 : i32
    %add3A_21 = arith.addi %mul3A_19, %add3A_20 : i32
    "tpu.region"() ({
      %run_scoped3A = tpu.sem_alloc : memref<!tpu.dma_semaphore, #tpu.memory_space<semaphore_mem>>
      %dma_start3A = arith.constant 0 : i32
      %dma_start3A_59 = arith.constant 0 : i32
      %dma_start3A_60 = tpu.memref_slice %arg10[%dma_start3A, %dma_start3A_59] : memref<240x128xf32, #tpu.memory_space<vmem>> -> memref<80x128xf32, #tpu.memory_space<vmem>>
      %dma_start3A_61 = arith.constant 0 : i32
      %dma_start3A_62 = tpu.memref_slice %arg11[%add3A_21, %dma_start3A_61] : memref<10000x128xf32, #tpu.memory_space<vmem_shared>> -> memref<80x128xf32, #tpu.memory_space<vmem_shared>>
      %dma_start3A_63 = arith.constant 0 : i32
      %dma_start3A_64 = tpu.memref_slice %arg11[%add3A_21, %dma_start3A_63] : memref<10000x128xf32, #tpu.memory_space<vmem_shared>> -> memref<80x128xf32, #tpu.memory_space<vmem_shared>>
      %dma_start3A_65 = arith.constant 0 : i32
      %dma_start3A_66 = arith.constant 0 : i32
      %dma_start3A_67 = tpu.memref_slice %arg10[%dma_start3A_65, %dma_start3A_66] : memref<240x128xf32, #tpu.memory_space<vmem>> -> memref<80x128xf32, #tpu.memory_space<vmem>>
      tpu.enqueue_dma source(%dma_start3A_67 : memref<80x128xf32, #tpu.memory_space<vmem>>) target(%dma_start3A_64 : memref<80x128xf32, #tpu.memory_space<vmem_shared>>) target_semaphore(%run_scoped3A : memref<!tpu.dma_semaphore, #tpu.memory_space<semaphore_mem>>)
      %dma_wait3A = arith.constant 0 : i32
      %dma_wait3A_68 = arith.constant 0 : i32
      %dma_wait3A_69 = tpu.memref_slice %arg10[%dma_wait3A, %dma_wait3A_68] : memref<240x128xf32, #tpu.memory_space<vmem>> -> memref<80x128xf32, #tpu.memory_space<vmem>>
      %dma_wait3A_70 = arith.constant 0 : i32
      %dma_wait3A_71 = tpu.memref_slice %arg11[%add3A_21, %dma_wait3A_70] : memref<10000x128xf32, #tpu.memory_space<vmem_shared>> -> memref<80x128xf32, #tpu.memory_space<vmem_shared>>
      %dma_wait3A_72 = arith.constant 0 : i32
      %dma_wait3A_73 = tpu.memref_slice %arg11[%add3A_21, %dma_wait3A_72] : memref<10000x128xf32, #tpu.memory_space<vmem_shared>> -> memref<80x128xf32, #tpu.memory_space<vmem_shared>>
      %dma_wait3A_74 = arith.constant 0 : i32
      %dma_wait3A_75 = arith.constant 0 : i32
      %dma_wait3A_76 = tpu.memref_slice %arg10[%dma_wait3A_74, %dma_wait3A_75] : memref<240x128xf32, #tpu.memory_space<vmem>> -> memref<80x128xf32, #tpu.memory_space<vmem>>
      tpu.wait_dma2 semaphore(%run_scoped3A : memref<!tpu.dma_semaphore, #tpu.memory_space<semaphore_mem>>) src(%dma_wait3A_76 : memref<80x128xf32, #tpu.memory_space<vmem>>) dst(%dma_wait3A_73 : memref<80x128xf32, #tpu.memory_space<vmem_shared>>)
      tpu.yield
    }) : () -> ()
    %mul3A_22 = arith.constant 624 : i32
    %mul3A_23 = arith.muli %arg1, %mul3A_22 : i32
    %add3A_24 = arith.constant 320 : i32
    %add3A_25 = arith.addi %mul3A_23, %add3A_24 : i32
    "tpu.region"() ({
      %run_scoped3A = tpu.sem_alloc : memref<!tpu.dma_semaphore, #tpu.memory_space<semaphore_mem>>
      %dma_start3A = arith.constant 0 : i32
      %dma_start3A_59 = arith.constant 0 : i32
      %dma_start3A_60 = tpu.memref_slice %arg10[%dma_start3A, %dma_start3A_59] : memref<240x128xf32, #tpu.memory_space<vmem>> -> memref<80x128xf32, #tpu.memory_space<vmem>>
      %dma_start3A_61 = arith.constant 0 : i32
      %dma_start3A_62 = tpu.memref_slice %arg11[%add3A_25, %dma_start3A_61] : memref<10000x128xf32, #tpu.memory_space<vmem_shared>> -> memref<80x128xf32, #tpu.memory_space<vmem_shared>>
      %dma_start3A_63 = arith.constant 0 : i32
      %dma_start3A_64 = tpu.memref_slice %arg11[%add3A_25, %dma_start3A_63] : memref<10000x128xf32, #tpu.memory_space<vmem_shared>> -> memref<80x128xf32, #tpu.memory_space<vmem_shared>>
      %dma_start3A_65 = arith.constant 0 : i32
      %dma_start3A_66 = arith.constant 0 : i32
      %dma_start3A_67 = tpu.memref_slice %arg10[%dma_start3A_65, %dma_start3A_66] : memref<240x128xf32, #tpu.memory_space<vmem>> -> memref<80x128xf32, #tpu.memory_space<vmem>>
      tpu.enqueue_dma source(%dma_start3A_67 : memref<80x128xf32, #tpu.memory_space<vmem>>) target(%dma_start3A_64 : memref<80x128xf32, #tpu.memory_space<vmem_shared>>) target_semaphore(%run_scoped3A : memref<!tpu.dma_semaphore, #tpu.memory_space<semaphore_mem>>)
      %dma_wait3A = arith.constant 0 : i32
      %dma_wait3A_68 = arith.constant 0 : i32
      %dma_wait3A_69 = tpu.memref_slice %arg10[%dma_wait3A, %dma_wait3A_68] : memref<240x128xf32, #tpu.memory_space<vmem>> -> memref<80x128xf32, #tpu.memory_space<vmem>>
      %dma_wait3A_70 = arith.constant 0 : i32
      %dma_wait3A_71 = tpu.memref_slice %arg11[%add3A_25, %dma_wait3A_70] : memref<10000x128xf32, #tpu.memory_space<vmem_shared>> -> memref<80x128xf32, #tpu.memory_space<vmem_shared>>
      %dma_wait3A_72 = arith.constant 0 : i32
      %dma_wait3A_73 = tpu.memref_slice %arg11[%add3A_25, %dma_wait3A_72] : memref<10000x128xf32, #tpu.memory_space<vmem_shared>> -> memref<80x128xf32, #tpu.memory_space<vmem_shared>>
      %dma_wait3A_74 = arith.constant 0 : i32
      %dma_wait3A_75 = arith.constant 0 : i32
      %dma_wait3A_76 = tpu.memref_slice %arg10[%dma_wait3A_74, %dma_wait3A_75] : memref<240x128xf32, #tpu.memory_space<vmem>> -> memref<80x128xf32, #tpu.memory_space<vmem>>
      tpu.wait_dma2 semaphore(%run_scoped3A : memref<!tpu.dma_semaphore, #tpu.memory_space<semaphore_mem>>) src(%dma_wait3A_76 : memref<80x128xf32, #tpu.memory_space<vmem>>) dst(%dma_wait3A_73 : memref<80x128xf32, #tpu.memory_space<vmem_shared>>)
      tpu.yield
    }) : () -> ()
    %mul3A_26 = arith.constant 624 : i32
    %mul3A_27 = arith.muli %arg1, %mul3A_26 : i32
    %add3A_28 = arith.constant 400 : i32
    %add3A_29 = arith.addi %mul3A_27, %add3A_28 : i32
    "tpu.region"() ({
      %run_scoped3A = tpu.sem_alloc : memref<!tpu.dma_semaphore, #tpu.memory_space<semaphore_mem>>
      %dma_start3A = arith.constant 0 : i32
      %dma_start3A_59 = arith.constant 0 : i32
      %dma_start3A_60 = tpu.memref_slice %arg10[%dma_start3A, %dma_start3A_59] : memref<240x128xf32, #tpu.memory_space<vmem>> -> memref<80x128xf32, #tpu.memory_space<vmem>>
      %dma_start3A_61 = arith.constant 0 : i32
      %dma_start3A_62 = tpu.memref_slice %arg11[%add3A_29, %dma_start3A_61] : memref<10000x128xf32, #tpu.memory_space<vmem_shared>> -> memref<80x128xf32, #tpu.memory_space<vmem_shared>>
      %dma_start3A_63 = arith.constant 0 : i32
      %dma_start3A_64 = tpu.memref_slice %arg11[%add3A_29, %dma_start3A_63] : memref<10000x128xf32, #tpu.memory_space<vmem_shared>> -> memref<80x128xf32, #tpu.memory_space<vmem_shared>>
      %dma_start3A_65 = arith.constant 0 : i32
      %dma_start3A_66 = arith.constant 0 : i32
      %dma_start3A_67 = tpu.memref_slice %arg10[%dma_start3A_65, %dma_start3A_66] : memref<240x128xf32, #tpu.memory_space<vmem>> -> memref<80x128xf32, #tpu.memory_space<vmem>>
      tpu.enqueue_dma source(%dma_start3A_67 : memref<80x128xf32, #tpu.memory_space<vmem>>) target(%dma_start3A_64 : memref<80x128xf32, #tpu.memory_space<vmem_shared>>) target_semaphore(%run_scoped3A : memref<!tpu.dma_semaphore, #tpu.memory_space<semaphore_mem>>)
      %dma_wait3A = arith.constant 0 : i32
      %dma_wait3A_68 = arith.constant 0 : i32
      %dma_wait3A_69 = tpu.memref_slice %arg10[%dma_wait3A, %dma_wait3A_68] : memref<240x128xf32, #tpu.memory_space<vmem>> -> memref<80x128xf32, #tpu.memory_space<vmem>>
      %dma_wait3A_70 = arith.constant 0 : i32
      %dma_wait3A_71 = tpu.memref_slice %arg11[%add3A_29, %dma_wait3A_70] : memref<10000x128xf32, #tpu.memory_space<vmem_shared>> -> memref<80x128xf32, #tpu.memory_space<vmem_shared>>
      %dma_wait3A_72 = arith.constant 0 : i32
      %dma_wait3A_73 = tpu.memref_slice %arg11[%add3A_29, %dma_wait3A_72] : memref<10000x128xf32, #tpu.memory_space<vmem_shared>> -> memref<80x128xf32, #tpu.memory_space<vmem_shared>>
      %dma_wait3A_74 = arith.constant 0 : i32
      %dma_wait3A_75 = arith.constant 0 : i32
      %dma_wait3A_76 = tpu.memref_slice %arg10[%dma_wait3A_74, %dma_wait3A_75] : memref<240x128xf32, #tpu.memory_space<vmem>> -> memref<80x128xf32, #tpu.memory_space<vmem>>
      tpu.wait_dma2 semaphore(%run_scoped3A : memref<!tpu.dma_semaphore, #tpu.memory_space<semaphore_mem>>) src(%dma_wait3A_76 : memref<80x128xf32, #tpu.memory_space<vmem>>) dst(%dma_wait3A_73 : memref<80x128xf32, #tpu.memory_space<vmem_shared>>)
      tpu.yield
    }) : () -> ()
    %mul3A_30 = arith.constant 624 : i32
    %mul3A_31 = arith.muli %arg1, %mul3A_30 : i32
    %add3A_32 = arith.constant 480 : i32
    %add3A_33 = arith.addi %mul3A_31, %add3A_32 : i32
    "tpu.region"() ({
      %run_scoped3A = tpu.sem_alloc : memref<!tpu.dma_semaphore, #tpu.memory_space<semaphore_mem>>
      %dma_start3A = arith.constant 0 : i32
      %dma_start3A_59 = arith.constant 0 : i32
      %dma_start3A_60 = tpu.memref_slice %arg10[%dma_start3A, %dma_start3A_59] : memref<240x128xf32, #tpu.memory_space<vmem>> -> memref<80x128xf32, #tpu.memory_space<vmem>>
      %dma_start3A_61 = arith.constant 0 : i32
      %dma_start3A_62 = tpu.memref_slice %arg11[%add3A_33, %dma_start3A_61] : memref<10000x128xf32, #tpu.memory_space<vmem_shared>> -> memref<80x128xf32, #tpu.memory_space<vmem_shared>>
      %dma_start3A_63 = arith.constant 0 : i32
      %dma_start3A_64 = tpu.memref_slice %arg11[%add3A_33, %dma_start3A_63] : memref<10000x128xf32, #tpu.memory_space<vmem_shared>> -> memref<80x128xf32, #tpu.memory_space<vmem_shared>>
      %dma_start3A_65 = arith.constant 0 : i32
      %dma_start3A_66 = arith.constant 0 : i32
      %dma_start3A_67 = tpu.memref_slice %arg10[%dma_start3A_65, %dma_start3A_66] : memref<240x128xf32, #tpu.memory_space<vmem>> -> memref<80x128xf32, #tpu.memory_space<vmem>>
      tpu.enqueue_dma source(%dma_start3A_67 : memref<80x128xf32, #tpu.memory_space<vmem>>) target(%dma_start3A_64 : memref<80x128xf32, #tpu.memory_space<vmem_shared>>) target_semaphore(%run_scoped3A : memref<!tpu.dma_semaphore, #tpu.memory_space<semaphore_mem>>)
      %dma_wait3A = arith.constant 0 : i32
      %dma_wait3A_68 = arith.constant 0 : i32
      %dma_wait3A_69 = tpu.memref_slice %arg10[%dma_wait3A, %dma_wait3A_68] : memref<240x128xf32, #tpu.memory_space<vmem>> -> memref<80x128xf32, #tpu.memory_space<vmem>>
      %dma_wait3A_70 = arith.constant 0 : i32
      %dma_wait3A_71 = tpu.memref_slice %arg11[%add3A_33, %dma_wait3A_70] : memref<10000x128xf32, #tpu.memory_space<vmem_shared>> -> memref<80x128xf32, #tpu.memory_space<vmem_shared>>
      %dma_wait3A_72 = arith.constant 0 : i32
      %dma_wait3A_73 = tpu.memref_slice %arg11[%add3A_33, %dma_wait3A_72] : memref<10000x128xf32, #tpu.memory_space<vmem_shared>> -> memref<80x128xf32, #tpu.memory_space<vmem_shared>>
      %dma_wait3A_74 = arith.constant 0 : i32
      %dma_wait3A_75 = arith.constant 0 : i32
      %dma_wait3A_76 = tpu.memref_slice %arg10[%dma_wait3A_74, %dma_wait3A_75] : memref<240x128xf32, #tpu.memory_space<vmem>> -> memref<80x128xf32, #tpu.memory_space<vmem>>
      tpu.wait_dma2 semaphore(%run_scoped3A : memref<!tpu.dma_semaphore, #tpu.memory_space<semaphore_mem>>) src(%dma_wait3A_76 : memref<80x128xf32, #tpu.memory_space<vmem>>) dst(%dma_wait3A_73 : memref<80x128xf32, #tpu.memory_space<vmem_shared>>)
      tpu.yield
    }) : () -> ()
    %mul3A_34 = arith.constant 624 : i32
    %mul3A_35 = arith.muli %arg1, %mul3A_34 : i32
    %add3A_36 = arith.constant 560 : i32
    %add3A_37 = arith.addi %mul3A_35, %add3A_36 : i32
    "tpu.region"() ({
      %run_scoped3A = tpu.sem_alloc : memref<!tpu.dma_semaphore, #tpu.memory_space<semaphore_mem>>
      %dma_start3A = arith.constant 0 : i32
      %dma_start3A_59 = arith.constant 0 : i32
      %dma_start3A_60 = tpu.memref_slice %arg10[%dma_start3A, %dma_start3A_59] : memref<240x128xf32, #tpu.memory_space<vmem>> -> memref<64x128xf32, #tpu.memory_space<vmem>>
      %dma_start3A_61 = arith.constant 0 : i32
      %dma_start3A_62 = tpu.memref_slice %arg11[%add3A_37, %dma_start3A_61] : memref<10000x128xf32, #tpu.memory_space<vmem_shared>> -> memref<64x128xf32, #tpu.memory_space<vmem_shared>>
      %dma_start3A_63 = arith.constant 0 : i32
      %dma_start3A_64 = tpu.memref_slice %arg11[%add3A_37, %dma_start3A_63] : memref<10000x128xf32, #tpu.memory_space<vmem_shared>> -> memref<64x128xf32, #tpu.memory_space<vmem_shared>>
      %dma_start3A_65 = arith.constant 0 : i32
      %dma_start3A_66 = arith.constant 0 : i32
      %dma_start3A_67 = tpu.memref_slice %arg10[%dma_start3A_65, %dma_start3A_66] : memref<240x128xf32, #tpu.memory_space<vmem>> -> memref<64x128xf32, #tpu.memory_space<vmem>>
      tpu.enqueue_dma source(%dma_start3A_67 : memref<64x128xf32, #tpu.memory_space<vmem>>) target(%dma_start3A_64 : memref<64x128xf32, #tpu.memory_space<vmem_shared>>) target_semaphore(%run_scoped3A : memref<!tpu.dma_semaphore, #tpu.memory_space<semaphore_mem>>)
      %dma_wait3A = arith.constant 0 : i32
      %dma_wait3A_68 = arith.constant 0 : i32
      %dma_wait3A_69 = tpu.memref_slice %arg10[%dma_wait3A, %dma_wait3A_68] : memref<240x128xf32, #tpu.memory_space<vmem>> -> memref<64x128xf32, #tpu.memory_space<vmem>>
      %dma_wait3A_70 = arith.constant 0 : i32
      %dma_wait3A_71 = tpu.memref_slice %arg11[%add3A_37, %dma_wait3A_70] : memref<10000x128xf32, #tpu.memory_space<vmem_shared>> -> memref<64x128xf32, #tpu.memory_space<vmem_shared>>
      %dma_wait3A_72 = arith.constant 0 : i32
      %dma_wait3A_73 = tpu.memref_slice %arg11[%add3A_37, %dma_wait3A_72] : memref<10000x128xf32, #tpu.memory_space<vmem_shared>> -> memref<64x128xf32, #tpu.memory_space<vmem_shared>>
      %dma_wait3A_74 = arith.constant 0 : i32
      %dma_wait3A_75 = arith.constant 0 : i32
      %dma_wait3A_76 = tpu.memref_slice %arg10[%dma_wait3A_74, %dma_wait3A_75] : memref<240x128xf32, #tpu.memory_space<vmem>> -> memref<64x128xf32, #tpu.memory_space<vmem>>
      tpu.wait_dma2 semaphore(%run_scoped3A : memref<!tpu.dma_semaphore, #tpu.memory_space<semaphore_mem>>) src(%dma_wait3A_76 : memref<64x128xf32, #tpu.memory_space<vmem>>) dst(%dma_wait3A_73 : memref<64x128xf32, #tpu.memory_space<vmem_shared>>)
      tpu.yield
    }) : () -> ()
    %eq3A = arith.constant 15 : i32
    %eq3A_38 = arith.cmpi eq, %arg1, %eq3A : i32
    %convert_element_type3A = arith.extui %eq3A_38 : i1 to i32
    %cond3A = arith.constant 0 : i32
    %cond3A_39 = arith.cmpi ne, %convert_element_type3A, %cond3A : i32
    scf.if %cond3A_39 {
      "tpu.region"() ({
        %run_scoped3A = tpu.sem_alloc : memref<!tpu.dma_semaphore, #tpu.memory_space<semaphore_mem>>
        %dma_start3A = arith.constant 0 : i32
        %dma_start3A_59 = arith.constant 0 : i32
        %dma_start3A_60 = tpu.memref_slice %arg10[%dma_start3A, %dma_start3A_59] : memref<240x128xf32, #tpu.memory_space<vmem>> -> memref<16x128xf32, #tpu.memory_space<vmem>>
        %dma_start3A_61 = arith.constant 9984 : i32
        %dma_start3A_62 = arith.constant 0 : i32
        %dma_start3A_63 = tpu.memref_slice %arg11[%dma_start3A_61, %dma_start3A_62] : memref<10000x128xf32, #tpu.memory_space<vmem_shared>> -> memref<16x128xf32, #tpu.memory_space<vmem_shared>>
        %dma_start3A_64 = arith.constant 9984 : i32
        %dma_start3A_65 = arith.constant 0 : i32
        %dma_start3A_66 = tpu.memref_slice %arg11[%dma_start3A_64, %dma_start3A_65] : memref<10000x128xf32, #tpu.memory_space<vmem_shared>> -> memref<16x128xf32, #tpu.memory_space<vmem_shared>>
        %dma_start3A_67 = arith.constant 0 : i32
        %dma_start3A_68 = arith.constant 0 : i32
        %dma_start3A_69 = tpu.memref_slice %arg10[%dma_start3A_67, %dma_start3A_68] : memref<240x128xf32, #tpu.memory_space<vmem>> -> memref<16x128xf32, #tpu.memory_space<vmem>>
        tpu.enqueue_dma source(%dma_start3A_69 : memref<16x128xf32, #tpu.memory_space<vmem>>) target(%dma_start3A_66 : memref<16x128xf32, #tpu.memory_space<vmem_shared>>) target_semaphore(%run_scoped3A : memref<!tpu.dma_semaphore, #tpu.memory_space<semaphore_mem>>)
        %dma_wait3A = arith.constant 0 : i32
        %dma_wait3A_70 = arith.constant 0 : i32
        %dma_wait3A_71 = tpu.memref_slice %arg10[%dma_wait3A, %dma_wait3A_70] : memref<240x128xf32, #tpu.memory_space<vmem>> -> memref<16x128xf32, #tpu.memory_space<vmem>>
        %dma_wait3A_72 = arith.constant 9984 : i32
        %dma_wait3A_73 = arith.constant 0 : i32
        %dma_wait3A_74 = tpu.memref_slice %arg11[%dma_wait3A_72, %dma_wait3A_73] : memref<10000x128xf32, #tpu.memory_space<vmem_shared>> -> memref<16x128xf32, #tpu.memory_space<vmem_shared>>
        %dma_wait3A_75 = arith.constant 9984 : i32
        %dma_wait3A_76 = arith.constant 0 : i32
        %dma_wait3A_77 = tpu.memref_slice %arg11[%dma_wait3A_75, %dma_wait3A_76] : memref<10000x128xf32, #tpu.memory_space<vmem_shared>> -> memref<16x128xf32, #tpu.memory_space<vmem_shared>>
        %dma_wait3A_78 = arith.constant 0 : i32
        %dma_wait3A_79 = arith.constant 0 : i32
        %dma_wait3A_80 = tpu.memref_slice %arg10[%dma_wait3A_78, %dma_wait3A_79] : memref<240x128xf32, #tpu.memory_space<vmem>> -> memref<16x128xf32, #tpu.memory_space<vmem>>
        tpu.wait_dma2 semaphore(%run_scoped3A : memref<!tpu.dma_semaphore, #tpu.memory_space<semaphore_mem>>) src(%dma_wait3A_80 : memref<16x128xf32, #tpu.memory_space<vmem>>) dst(%dma_wait3A_77 : memref<16x128xf32, #tpu.memory_space<vmem_shared>>)
        tpu.yield
      }) : () -> ()
    } else {
    }
    %barrier3A = arith.constant 0 : index
    tpu.barrier barrier_id(%barrier3A)
    %scan3A_40 = arith.constant 0 : i32
    %scan3A_41 = arith.constant 0 : i32
    %scan3A_42 = arith.constant 5 : i32
    %scan3A_43 = arith.addi %scan3A_41, %scan3A_42 : i32
    %scan3A_44 = arith.constant 1 : i32
    scf.for %scan3A_59 = %scan3A_41 to %scan3A_43 step %scan3A_44  : i32 {
      "tpu.region"() ({
        %run_scoped3A = tpu.sem_alloc : memref<!tpu.dma_semaphore, #tpu.memory_space<semaphore_mem>>
        %dma_start3A_114 = arith.constant 0 : i32
        %dma_start3A_115 = arith.constant 0 : i32
        %dma_start3A_116 = tpu.memref_slice %arg3[%add3A, %scan3A_59, %dma_start3A_114, %dma_start3A_115] : memref<32x5x25x80xi32, #tpu.memory_space<hbm>> -> memref<1x1x25x80xi32, #tpu.memory_space<hbm>>
        %dma_start3A_117 = tpu.memref_squeeze %dma_start3A_116 : memref<1x1x25x80xi32, #tpu.memory_space<hbm>> -> memref<25x80xi32, #tpu.memory_space<hbm>>
        %dma_start3A_118 = arith.constant 0 : i32
        %dma_start3A_119 = arith.constant 0 : i32
        %dma_start3A_120 = tpu.memref_slice %arg3[%add3A, %scan3A_59, %dma_start3A_118, %dma_start3A_119] : memref<32x5x25x80xi32, #tpu.memory_space<hbm>> -> memref<1x1x25x80xi32, #tpu.memory_space<hbm>>
        %dma_start3A_121 = tpu.memref_squeeze %dma_start3A_120 : memref<1x1x25x80xi32, #tpu.memory_space<hbm>> -> memref<25x80xi32, #tpu.memory_space<hbm>>
        tpu.enqueue_dma source(%dma_start3A_121 : memref<25x80xi32, #tpu.memory_space<hbm>>) target(%arg7 : memref<25x80xi32, #tpu.memory_space<vmem>>) target_semaphore(%run_scoped3A : memref<!tpu.dma_semaphore, #tpu.memory_space<semaphore_mem>>)
        %dma_wait3A_122 = arith.constant 0 : i32
        %dma_wait3A_123 = arith.constant 0 : i32
        %dma_wait3A_124 = tpu.memref_slice %arg3[%add3A, %scan3A_59, %dma_wait3A_122, %dma_wait3A_123] : memref<32x5x25x80xi32, #tpu.memory_space<hbm>> -> memref<1x1x25x80xi32, #tpu.memory_space<hbm>>
        %dma_wait3A_125 = tpu.memref_squeeze %dma_wait3A_124 : memref<1x1x25x80xi32, #tpu.memory_space<hbm>> -> memref<25x80xi32, #tpu.memory_space<hbm>>
        %dma_wait3A_126 = arith.constant 0 : i32
        %dma_wait3A_127 = arith.constant 0 : i32
        %dma_wait3A_128 = tpu.memref_slice %arg3[%add3A, %scan3A_59, %dma_wait3A_126, %dma_wait3A_127] : memref<32x5x25x80xi32, #tpu.memory_space<hbm>> -> memref<1x1x25x80xi32, #tpu.memory_space<hbm>>
        %dma_wait3A_129 = tpu.memref_squeeze %dma_wait3A_128 : memref<1x1x25x80xi32, #tpu.memory_space<hbm>> -> memref<25x80xi32, #tpu.memory_space<hbm>>
        tpu.wait_dma2 semaphore(%run_scoped3A : memref<!tpu.dma_semaphore, #tpu.memory_space<semaphore_mem>>) src(%dma_wait3A_129 : memref<25x80xi32, #tpu.memory_space<hbm>>) dst(%arg7 : memref<25x80xi32, #tpu.memory_space<vmem>>)
        tpu.yield
      }) : () -> ()
      "tpu.region"() ({
        %run_scoped3A = tpu.sem_alloc : memref<!tpu.dma_semaphore, #tpu.memory_space<semaphore_mem>>
        %dma_start3A_114 = arith.constant 0 : i32
        %dma_start3A_115 = arith.constant 0 : i32
        %dma_start3A_116 = tpu.memref_slice %arg4[%add3A, %scan3A_59, %dma_start3A_114, %dma_start3A_115] : memref<32x5x25x80xi32, #tpu.memory_space<hbm>> -> memref<1x1x25x80xi32, #tpu.memory_space<hbm>>
        %dma_start3A_117 = tpu.memref_squeeze %dma_start3A_116 : memref<1x1x25x80xi32, #tpu.memory_space<hbm>> -> memref<25x80xi32, #tpu.memory_space<hbm>>
        %dma_start3A_118 = arith.constant 0 : i32
        %dma_start3A_119 = arith.constant 0 : i32
        %dma_start3A_120 = tpu.memref_slice %arg4[%add3A, %scan3A_59, %dma_start3A_118, %dma_start3A_119] : memref<32x5x25x80xi32, #tpu.memory_space<hbm>> -> memref<1x1x25x80xi32, #tpu.memory_space<hbm>>
        %dma_start3A_121 = tpu.memref_squeeze %dma_start3A_120 : memref<1x1x25x80xi32, #tpu.memory_space<hbm>> -> memref<25x80xi32, #tpu.memory_space<hbm>>
        tpu.enqueue_dma source(%dma_start3A_121 : memref<25x80xi32, #tpu.memory_space<hbm>>) target(%arg8 : memref<25x80xi32, #tpu.memory_space<vmem>>) target_semaphore(%run_scoped3A : memref<!tpu.dma_semaphore, #tpu.memory_space<semaphore_mem>>)
        %dma_wait3A_122 = arith.constant 0 : i32
        %dma_wait3A_123 = arith.constant 0 : i32
        %dma_wait3A_124 = tpu.memref_slice %arg4[%add3A, %scan3A_59, %dma_wait3A_122, %dma_wait3A_123] : memref<32x5x25x80xi32, #tpu.memory_space<hbm>> -> memref<1x1x25x80xi32, #tpu.memory_space<hbm>>
        %dma_wait3A_125 = tpu.memref_squeeze %dma_wait3A_124 : memref<1x1x25x80xi32, #tpu.memory_space<hbm>> -> memref<25x80xi32, #tpu.memory_space<hbm>>
        %dma_wait3A_126 = arith.constant 0 : i32
        %dma_wait3A_127 = arith.constant 0 : i32
        %dma_wait3A_128 = tpu.memref_slice %arg4[%add3A, %scan3A_59, %dma_wait3A_126, %dma_wait3A_127] : memref<32x5x25x80xi32, #tpu.memory_space<hbm>> -> memref<1x1x25x80xi32, #tpu.memory_space<hbm>>
        %dma_wait3A_129 = tpu.memref_squeeze %dma_wait3A_128 : memref<1x1x25x80xi32, #tpu.memory_space<hbm>> -> memref<25x80xi32, #tpu.memory_space<hbm>>
        tpu.wait_dma2 semaphore(%run_scoped3A : memref<!tpu.dma_semaphore, #tpu.memory_space<semaphore_mem>>) src(%dma_wait3A_129 : memref<25x80xi32, #tpu.memory_space<hbm>>) dst(%arg8 : memref<25x80xi32, #tpu.memory_space<vmem>>)
        tpu.yield
      }) : () -> ()
      "tpu.region"() ({
        %run_scoped3A = tpu.sem_alloc : memref<!tpu.dma_semaphore, #tpu.memory_space<semaphore_mem>>
        %dma_start3A_114 = arith.constant 0 : i32
        %dma_start3A_115 = arith.constant 0 : i32
        %dma_start3A_116 = tpu.memref_slice %arg5[%add3A, %scan3A_59, %dma_start3A_114, %dma_start3A_115] : memref<32x5x25x80xf32, #tpu.memory_space<hbm>> -> memref<1x1x25x80xf32, #tpu.memory_space<hbm>>
        %dma_start3A_117 = tpu.memref_squeeze %dma_start3A_116 : memref<1x1x25x80xf32, #tpu.memory_space<hbm>> -> memref<25x80xf32, #tpu.memory_space<hbm>>
        %dma_start3A_118 = arith.constant 0 : i32
        %dma_start3A_119 = arith.constant 0 : i32
        %dma_start3A_120 = tpu.memref_slice %arg5[%add3A, %scan3A_59, %dma_start3A_118, %dma_start3A_119] : memref<32x5x25x80xf32, #tpu.memory_space<hbm>> -> memref<1x1x25x80xf32, #tpu.memory_space<hbm>>
        %dma_start3A_121 = tpu.memref_squeeze %dma_start3A_120 : memref<1x1x25x80xf32, #tpu.memory_space<hbm>> -> memref<25x80xf32, #tpu.memory_space<hbm>>
        tpu.enqueue_dma source(%dma_start3A_121 : memref<25x80xf32, #tpu.memory_space<hbm>>) target(%arg9 : memref<25x80xf32, #tpu.memory_space<vmem>>) target_semaphore(%run_scoped3A : memref<!tpu.dma_semaphore, #tpu.memory_space<semaphore_mem>>)
        %dma_wait3A_122 = arith.constant 0 : i32
        %dma_wait3A_123 = arith.constant 0 : i32
        %dma_wait3A_124 = tpu.memref_slice %arg5[%add3A, %scan3A_59, %dma_wait3A_122, %dma_wait3A_123] : memref<32x5x25x80xf32, #tpu.memory_space<hbm>> -> memref<1x1x25x80xf32, #tpu.memory_space<hbm>>
        %dma_wait3A_125 = tpu.memref_squeeze %dma_wait3A_124 : memref<1x1x25x80xf32, #tpu.memory_space<hbm>> -> memref<25x80xf32, #tpu.memory_space<hbm>>
        %dma_wait3A_126 = arith.constant 0 : i32
        %dma_wait3A_127 = arith.constant 0 : i32
        %dma_wait3A_128 = tpu.memref_slice %arg5[%add3A, %scan3A_59, %dma_wait3A_126, %dma_wait3A_127] : memref<32x5x25x80xf32, #tpu.memory_space<hbm>> -> memref<1x1x25x80xf32, #tpu.memory_space<hbm>>
        %dma_wait3A_129 = tpu.memref_squeeze %dma_wait3A_128 : memref<1x1x25x80xf32, #tpu.memory_space<hbm>> -> memref<25x80xf32, #tpu.memory_space<hbm>>
        tpu.wait_dma2 semaphore(%run_scoped3A : memref<!tpu.dma_semaphore, #tpu.memory_space<semaphore_mem>>) src(%dma_wait3A_129 : memref<25x80xf32, #tpu.memory_space<hbm>>) dst(%arg9 : memref<25x80xf32, #tpu.memory_space<vmem>>)
        tpu.yield
      }) : () -> ()
      %dma_start3A = arith.constant 0 : i32
      %dma_start3A_60 = arith.constant 0 : i32
      %dma_start3A_61 = arith.constant 0 : i32
      %dma_start3A_62 = tpu.memref_slice %arg10[%dma_start3A_60, %dma_start3A_61] : memref<240x128xf32, #tpu.memory_space<vmem>> -> memref<40x128xf32, #tpu.memory_space<vmem>>
      %dma_start3A_63 = arith.constant 0 : i32
      %dma_start3A_64 = tpu.memref_slice %arg7[%dma_start3A, %dma_start3A_63] : memref<25x80xi32, #tpu.memory_space<vmem>> -> memref<1x40xi32, #tpu.memory_space<vmem>>
      %dma_start3A_65 = tpu.memref_squeeze %dma_start3A_64 : memref<1x40xi32, #tpu.memory_space<vmem>> -> memref<40xi32, #tpu.memory_space<vmem>>
      %dma_start3A_66 = arith.constant 0 : i32
      %dma_start3A_67 = arith.constant 0 : i32
      %dma_start3A_68 = tpu.memref_slice %arg2[%dma_start3A_66, %dma_start3A_67] : memref<10000x128xf32, #tpu.memory_space<hbm>> -> memref<10000x128xf32, #tpu.memory_space<hbm>>
      tpu.enqueue_indirect_dma source(%dma_start3A_68 : memref<10000x128xf32, #tpu.memory_space<hbm>>) target(%dma_start3A_62 : memref<40x128xf32, #tpu.memory_space<vmem>>) offsets(%dma_start3A_65 : memref<40xi32, #tpu.memory_space<vmem>>) semaphore(%arg12 : memref<!tpu.dma_semaphore, #tpu.memory_space<semaphore_mem>>)
      %dma_start3A_69 = arith.constant 0 : i32
      %dma_start3A_70 = arith.constant 40 : i32
      %dma_start3A_71 = arith.constant 0 : i32
      %dma_start3A_72 = tpu.memref_slice %arg10[%dma_start3A_70, %dma_start3A_71] : memref<240x128xf32, #tpu.memory_space<vmem>> -> memref<40x128xf32, #tpu.memory_space<vmem>>
      %dma_start3A_73 = arith.constant 40 : i32
      %dma_start3A_74 = tpu.memref_slice %arg7[%dma_start3A_69, %dma_start3A_73] : memref<25x80xi32, #tpu.memory_space<vmem>> -> memref<1x40xi32, #tpu.memory_space<vmem>>
      %dma_start3A_75 = tpu.memref_squeeze %dma_start3A_74 : memref<1x40xi32, #tpu.memory_space<vmem>> -> memref<40xi32, #tpu.memory_space<vmem>>
      %dma_start3A_76 = arith.constant 0 : i32
      %dma_start3A_77 = arith.constant 0 : i32
      %dma_start3A_78 = tpu.memref_slice %arg2[%dma_start3A_76, %dma_start3A_77] : memref<10000x128xf32, #tpu.memory_space<hbm>> -> memref<10000x128xf32, #tpu.memory_space<hbm>>
      tpu.enqueue_indirect_dma source(%dma_start3A_78 : memref<10000x128xf32, #tpu.memory_space<hbm>>) target(%dma_start3A_72 : memref<40x128xf32, #tpu.memory_space<vmem>>) offsets(%dma_start3A_75 : memref<40xi32, #tpu.memory_space<vmem>>) semaphore(%arg13 : memref<!tpu.dma_semaphore, #tpu.memory_space<semaphore_mem>>)
      %scan3A_79 = arith.constant 0 : i32
      %scan3A_80 = arith.constant 0 : i32
      %scan3A_81 = arith.constant 25 : i32
      %scan3A_82 = arith.addi %scan3A_80, %scan3A_81 : i32
      %scan3A_83 = arith.constant 1 : i32
      scf.for %scan3A_114 = %scan3A_80 to %scan3A_82 step %scan3A_83  : i32 {
        %rem3A = arith.constant 3 : i32
        %rem3A_115 = arith.remsi %scan3A_114, %rem3A : i32
        %mul3A_116 = arith.constant 80 : i32
        %mul3A_117 = arith.muli %rem3A_115, %mul3A_116 : i32
        %add3A_118 = arith.constant 1 : i32
        %add3A_119 = arith.addi %scan3A_114, %add3A_118 : i32
        %rem3A_120 = arith.constant 3 : i32
        %rem3A_121 = arith.remsi %add3A_119, %rem3A_120 : i32
        %mul3A_122 = arith.constant 80 : i32
        %mul3A_123 = arith.muli %rem3A_121, %mul3A_122 : i32
        %add3A_124 = arith.constant 1 : i32
        %add3A_125 = arith.addi %scan3A_114, %add3A_124 : i32
        %lt3A = arith.constant 25 : i32
        %lt3A_126 = arith.cmpi slt, %add3A_125, %lt3A : i32
        %convert_element_type3A_127 = arith.extui %lt3A_126 : i1 to i32
        %cond3A_128 = arith.constant 0 : i32
        %cond3A_129 = arith.cmpi ne, %convert_element_type3A_127, %cond3A_128 : i32
        scf.if %cond3A_129 {
          %ge3A = arith.constant 2 : i32
          %ge3A_162 = arith.cmpi sge, %scan3A_114, %ge3A : i32
          %convert_element_type3A_163 = arith.extui %ge3A_162 : i1 to i32
          %cond3A_164 = arith.constant 0 : i32
          %cond3A_165 = arith.cmpi ne, %convert_element_type3A_163, %cond3A_164 : i32
          scf.if %cond3A_165 {
            %sub3A = arith.constant 2 : i32
            %sub3A_188 = arith.subi %scan3A_114, %sub3A : i32
            %dma_wait3A_189 = arith.constant 0 : i32
            %dma_wait3A_190 = tpu.memref_slice %arg10[%mul3A_123, %dma_wait3A_189] : memref<240x128xf32, #tpu.memory_space<vmem>> -> memref<80x128xf32, #tpu.memory_space<vmem>>
            %dma_wait3A_191 = arith.constant 0 : i32
            %dma_wait3A_192 = tpu.memref_slice %arg8[%sub3A_188, %dma_wait3A_191] : memref<25x80xi32, #tpu.memory_space<vmem>> -> memref<1x80xi32, #tpu.memory_space<vmem>>
            %dma_wait3A_193 = tpu.memref_squeeze %dma_wait3A_192 : memref<1x80xi32, #tpu.memory_space<vmem>> -> memref<80xi32, #tpu.memory_space<vmem>>
            %dma_wait3A_194 = arith.constant 0 : i32
            %dma_wait3A_195 = arith.constant 0 : i32
            %dma_wait3A_196 = tpu.memref_slice %arg11[%dma_wait3A_194, %dma_wait3A_195] : memref<10000x128xf32, #tpu.memory_space<vmem_shared>> -> memref<10000x128xf32, #tpu.memory_space<vmem_shared>>
            tpu.wait_indirect_dma semaphore(%arg14 : memref<!tpu.dma_semaphore, #tpu.memory_space<semaphore_mem>>) src(%dma_wait3A_190 : memref<80x128xf32, #tpu.memory_space<vmem>>) dst(%dma_wait3A_196 : memref<10000x128xf32, #tpu.memory_space<vmem_shared>>)
          } else {
          }
          %add3A_166 = arith.constant 1 : i32
          %add3A_167 = arith.addi %scan3A_114, %add3A_166 : i32
          %dma_start3A_168 = arith.constant 0 : i32
          %dma_start3A_169 = tpu.memref_slice %arg10[%mul3A_123, %dma_start3A_168] : memref<240x128xf32, #tpu.memory_space<vmem>> -> memref<40x128xf32, #tpu.memory_space<vmem>>
          %dma_start3A_170 = arith.constant 0 : i32
          %dma_start3A_171 = tpu.memref_slice %arg7[%add3A_167, %dma_start3A_170] : memref<25x80xi32, #tpu.memory_space<vmem>> -> memref<1x40xi32, #tpu.memory_space<vmem>>
          %dma_start3A_172 = tpu.memref_squeeze %dma_start3A_171 : memref<1x40xi32, #tpu.memory_space<vmem>> -> memref<40xi32, #tpu.memory_space<vmem>>
          %dma_start3A_173 = arith.constant 0 : i32
          %dma_start3A_174 = arith.constant 0 : i32
          %dma_start3A_175 = tpu.memref_slice %arg2[%dma_start3A_173, %dma_start3A_174] : memref<10000x128xf32, #tpu.memory_space<hbm>> -> memref<10000x128xf32, #tpu.memory_space<hbm>>
          tpu.enqueue_indirect_dma source(%dma_start3A_175 : memref<10000x128xf32, #tpu.memory_space<hbm>>) target(%dma_start3A_169 : memref<40x128xf32, #tpu.memory_space<vmem>>) offsets(%dma_start3A_172 : memref<40xi32, #tpu.memory_space<vmem>>) semaphore(%arg12 : memref<!tpu.dma_semaphore, #tpu.memory_space<semaphore_mem>>)
          %add3A_176 = arith.constant 1 : i32
          %add3A_177 = arith.addi %scan3A_114, %add3A_176 : i32
          %add3A_178 = arith.constant 40 : i32
          %add3A_179 = arith.addi %mul3A_123, %add3A_178 : i32
          %dma_start3A_180 = arith.constant 0 : i32
          %dma_start3A_181 = tpu.memref_slice %arg10[%add3A_179, %dma_start3A_180] : memref<240x128xf32, #tpu.memory_space<vmem>> -> memref<40x128xf32, #tpu.memory_space<vmem>>
          %dma_start3A_182 = arith.constant 40 : i32
          %dma_start3A_183 = tpu.memref_slice %arg7[%add3A_177, %dma_start3A_182] : memref<25x80xi32, #tpu.memory_space<vmem>> -> memref<1x40xi32, #tpu.memory_space<vmem>>
          %dma_start3A_184 = tpu.memref_squeeze %dma_start3A_183 : memref<1x40xi32, #tpu.memory_space<vmem>> -> memref<40xi32, #tpu.memory_space<vmem>>
          %dma_start3A_185 = arith.constant 0 : i32
          %dma_start3A_186 = arith.constant 0 : i32
          %dma_start3A_187 = tpu.memref_slice %arg2[%dma_start3A_185, %dma_start3A_186] : memref<10000x128xf32, #tpu.memory_space<hbm>> -> memref<10000x128xf32, #tpu.memory_space<hbm>>
          tpu.enqueue_indirect_dma source(%dma_start3A_187 : memref<10000x128xf32, #tpu.memory_space<hbm>>) target(%dma_start3A_181 : memref<40x128xf32, #tpu.memory_space<vmem>>) offsets(%dma_start3A_184 : memref<40xi32, #tpu.memory_space<vmem>>) semaphore(%arg13 : memref<!tpu.dma_semaphore, #tpu.memory_space<semaphore_mem>>)
        } else {
        }
        %dma_wait3A_130 = arith.constant 0 : i32
        %dma_wait3A_131 = tpu.memref_slice %arg10[%mul3A_117, %dma_wait3A_130] : memref<240x128xf32, #tpu.memory_space<vmem>> -> memref<40x128xf32, #tpu.memory_space<vmem>>
        %dma_wait3A_132 = arith.constant 0 : i32
        %dma_wait3A_133 = tpu.memref_slice %arg7[%scan3A_114, %dma_wait3A_132] : memref<25x80xi32, #tpu.memory_space<vmem>> -> memref<1x40xi32, #tpu.memory_space<vmem>>
        %dma_wait3A_134 = tpu.memref_squeeze %dma_wait3A_133 : memref<1x40xi32, #tpu.memory_space<vmem>> -> memref<40xi32, #tpu.memory_space<vmem>>
        %dma_wait3A_135 = arith.constant 0 : i32
        %dma_wait3A_136 = arith.constant 0 : i32
        %dma_wait3A_137 = tpu.memref_slice %arg2[%dma_wait3A_135, %dma_wait3A_136] : memref<10000x128xf32, #tpu.memory_space<hbm>> -> memref<10000x128xf32, #tpu.memory_space<hbm>>
        tpu.wait_indirect_dma semaphore(%arg12 : memref<!tpu.dma_semaphore, #tpu.memory_space<semaphore_mem>>) src(%dma_wait3A_137 : memref<10000x128xf32, #tpu.memory_space<hbm>>) dst(%dma_wait3A_131 : memref<40x128xf32, #tpu.memory_space<vmem>>)
        %add3A_138 = arith.constant 40 : i32
        %add3A_139 = arith.addi %mul3A_117, %add3A_138 : i32
        %dma_wait3A_140 = arith.constant 0 : i32
        %dma_wait3A_141 = tpu.memref_slice %arg10[%add3A_139, %dma_wait3A_140] : memref<240x128xf32, #tpu.memory_space<vmem>> -> memref<40x128xf32, #tpu.memory_space<vmem>>
        %dma_wait3A_142 = arith.constant 40 : i32
        %dma_wait3A_143 = tpu.memref_slice %arg7[%scan3A_114, %dma_wait3A_142] : memref<25x80xi32, #tpu.memory_space<vmem>> -> memref<1x40xi32, #tpu.memory_space<vmem>>
        %dma_wait3A_144 = tpu.memref_squeeze %dma_wait3A_143 : memref<1x40xi32, #tpu.memory_space<vmem>> -> memref<40xi32, #tpu.memory_space<vmem>>
        %dma_wait3A_145 = arith.constant 0 : i32
        %dma_wait3A_146 = arith.constant 0 : i32
        %dma_wait3A_147 = tpu.memref_slice %arg2[%dma_wait3A_145, %dma_wait3A_146] : memref<10000x128xf32, #tpu.memory_space<hbm>> -> memref<10000x128xf32, #tpu.memory_space<hbm>>
        tpu.wait_indirect_dma semaphore(%arg13 : memref<!tpu.dma_semaphore, #tpu.memory_space<semaphore_mem>>) src(%dma_wait3A_147 : memref<10000x128xf32, #tpu.memory_space<hbm>>) dst(%dma_wait3A_141 : memref<40x128xf32, #tpu.memory_space<vmem>>)
        %scan3A_148 = arith.constant 0 : i32
        %scan3A_149 = arith.constant 0 : i32
        %scan3A_150 = arith.constant 5 : i32
        %scan3A_151 = arith.addi %scan3A_149, %scan3A_150 : i32
        %scan3A_152 = arith.constant 1 : i32
        scf.for %scan3A_162 = %scan3A_149 to %scan3A_151 step %scan3A_152  : i32 {
          %mul3A_163 = arith.constant 16 : i32
          %mul3A_164 = arith.muli %scan3A_162, %mul3A_163 : i32
          %get3A = arith.index_cast %scan3A_114 : i32 to index
          %get3A_165 = arith.index_cast %mul3A_164 : i32 to index
          %get3A_166 = tpu.vector_load %arg9[%get3A, %get3A_165] {strides = array<i32>} : memref<25x80xf32, #tpu.memory_space<vmem>>, vector<1x16xf32>,
          %get3A_167 = vector.shape_cast %get3A_166 : vector<1x16xf32> to vector<16xf32>
          %slice3A = vector.extract_strided_slice %get3A_167 {offsets = [0], sizes = [1], strides = [1]} : vector<16xf32> to vector<1xf32>
          %squeeze3A = vector.extract %slice3A[0] : f32 from vector<1xf32>
          %mul3A_168 = arith.constant 16 : i32
          %mul3A_169 = arith.muli %scan3A_162, %mul3A_168 : i32
          %add3A_170 = arith.addi %mul3A_117, %mul3A_169 : i32
          %add3A_171 = arith.constant 0 : i32
          %add3A_172 = arith.addi %add3A_170, %add3A_171 : i32
          %get3A_173 = arith.index_cast %add3A_172 : i32 to index
          %get3A_174 = arith.constant 0 : index
          %get3A_175 = tpu.vector_load %arg10[%get3A_173, %get3A_174] {strides = array<i32>} : memref<240x128xf32, #tpu.memory_space<vmem>>, vector<1x16xf32>,
          %get3A_176 = vector.shape_cast %get3A_175 : vector<1x16xf32> to vector<16xf32>
          %mul3A_177 = vector.broadcast %squeeze3A : f32 to vector<16xf32>
          %mul3A_178 = arith.mulf %get3A_176, %mul3A_177 : vector<16xf32>
          %swap3A = arith.index_cast %add3A_172 : i32 to index
          %swap3A_179 = arith.constant 0 : index
          %swap3A_180 = tpu.vector_load %arg10[%swap3A, %swap3A_179] {strides = array<i32>} : memref<240x128xf32, #tpu.memory_space<vmem>>, vector<1x16xf32>,
          %swap3A_181 = vector.shape_cast %swap3A_180 : vector<1x16xf32> to vector<16xf32>
          %swap3A_182 = vector.shape_cast %mul3A_178 : vector<16xf32> to vector<1x16xf32>
          tpu.vector_store %arg10[%swap3A, %swap3A_179], %swap3A_182 {strides = array<i32>} : memref<240x128xf32, #tpu.memory_space<vmem>>, vector<1x16xf32>,
          %get3A_183 = arith.index_cast %add3A_172 : i32 to index
          %get3A_184 = arith.constant 16 : index
          %get3A_185 = tpu.vector_load %arg10[%get3A_183, %get3A_184] {strides = array<i32>} : memref<240x128xf32, #tpu.memory_space<vmem>>, vector<1x16xf32>,
          %get3A_186 = vector.shape_cast %get3A_185 : vector<1x16xf32> to vector<16xf32>
          %mul3A_187 = vector.broadcast %squeeze3A : f32 to vector<16xf32>
          %mul3A_188 = arith.mulf %get3A_186, %mul3A_187 : vector<16xf32>
          %swap3A_189 = arith.index_cast %add3A_172 : i32 to index
          %swap3A_190 = arith.constant 16 : index
          %swap3A_191 = tpu.vector_load %arg10[%swap3A_189, %swap3A_190] {strides = array<i32>} : memref<240x128xf32, #tpu.memory_space<vmem>>, vector<1x16xf32>,
          %swap3A_192 = vector.shape_cast %swap3A_191 : vector<1x16xf32> to vector<16xf32>
          %swap3A_193 = vector.shape_cast %mul3A_188 : vector<16xf32> to vector<1x16xf32>
          tpu.vector_store %arg10[%swap3A_189, %swap3A_190], %swap3A_193 {strides = array<i32>} : memref<240x128xf32, #tpu.memory_space<vmem>>, vector<1x16xf32>,
          %get3A_194 = arith.index_cast %add3A_172 : i32 to index
          %get3A_195 = arith.constant 32 : index
          %get3A_196 = tpu.vector_load %arg10[%get3A_194, %get3A_195] {strides = array<i32>} : memref<240x128xf32, #tpu.memory_space<vmem>>, vector<1x16xf32>,
          %get3A_197 = vector.shape_cast %get3A_196 : vector<1x16xf32> to vector<16xf32>
          %mul3A_198 = vector.broadcast %squeeze3A : f32 to vector<16xf32>
          %mul3A_199 = arith.mulf %get3A_197, %mul3A_198 : vector<16xf32>
          %swap3A_200 = arith.index_cast %add3A_172 : i32 to index
          %swap3A_201 = arith.constant 32 : index
          %swap3A_202 = tpu.vector_load %arg10[%swap3A_200, %swap3A_201] {strides = array<i32>} : memref<240x128xf32, #tpu.memory_space<vmem>>, vector<1x16xf32>,
          %swap3A_203 = vector.shape_cast %swap3A_202 : vector<1x16xf32> to vector<16xf32>
          %swap3A_204 = vector.shape_cast %mul3A_199 : vector<16xf32> to vector<1x16xf32>
          tpu.vector_store %arg10[%swap3A_200, %swap3A_201], %swap3A_204 {strides = array<i32>} : memref<240x128xf32, #tpu.memory_space<vmem>>, vector<1x16xf32>,
          %get3A_205 = arith.index_cast %add3A_172 : i32 to index
          %get3A_206 = arith.constant 48 : index
          %get3A_207 = tpu.vector_load %arg10[%get3A_205, %get3A_206] {strides = array<i32>} : memref<240x128xf32, #tpu.memory_space<vmem>>, vector<1x16xf32>,
          %get3A_208 = vector.shape_cast %get3A_207 : vector<1x16xf32> to vector<16xf32>
          %mul3A_209 = vector.broadcast %squeeze3A : f32 to vector<16xf32>
          %mul3A_210 = arith.mulf %get3A_208, %mul3A_209 : vector<16xf32>
          %swap3A_211 = arith.index_cast %add3A_172 : i32 to index
          %swap3A_212 = arith.constant 48 : index
          %swap3A_213 = tpu.vector_load %arg10[%swap3A_211, %swap3A_212] {strides = array<i32>} : memref<240x128xf32, #tpu.memory_space<vmem>>, vector<1x16xf32>,
          %swap3A_214 = vector.shape_cast %swap3A_213 : vector<1x16xf32> to vector<16xf32>
          %swap3A_215 = vector.shape_cast %mul3A_210 : vector<16xf32> to vector<1x16xf32>
          tpu.vector_store %arg10[%swap3A_211, %swap3A_212], %swap3A_215 {strides = array<i32>} : memref<240x128xf32, #tpu.memory_space<vmem>>, vector<1x16xf32>,
          %get3A_216 = arith.index_cast %add3A_172 : i32 to index
          %get3A_217 = arith.constant 64 : index
          %get3A_218 = tpu.vector_load %arg10[%get3A_216, %get3A_217] {strides = array<i32>} : memref<240x128xf32, #tpu.memory_space<vmem>>, vector<1x16xf32>,
          %get3A_219 = vector.shape_cast %get3A_218 : vector<1x16xf32> to vector<16xf32>
          %mul3A_220 = vector.broadcast %squeeze3A : f32 to vector<16xf32>
          %mul3A_221 = arith.mulf %get3A_219, %mul3A_220 : vector<16xf32>
          %swap3A_222 = arith.index_cast %add3A_172 : i32 to index
          %swap3A_223 = arith.constant 64 : index
          %swap3A_224 = tpu.vector_load %arg10[%swap3A_222, %swap3A_223] {strides = array<i32>} : memref<240x128xf32, #tpu.memory_space<vmem>>, vector<1x16xf32>,
          %swap3A_225 = vector.shape_cast %swap3A_224 : vector<1x16xf32> to vector<16xf32>
          %swap3A_226 = vector.shape_cast %mul3A_221 : vector<16xf32> to vector<1x16xf32>
          tpu.vector_store %arg10[%swap3A_222, %swap3A_223], %swap3A_226 {strides = array<i32>} : memref<240x128xf32, #tpu.memory_space<vmem>>, vector<1x16xf32>,
          %get3A_227 = arith.index_cast %add3A_172 : i32 to index
          %get3A_228 = arith.constant 80 : index
          %get3A_229 = tpu.vector_load %arg10[%get3A_227, %get3A_228] {strides = array<i32>} : memref<240x128xf32, #tpu.memory_space<vmem>>, vector<1x16xf32>,
          %get3A_230 = vector.shape_cast %get3A_229 : vector<1x16xf32> to vector<16xf32>
          %mul3A_231 = vector.broadcast %squeeze3A : f32 to vector<16xf32>
          %mul3A_232 = arith.mulf %get3A_230, %mul3A_231 : vector<16xf32>
          %swap3A_233 = arith.index_cast %add3A_172 : i32 to index
          %swap3A_234 = arith.constant 80 : index
          %swap3A_235 = tpu.vector_load %arg10[%swap3A_233, %swap3A_234] {strides = array<i32>} : memref<240x128xf32, #tpu.memory_space<vmem>>, vector<1x16xf32>,
          %swap3A_236 = vector.shape_cast %swap3A_235 : vector<1x16xf32> to vector<16xf32>
          %swap3A_237 = vector.shape_cast %mul3A_232 : vector<16xf32> to vector<1x16xf32>
          tpu.vector_store %arg10[%swap3A_233, %swap3A_234], %swap3A_237 {strides = array<i32>} : memref<240x128xf32, #tpu.memory_space<vmem>>, vector<1x16xf32>,
          %get3A_238 = arith.index_cast %add3A_172 : i32 to index
          %get3A_239 = arith.constant 96 : index
          %get3A_240 = tpu.vector_load %arg10[%get3A_238, %get3A_239] {strides = array<i32>} : memref<240x128xf32, #tpu.memory_space<vmem>>, vector<1x16xf32>,
          %get3A_241 = vector.shape_cast %get3A_240 : vector<1x16xf32> to vector<16xf32>
          %mul3A_242 = vector.broadcast %squeeze3A : f32 to vector<16xf32>
          %mul3A_243 = arith.mulf %get3A_241, %mul3A_242 : vector<16xf32>
          %swap3A_244 = arith.index_cast %add3A_172 : i32 to index
          %swap3A_245 = arith.constant 96 : index
          %swap3A_246 = tpu.vector_load %arg10[%swap3A_244, %swap3A_245] {strides = array<i32>} : memref<240x128xf32, #tpu.memory_space<vmem>>, vector<1x16xf32>,
          %swap3A_247 = vector.shape_cast %swap3A_246 : vector<1x16xf32> to vector<16xf32>
          %swap3A_248 = vector.shape_cast %mul3A_243 : vector<16xf32> to vector<1x16xf32>
          tpu.vector_store %arg10[%swap3A_244, %swap3A_245], %swap3A_248 {strides = array<i32>} : memref<240x128xf32, #tpu.memory_space<vmem>>, vector<1x16xf32>,
          %get3A_249 = arith.index_cast %add3A_172 : i32 to index
          %get3A_250 = arith.constant 112 : index
          %get3A_251 = tpu.vector_load %arg10[%get3A_249, %get3A_250] {strides = array<i32>} : memref<240x128xf32, #tpu.memory_space<vmem>>, vector<1x16xf32>,
          %get3A_252 = vector.shape_cast %get3A_251 : vector<1x16xf32> to vector<16xf32>
          %mul3A_253 = vector.broadcast %squeeze3A : f32 to vector<16xf32>
          %mul3A_254 = arith.mulf %get3A_252, %mul3A_253 : vector<16xf32>
          %swap3A_255 = arith.index_cast %add3A_172 : i32 to index
          %swap3A_256 = arith.constant 112 : index
          %swap3A_257 = tpu.vector_load %arg10[%swap3A_255, %swap3A_256] {strides = array<i32>} : memref<240x128xf32, #tpu.memory_space<vmem>>, vector<1x16xf32>,
          %swap3A_258 = vector.shape_cast %swap3A_257 : vector<1x16xf32> to vector<16xf32>
          %swap3A_259 = vector.shape_cast %mul3A_254 : vector<16xf32> to vector<1x16xf32>
          tpu.vector_store %arg10[%swap3A_255, %swap3A_256], %swap3A_259 {strides = array<i32>} : memref<240x128xf32, #tpu.memory_space<vmem>>, vector<1x16xf32>,
          %slice3A_260 = vector.extract_strided_slice %get3A_167 {offsets = [1], sizes = [1], strides = [1]} : vector<16xf32> to vector<1xf32>
          %squeeze3A_261 = vector.extract %slice3A_260[0] : f32 from vector<1xf32>
          %mul3A_262 = arith.constant 16 : i32
          %mul3A_263 = arith.muli %scan3A_162, %mul3A_262 : i32
          %add3A_264 = arith.addi %mul3A_117, %mul3A_263 : i32
          %add3A_265 = arith.constant 1 : i32
          %add3A_266 = arith.addi %add3A_264, %add3A_265 : i32
          %get3A_267 = arith.index_cast %add3A_266 : i32 to index
          %get3A_268 = arith.constant 0 : index
          %get3A_269 = tpu.vector_load %arg10[%get3A_267, %get3A_268] {strides = array<i32>} : memref<240x128xf32, #tpu.memory_space<vmem>>, vector<1x16xf32>,
          %get3A_270 = vector.shape_cast %get3A_269 : vector<1x16xf32> to vector<16xf32>
          %mul3A_271 = vector.broadcast %squeeze3A_261 : f32 to vector<16xf32>
          %mul3A_272 = arith.mulf %get3A_270, %mul3A_271 : vector<16xf32>
          %swap3A_273 = arith.index_cast %add3A_266 : i32 to index
          %swap3A_274 = arith.constant 0 : index
          %swap3A_275 = tpu.vector_load %arg10[%swap3A_273, %swap3A_274] {strides = array<i32>} : memref<240x128xf32, #tpu.memory_space<vmem>>, vector<1x16xf32>,
          %swap3A_276 = vector.shape_cast %swap3A_275 : vector<1x16xf32> to vector<16xf32>
          %swap3A_277 = vector.shape_cast %mul3A_272 : vector<16xf32> to vector<1x16xf32>
          tpu.vector_store %arg10[%swap3A_273, %swap3A_274], %swap3A_277 {strides = array<i32>} : memref<240x128xf32, #tpu.memory_space<vmem>>, vector<1x16xf32>,
          %get3A_278 = arith.index_cast %add3A_266 : i32 to index
          %get3A_279 = arith.constant 16 : index
          %get3A_280 = tpu.vector_load %arg10[%get3A_278, %get3A_279] {strides = array<i32>} : memref<240x128xf32, #tpu.memory_space<vmem>>, vector<1x16xf32>,
          %get3A_281 = vector.shape_cast %get3A_280 : vector<1x16xf32> to vector<16xf32>
          %mul3A_282 = vector.broadcast %squeeze3A_261 : f32 to vector<16xf32>
          %mul3A_283 = arith.mulf %get3A_281, %mul3A_282 : vector<16xf32>
          %swap3A_284 = arith.index_cast %add3A_266 : i32 to index
          %swap3A_285 = arith.constant 16 : index
          %swap3A_286 = tpu.vector_load %arg10[%swap3A_284, %swap3A_285] {strides = array<i32>} : memref<240x128xf32, #tpu.memory_space<vmem>>, vector<1x16xf32>,
          %swap3A_287 = vector.shape_cast %swap3A_286 : vector<1x16xf32> to vector<16xf32>
          %swap3A_288 = vector.shape_cast %mul3A_283 : vector<16xf32> to vector<1x16xf32>
          tpu.vector_store %arg10[%swap3A_284, %swap3A_285], %swap3A_288 {strides = array<i32>} : memref<240x128xf32, #tpu.memory_space<vmem>>, vector<1x16xf32>,
          %get3A_289 = arith.index_cast %add3A_266 : i32 to index
          %get3A_290 = arith.constant 32 : index
          %get3A_291 = tpu.vector_load %arg10[%get3A_289, %get3A_290] {strides = array<i32>} : memref<240x128xf32, #tpu.memory_space<vmem>>, vector<1x16xf32>,
          %get3A_292 = vector.shape_cast %get3A_291 : vector<1x16xf32> to vector<16xf32>
          %mul3A_293 = vector.broadcast %squeeze3A_261 : f32 to vector<16xf32>
          %mul3A_294 = arith.mulf %get3A_292, %mul3A_293 : vector<16xf32>
          %swap3A_295 = arith.index_cast %add3A_266 : i32 to index
          %swap3A_296 = arith.constant 32 : index
          %swap3A_297 = tpu.vector_load %arg10[%swap3A_295, %swap3A_296] {strides = array<i32>} : memref<240x128xf32, #tpu.memory_space<vmem>>, vector<1x16xf32>,
          %swap3A_298 = vector.shape_cast %swap3A_297 : vector<1x16xf32> to vector<16xf32>
          %swap3A_299 = vector.shape_cast %mul3A_294 : vector<16xf32> to vector<1x16xf32>
          tpu.vector_store %arg10[%swap3A_295, %swap3A_296], %swap3A_299 {strides = array<i32>} : memref<240x128xf32, #tpu.memory_space<vmem>>, vector<1x16xf32>,
          %get3A_300 = arith.index_cast %add3A_266 : i32 to index
          %get3A_301 = arith.constant 48 : index
          %get3A_302 = tpu.vector_load %arg10[%get3A_300, %get3A_301] {strides = array<i32>} : memref<240x128xf32, #tpu.memory_space<vmem>>, vector<1x16xf32>,
          %get3A_303 = vector.shape_cast %get3A_302 : vector<1x16xf32> to vector<16xf32>
          %mul3A_304 = vector.broadcast %squeeze3A_261 : f32 to vector<16xf32>
          %mul3A_305 = arith.mulf %get3A_303, %mul3A_304 : vector<16xf32>
          %swap3A_306 = arith.index_cast %add3A_266 : i32 to index
          %swap3A_307 = arith.constant 48 : index
          %swap3A_308 = tpu.vector_load %arg10[%swap3A_306, %swap3A_307] {strides = array<i32>} : memref<240x128xf32, #tpu.memory_space<vmem>>, vector<1x16xf32>,
          %swap3A_309 = vector.shape_cast %swap3A_308 : vector<1x16xf32> to vector<16xf32>
          %swap3A_310 = vector.shape_cast %mul3A_305 : vector<16xf32> to vector<1x16xf32>
          tpu.vector_store %arg10[%swap3A_306, %swap3A_307], %swap3A_310 {strides = array<i32>} : memref<240x128xf32, #tpu.memory_space<vmem>>, vector<1x16xf32>,
          %get3A_311 = arith.index_cast %add3A_266 : i32 to index
          %get3A_312 = arith.constant 64 : index
          %get3A_313 = tpu.vector_load %arg10[%get3A_311, %get3A_312] {strides = array<i32>} : memref<240x128xf32, #tpu.memory_space<vmem>>, vector<1x16xf32>,
          %get3A_314 = vector.shape_cast %get3A_313 : vector<1x16xf32> to vector<16xf32>
          %mul3A_315 = vector.broadcast %squeeze3A_261 : f32 to vector<16xf32>
          %mul3A_316 = arith.mulf %get3A_314, %mul3A_315 : vector<16xf32>
          %swap3A_317 = arith.index_cast %add3A_266 : i32 to index
          %swap3A_318 = arith.constant 64 : index
          %swap3A_319 = tpu.vector_load %arg10[%swap3A_317, %swap3A_318] {strides = array<i32>} : memref<240x128xf32, #tpu.memory_space<vmem>>, vector<1x16xf32>,
          %swap3A_320 = vector.shape_cast %swap3A_319 : vector<1x16xf32> to vector<16xf32>
          %swap3A_321 = vector.shape_cast %mul3A_316 : vector<16xf32> to vector<1x16xf32>
          tpu.vector_store %arg10[%swap3A_317, %swap3A_318], %swap3A_321 {strides = array<i32>} : memref<240x128xf32, #tpu.memory_space<vmem>>, vector<1x16xf32>,
          %get3A_322 = arith.index_cast %add3A_266 : i32 to index
          %get3A_323 = arith.constant 80 : index
          %get3A_324 = tpu.vector_load %arg10[%get3A_322, %get3A_323] {strides = array<i32>} : memref<240x128xf32, #tpu.memory_space<vmem>>, vector<1x16xf32>,
          %get3A_325 = vector.shape_cast %get3A_324 : vector<1x16xf32> to vector<16xf32>
          %mul3A_326 = vector.broadcast %squeeze3A_261 : f32 to vector<16xf32>
          %mul3A_327 = arith.mulf %get3A_325, %mul3A_326 : vector<16xf32>
          %swap3A_328 = arith.index_cast %add3A_266 : i32 to index
          %swap3A_329 = arith.constant 80 : index
          %swap3A_330 = tpu.vector_load %arg10[%swap3A_328, %swap3A_329] {strides = array<i32>} : memref<240x128xf32, #tpu.memory_space<vmem>>, vector<1x16xf32>,
          %swap3A_331 = vector.shape_cast %swap3A_330 : vector<1x16xf32> to vector<16xf32>
          %swap3A_332 = vector.shape_cast %mul3A_327 : vector<16xf32> to vector<1x16xf32>
          tpu.vector_store %arg10[%swap3A_328, %swap3A_329], %swap3A_332 {strides = array<i32>} : memref<240x128xf32, #tpu.memory_space<vmem>>, vector<1x16xf32>,
          %get3A_333 = arith.index_cast %add3A_266 : i32 to index
          %get3A_334 = arith.constant 96 : index
          %get3A_335 = tpu.vector_load %arg10[%get3A_333, %get3A_334] {strides = array<i32>} : memref<240x128xf32, #tpu.memory_space<vmem>>, vector<1x16xf32>,
          %get3A_336 = vector.shape_cast %get3A_335 : vector<1x16xf32> to vector<16xf32>
          %mul3A_337 = vector.broadcast %squeeze3A_261 : f32 to vector<16xf32>
          %mul3A_338 = arith.mulf %get3A_336, %mul3A_337 : vector<16xf32>
          %swap3A_339 = arith.index_cast %add3A_266 : i32 to index
          %swap3A_340 = arith.constant 96 : index
          %swap3A_341 = tpu.vector_load %arg10[%swap3A_339, %swap3A_340] {strides = array<i32>} : memref<240x128xf32, #tpu.memory_space<vmem>>, vector<1x16xf32>,
          %swap3A_342 = vector.shape_cast %swap3A_341 : vector<1x16xf32> to vector<16xf32>
          %swap3A_343 = vector.shape_cast %mul3A_338 : vector<16xf32> to vector<1x16xf32>
          tpu.vector_store %arg10[%swap3A_339, %swap3A_340], %swap3A_343 {strides = array<i32>} : memref<240x128xf32, #tpu.memory_space<vmem>>, vector<1x16xf32>,
          %get3A_344 = arith.index_cast %add3A_266 : i32 to index
          %get3A_345 = arith.constant 112 : index
          %get3A_346 = tpu.vector_load %arg10[%get3A_344, %get3A_345] {strides = array<i32>} : memref<240x128xf32, #tpu.memory_space<vmem>>, vector<1x16xf32>,
          %get3A_347 = vector.shape_cast %get3A_346 : vector<1x16xf32> to vector<16xf32>
          %mul3A_348 = vector.broadcast %squeeze3A_261 : f32 to vector<16xf32>
          %mul3A_349 = arith.mulf %get3A_347, %mul3A_348 : vector<16xf32>
          %swap3A_350 = arith.index_cast %add3A_266 : i32 to index
          %swap3A_351 = arith.constant 112 : index
          %swap3A_352 = tpu.vector_load %arg10[%swap3A_350, %swap3A_351] {strides = array<i32>} : memref<240x128xf32, #tpu.memory_space<vmem>>, vector<1x16xf32>,
          %swap3A_353 = vector.shape_cast %swap3A_352 : vector<1x16xf32> to vector<16xf32>
          %swap3A_354 = vector.shape_cast %mul3A_349 : vector<16xf32> to vector<1x16xf32>
          tpu.vector_store %arg10[%swap3A_350, %swap3A_351], %swap3A_354 {strides = array<i32>} : memref<240x128xf32, #tpu.memory_space<vmem>>, vector<1x16xf32>,
          %slice3A_355 = vector.extract_strided_slice %get3A_167 {offsets = [2], sizes = [1], strides = [1]} : vector<16xf32> to vector<1xf32>
          %squeeze3A_356 = vector.extract %slice3A_355[0] : f32 from vector<1xf32>
          %mul3A_357 = arith.constant 16 : i32
          %mul3A_358 = arith.muli %scan3A_162, %mul3A_357 : i32
          %add3A_359 = arith.addi %mul3A_117, %mul3A_358 : i32
          %add3A_360 = arith.constant 2 : i32
          %add3A_361 = arith.addi %add3A_359, %add3A_360 : i32
          %get3A_362 = arith.index_cast %add3A_361 : i32 to index
          %get3A_363 = arith.constant 0 : index
          %get3A_364 = tpu.vector_load %arg10[%get3A_362, %get3A_363] {strides = array<i32>} : memref<240x128xf32, #tpu.memory_space<vmem>>, vector<1x16xf32>,
          %get3A_365 = vector.shape_cast %get3A_364 : vector<1x16xf32> to vector<16xf32>
          %mul3A_366 = vector.broadcast %squeeze3A_356 : f32 to vector<16xf32>
          %mul3A_367 = arith.mulf %get3A_365, %mul3A_366 : vector<16xf32>
          %swap3A_368 = arith.index_cast %add3A_361 : i32 to index
          %swap3A_369 = arith.constant 0 : index
          %swap3A_370 = tpu.vector_load %arg10[%swap3A_368, %swap3A_369] {strides = array<i32>} : memref<240x128xf32, #tpu.memory_space<vmem>>, vector<1x16xf32>,
          %swap3A_371 = vector.shape_cast %swap3A_370 : vector<1x16xf32> to vector<16xf32>
          %swap3A_372 = vector.shape_cast %mul3A_367 : vector<16xf32> to vector<1x16xf32>
          tpu.vector_store %arg10[%swap3A_368, %swap3A_369], %swap3A_372 {strides = array<i32>} : memref<240x128xf32, #tpu.memory_space<vmem>>, vector<1x16xf32>,
          %get3A_373 = arith.index_cast %add3A_361 : i32 to index
          %get3A_374 = arith.constant 16 : index
          %get3A_375 = tpu.vector_load %arg10[%get3A_373, %get3A_374] {strides = array<i32>} : memref<240x128xf32, #tpu.memory_space<vmem>>, vector<1x16xf32>,
          %get3A_376 = vector.shape_cast %get3A_375 : vector<1x16xf32> to vector<16xf32>
          %mul3A_377 = vector.broadcast %squeeze3A_356 : f32 to vector<16xf32>
          %mul3A_378 = arith.mulf %get3A_376, %mul3A_377 : vector<16xf32>
          %swap3A_379 = arith.index_cast %add3A_361 : i32 to index
          %swap3A_380 = arith.constant 16 : index
          %swap3A_381 = tpu.vector_load %arg10[%swap3A_379, %swap3A_380] {strides = array<i32>} : memref<240x128xf32, #tpu.memory_space<vmem>>, vector<1x16xf32>,
          %swap3A_382 = vector.shape_cast %swap3A_381 : vector<1x16xf32> to vector<16xf32>
          %swap3A_383 = vector.shape_cast %mul3A_378 : vector<16xf32> to vector<1x16xf32>
          tpu.vector_store %arg10[%swap3A_379, %swap3A_380], %swap3A_383 {strides = array<i32>} : memref<240x128xf32, #tpu.memory_space<vmem>>, vector<1x16xf32>,
          %get3A_384 = arith.index_cast %add3A_361 : i32 to index
          %get3A_385 = arith.constant 32 : index
          %get3A_386 = tpu.vector_load %arg10[%get3A_384, %get3A_385] {strides = array<i32>} : memref<240x128xf32, #tpu.memory_space<vmem>>, vector<1x16xf32>,
          %get3A_387 = vector.shape_cast %get3A_386 : vector<1x16xf32> to vector<16xf32>
          %mul3A_388 = vector.broadcast %squeeze3A_356 : f32 to vector<16xf32>
          %mul3A_389 = arith.mulf %get3A_387, %mul3A_388 : vector<16xf32>
          %swap3A_390 = arith.index_cast %add3A_361 : i32 to index
          %swap3A_391 = arith.constant 32 : index
          %swap3A_392 = tpu.vector_load %arg10[%swap3A_390, %swap3A_391] {strides = array<i32>} : memref<240x128xf32, #tpu.memory_space<vmem>>, vector<1x16xf32>,
          %swap3A_393 = vector.shape_cast %swap3A_392 : vector<1x16xf32> to vector<16xf32>
          %swap3A_394 = vector.shape_cast %mul3A_389 : vector<16xf32> to vector<1x16xf32>
          tpu.vector_store %arg10[%swap3A_390, %swap3A_391], %swap3A_394 {strides = array<i32>} : memref<240x128xf32, #tpu.memory_space<vmem>>, vector<1x16xf32>,
          %get3A_395 = arith.index_cast %add3A_361 : i32 to index
          %get3A_396 = arith.constant 48 : index
          %get3A_397 = tpu.vector_load %arg10[%get3A_395, %get3A_396] {strides = array<i32>} : memref<240x128xf32, #tpu.memory_space<vmem>>, vector<1x16xf32>,
          %get3A_398 = vector.shape_cast %get3A_397 : vector<1x16xf32> to vector<16xf32>
          %mul3A_399 = vector.broadcast %squeeze3A_356 : f32 to vector<16xf32>
          %mul3A_400 = arith.mulf %get3A_398, %mul3A_399 : vector<16xf32>
          %swap3A_401 = arith.index_cast %add3A_361 : i32 to index
          %swap3A_402 = arith.constant 48 : index
          %swap3A_403 = tpu.vector_load %arg10[%swap3A_401, %swap3A_402] {strides = array<i32>} : memref<240x128xf32, #tpu.memory_space<vmem>>, vector<1x16xf32>,
          %swap3A_404 = vector.shape_cast %swap3A_403 : vector<1x16xf32> to vector<16xf32>
          %swap3A_405 = vector.shape_cast %mul3A_400 : vector<16xf32> to vector<1x16xf32>
          tpu.vector_store %arg10[%swap3A_401, %swap3A_402], %swap3A_405 {strides = array<i32>} : memref<240x128xf32, #tpu.memory_space<vmem>>, vector<1x16xf32>,
          %get3A_406 = arith.index_cast %add3A_361 : i32 to index
          %get3A_407 = arith.constant 64 : index
          %get3A_408 = tpu.vector_load %arg10[%get3A_406, %get3A_407] {strides = array<i32>} : memref<240x128xf32, #tpu.memory_space<vmem>>, vector<1x16xf32>,
          %get3A_409 = vector.shape_cast %get3A_408 : vector<1x16xf32> to vector<16xf32>
          %mul3A_410 = vector.broadcast %squeeze3A_356 : f32 to vector<16xf32>
          %mul3A_411 = arith.mulf %get3A_409, %mul3A_410 : vector<16xf32>
          %swap3A_412 = arith.index_cast %add3A_361 : i32 to index
          %swap3A_413 = arith.constant 64 : index
          %swap3A_414 = tpu.vector_load %arg10[%swap3A_412, %swap3A_413] {strides = array<i32>} : memref<240x128xf32, #tpu.memory_space<vmem>>, vector<1x16xf32>,
          %swap3A_415 = vector.shape_cast %swap3A_414 : vector<1x16xf32> to vector<16xf32>
          %swap3A_416 = vector.shape_cast %mul3A_411 : vector<16xf32> to vector<1x16xf32>
          tpu.vector_store %arg10[%swap3A_412, %swap3A_413], %swap3A_416 {strides = array<i32>} : memref<240x128xf32, #tpu.memory_space<vmem>>, vector<1x16xf32>,
          %get3A_417 = arith.index_cast %add3A_361 : i32 to index
          %get3A_418 = arith.constant 80 : index
          %get3A_419 = tpu.vector_load %arg10[%get3A_417, %get3A_418] {strides = array<i32>} : memref<240x128xf32, #tpu.memory_space<vmem>>, vector<1x16xf32>,
          %get3A_420 = vector.shape_cast %get3A_419 : vector<1x16xf32> to vector<16xf32>
          %mul3A_421 = vector.broadcast %squeeze3A_356 : f32 to vector<16xf32>
          %mul3A_422 = arith.mulf %get3A_420, %mul3A_421 : vector<16xf32>
          %swap3A_423 = arith.index_cast %add3A_361 : i32 to index
          %swap3A_424 = arith.constant 80 : index
          %swap3A_425 = tpu.vector_load %arg10[%swap3A_423, %swap3A_424] {strides = array<i32>} : memref<240x128xf32, #tpu.memory_space<vmem>>, vector<1x16xf32>,
          %swap3A_426 = vector.shape_cast %swap3A_425 : vector<1x16xf32> to vector<16xf32>
          %swap3A_427 = vector.shape_cast %mul3A_422 : vector<16xf32> to vector<1x16xf32>
          tpu.vector_store %arg10[%swap3A_423, %swap3A_424], %swap3A_427 {strides = array<i32>} : memref<240x128xf32, #tpu.memory_space<vmem>>, vector<1x16xf32>,
          %get3A_428 = arith.index_cast %add3A_361 : i32 to index
          %get3A_429 = arith.constant 96 : index
          %get3A_430 = tpu.vector_load %arg10[%get3A_428, %get3A_429] {strides = array<i32>} : memref<240x128xf32, #tpu.memory_space<vmem>>, vector<1x16xf32>,
          %get3A_431 = vector.shape_cast %get3A_430 : vector<1x16xf32> to vector<16xf32>
          %mul3A_432 = vector.broadcast %squeeze3A_356 : f32 to vector<16xf32>
          %mul3A_433 = arith.mulf %get3A_431, %mul3A_432 : vector<16xf32>
          %swap3A_434 = arith.index_cast %add3A_361 : i32 to index
          %swap3A_435 = arith.constant 96 : index
          %swap3A_436 = tpu.vector_load %arg10[%swap3A_434, %swap3A_435] {strides = array<i32>} : memref<240x128xf32, #tpu.memory_space<vmem>>, vector<1x16xf32>,
          %swap3A_437 = vector.shape_cast %swap3A_436 : vector<1x16xf32> to vector<16xf32>
          %swap3A_438 = vector.shape_cast %mul3A_433 : vector<16xf32> to vector<1x16xf32>
          tpu.vector_store %arg10[%swap3A_434, %swap3A_435], %swap3A_438 {strides = array<i32>} : memref<240x128xf32, #tpu.memory_space<vmem>>, vector<1x16xf32>,
          %get3A_439 = arith.index_cast %add3A_361 : i32 to index
          %get3A_440 = arith.constant 112 : index
          %get3A_441 = tpu.vector_load %arg10[%get3A_439, %get3A_440] {strides = array<i32>} : memref<240x128xf32, #tpu.memory_space<vmem>>, vector<1x16xf32>,
          %get3A_442 = vector.shape_cast %get3A_441 : vector<1x16xf32> to vector<16xf32>
          %mul3A_443 = vector.broadcast %squeeze3A_356 : f32 to vector<16xf32>
          %mul3A_444 = arith.mulf %get3A_442, %mul3A_443 : vector<16xf32>
          %swap3A_445 = arith.index_cast %add3A_361 : i32 to index
          %swap3A_446 = arith.constant 112 : index
          %swap3A_447 = tpu.vector_load %arg10[%swap3A_445, %swap3A_446] {strides = array<i32>} : memref<240x128xf32, #tpu.memory_space<vmem>>, vector<1x16xf32>,
          %swap3A_448 = vector.shape_cast %swap3A_447 : vector<1x16xf32> to vector<16xf32>
          %swap3A_449 = vector.shape_cast %mul3A_444 : vector<16xf32> to vector<1x16xf32>
          tpu.vector_store %arg10[%swap3A_445, %swap3A_446], %swap3A_449 {strides = array<i32>} : memref<240x128xf32, #tpu.memory_space<vmem>>, vector<1x16xf32>,
          %slice3A_450 = vector.extract_strided_slice %get3A_167 {offsets = [3], sizes = [1], strides = [1]} : vector<16xf32> to vector<1xf32>
          %squeeze3A_451 = vector.extract %slice3A_450[0] : f32 from vector<1xf32>
          %mul3A_452 = arith.constant 16 : i32
          %mul3A_453 = arith.muli %scan3A_162, %mul3A_452 : i32
          %add3A_454 = arith.addi %mul3A_117, %mul3A_453 : i32
          %add3A_455 = arith.constant 3 : i32
          %add3A_456 = arith.addi %add3A_454, %add3A_455 : i32
          %get3A_457 = arith.index_cast %add3A_456 : i32 to index
          %get3A_458 = arith.constant 0 : index
          %get3A_459 = tpu.vector_load %arg10[%get3A_457, %get3A_458] {strides = array<i32>} : memref<240x128xf32, #tpu.memory_space<vmem>>, vector<1x16xf32>,
          %get3A_460 = vector.shape_cast %get3A_459 : vector<1x16xf32> to vector<16xf32>
          %mul3A_461 = vector.broadcast %squeeze3A_451 : f32 to vector<16xf32>
          %mul3A_462 = arith.mulf %get3A_460, %mul3A_461 : vector<16xf32>
          %swap3A_463 = arith.index_cast %add3A_456 : i32 to index
          %swap3A_464 = arith.constant 0 : index
          %swap3A_465 = tpu.vector_load %arg10[%swap3A_463, %swap3A_464] {strides = array<i32>} : memref<240x128xf32, #tpu.memory_space<vmem>>, vector<1x16xf32>,
          %swap3A_466 = vector.shape_cast %swap3A_465 : vector<1x16xf32> to vector<16xf32>
          %swap3A_467 = vector.shape_cast %mul3A_462 : vector<16xf32> to vector<1x16xf32>
          tpu.vector_store %arg10[%swap3A_463, %swap3A_464], %swap3A_467 {strides = array<i32>} : memref<240x128xf32, #tpu.memory_space<vmem>>, vector<1x16xf32>,
          %get3A_468 = arith.index_cast %add3A_456 : i32 to index
          %get3A_469 = arith.constant 16 : index
          %get3A_470 = tpu.vector_load %arg10[%get3A_468, %get3A_469] {strides = array<i32>} : memref<240x128xf32, #tpu.memory_space<vmem>>, vector<1x16xf32>,
          %get3A_471 = vector.shape_cast %get3A_470 : vector<1x16xf32> to vector<16xf32>
          %mul3A_472 = vector.broadcast %squeeze3A_451 : f32 to vector<16xf32>
          %mul3A_473 = arith.mulf %get3A_471, %mul3A_472 : vector<16xf32>
          %swap3A_474 = arith.index_cast %add3A_456 : i32 to index
          %swap3A_475 = arith.constant 16 : index
          %swap3A_476 = tpu.vector_load %arg10[%swap3A_474, %swap3A_475] {strides = array<i32>} : memref<240x128xf32, #tpu.memory_space<vmem>>, vector<1x16xf32>,
          %swap3A_477 = vector.shape_cast %swap3A_476 : vector<1x16xf32> to vector<16xf32>
          %swap3A_478 = vector.shape_cast %mul3A_473 : vector<16xf32> to vector<1x16xf32>
          tpu.vector_store %arg10[%swap3A_474, %swap3A_475], %swap3A_478 {strides = array<i32>} : memref<240x128xf32, #tpu.memory_space<vmem>>, vector<1x16xf32>,
          %get3A_479 = arith.index_cast %add3A_456 : i32 to index
          %get3A_480 = arith.constant 32 : index
          %get3A_481 = tpu.vector_load %arg10[%get3A_479, %get3A_480] {strides = array<i32>} : memref<240x128xf32, #tpu.memory_space<vmem>>, vector<1x16xf32>,
          %get3A_482 = vector.shape_cast %get3A_481 : vector<1x16xf32> to vector<16xf32>
          %mul3A_483 = vector.broadcast %squeeze3A_451 : f32 to vector<16xf32>
          %mul3A_484 = arith.mulf %get3A_482, %mul3A_483 : vector<16xf32>
          %swap3A_485 = arith.index_cast %add3A_456 : i32 to index
          %swap3A_486 = arith.constant 32 : index
          %swap3A_487 = tpu.vector_load %arg10[%swap3A_485, %swap3A_486] {strides = array<i32>} : memref<240x128xf32, #tpu.memory_space<vmem>>, vector<1x16xf32>,
          %swap3A_488 = vector.shape_cast %swap3A_487 : vector<1x16xf32> to vector<16xf32>
          %swap3A_489 = vector.shape_cast %mul3A_484 : vector<16xf32> to vector<1x16xf32>
          tpu.vector_store %arg10[%swap3A_485, %swap3A_486], %swap3A_489 {strides = array<i32>} : memref<240x128xf32, #tpu.memory_space<vmem>>, vector<1x16xf32>,
          %get3A_490 = arith.index_cast %add3A_456 : i32 to index
          %get3A_491 = arith.constant 48 : index
          %get3A_492 = tpu.vector_load %arg10[%get3A_490, %get3A_491] {strides = array<i32>} : memref<240x128xf32, #tpu.memory_space<vmem>>, vector<1x16xf32>,
          %get3A_493 = vector.shape_cast %get3A_492 : vector<1x16xf32> to vector<16xf32>
          %mul3A_494 = vector.broadcast %squeeze3A_451 : f32 to vector<16xf32>
          %mul3A_495 = arith.mulf %get3A_493, %mul3A_494 : vector<16xf32>
          %swap3A_496 = arith.index_cast %add3A_456 : i32 to index
          %swap3A_497 = arith.constant 48 : index
          %swap3A_498 = tpu.vector_load %arg10[%swap3A_496, %swap3A_497] {strides = array<i32>} : memref<240x128xf32, #tpu.memory_space<vmem>>, vector<1x16xf32>,
          %swap3A_499 = vector.shape_cast %swap3A_498 : vector<1x16xf32> to vector<16xf32>
          %swap3A_500 = vector.shape_cast %mul3A_495 : vector<16xf32> to vector<1x16xf32>
          tpu.vector_store %arg10[%swap3A_496, %swap3A_497], %swap3A_500 {strides = array<i32>} : memref<240x128xf32, #tpu.memory_space<vmem>>, vector<1x16xf32>,
          %get3A_501 = arith.index_cast %add3A_456 : i32 to index
          %get3A_502 = arith.constant 64 : index
          %get3A_503 = tpu.vector_load %arg10[%get3A_501, %get3A_502] {strides = array<i32>} : memref<240x128xf32, #tpu.memory_space<vmem>>, vector<1x16xf32>,
          %get3A_504 = vector.shape_cast %get3A_503 : vector<1x16xf32> to vector<16xf32>
          %mul3A_505 = vector.broadcast %squeeze3A_451 : f32 to vector<16xf32>
          %mul3A_506 = arith.mulf %get3A_504, %mul3A_505 : vector<16xf32>
          %swap3A_507 = arith.index_cast %add3A_456 : i32 to index
          %swap3A_508 = arith.constant 64 : index
          %swap3A_509 = tpu.vector_load %arg10[%swap3A_507, %swap3A_508] {strides = array<i32>} : memref<240x128xf32, #tpu.memory_space<vmem>>, vector<1x16xf32>,
          %swap3A_510 = vector.shape_cast %swap3A_509 : vector<1x16xf32> to vector<16xf32>
          %swap3A_511 = vector.shape_cast %mul3A_506 : vector<16xf32> to vector<1x16xf32>
          tpu.vector_store %arg10[%swap3A_507, %swap3A_508], %swap3A_511 {strides = array<i32>} : memref<240x128xf32, #tpu.memory_space<vmem>>, vector<1x16xf32>,
          %get3A_512 = arith.index_cast %add3A_456 : i32 to index
          %get3A_513 = arith.constant 80 : index
          %get3A_514 = tpu.vector_load %arg10[%get3A_512, %get3A_513] {strides = array<i32>} : memref<240x128xf32, #tpu.memory_space<vmem>>, vector<1x16xf32>,
          %get3A_515 = vector.shape_cast %get3A_514 : vector<1x16xf32> to vector<16xf32>
          %mul3A_516 = vector.broadcast %squeeze3A_451 : f32 to vector<16xf32>
          %mul3A_517 = arith.mulf %get3A_515, %mul3A_516 : vector<16xf32>
          %swap3A_518 = arith.index_cast %add3A_456 : i32 to index
          %swap3A_519 = arith.constant 80 : index
          %swap3A_520 = tpu.vector_load %arg10[%swap3A_518, %swap3A_519] {strides = array<i32>} : memref<240x128xf32, #tpu.memory_space<vmem>>, vector<1x16xf32>,
          %swap3A_521 = vector.shape_cast %swap3A_520 : vector<1x16xf32> to vector<16xf32>
          %swap3A_522 = vector.shape_cast %mul3A_517 : vector<16xf32> to vector<1x16xf32>
          tpu.vector_store %arg10[%swap3A_518, %swap3A_519], %swap3A_522 {strides = array<i32>} : memref<240x128xf32, #tpu.memory_space<vmem>>, vector<1x16xf32>,
          %get3A_523 = arith.index_cast %add3A_456 : i32 to index
          %get3A_524 = arith.constant 96 : index
          %get3A_525 = tpu.vector_load %arg10[%get3A_523, %get3A_524] {strides = array<i32>} : memref<240x128xf32, #tpu.memory_space<vmem>>, vector<1x16xf32>,
          %get3A_526 = vector.shape_cast %get3A_525 : vector<1x16xf32> to vector<16xf32>
          %mul3A_527 = vector.broadcast %squeeze3A_451 : f32 to vector<16xf32>
          %mul3A_528 = arith.mulf %get3A_526, %mul3A_527 : vector<16xf32>
          %swap3A_529 = arith.index_cast %add3A_456 : i32 to index
          %swap3A_530 = arith.constant 96 : index
          %swap3A_531 = tpu.vector_load %arg10[%swap3A_529, %swap3A_530] {strides = array<i32>} : memref<240x128xf32, #tpu.memory_space<vmem>>, vector<1x16xf32>,
          %swap3A_532 = vector.shape_cast %swap3A_531 : vector<1x16xf32> to vector<16xf32>
          %swap3A_533 = vector.shape_cast %mul3A_528 : vector<16xf32> to vector<1x16xf32>
          tpu.vector_store %arg10[%swap3A_529, %swap3A_530], %swap3A_533 {strides = array<i32>} : memref<240x128xf32, #tpu.memory_space<vmem>>, vector<1x16xf32>,
          %get3A_534 = arith.index_cast %add3A_456 : i32 to index
          %get3A_535 = arith.constant 112 : index
          %get3A_536 = tpu.vector_load %arg10[%get3A_534, %get3A_535] {strides = array<i32>} : memref<240x128xf32, #tpu.memory_space<vmem>>, vector<1x16xf32>,
          %get3A_537 = vector.shape_cast %get3A_536 : vector<1x16xf32> to vector<16xf32>
          %mul3A_538 = vector.broadcast %squeeze3A_451 : f32 to vector<16xf32>
          %mul3A_539 = arith.mulf %get3A_537, %mul3A_538 : vector<16xf32>
          %swap3A_540 = arith.index_cast %add3A_456 : i32 to index
          %swap3A_541 = arith.constant 112 : index
          %swap3A_542 = tpu.vector_load %arg10[%swap3A_540, %swap3A_541] {strides = array<i32>} : memref<240x128xf32, #tpu.memory_space<vmem>>, vector<1x16xf32>,
          %swap3A_543 = vector.shape_cast %swap3A_542 : vector<1x16xf32> to vector<16xf32>
          %swap3A_544 = vector.shape_cast %mul3A_539 : vector<16xf32> to vector<1x16xf32>
          tpu.vector_store %arg10[%swap3A_540, %swap3A_541], %swap3A_544 {strides = array<i32>} : memref<240x128xf32, #tpu.memory_space<vmem>>, vector<1x16xf32>,
          %slice3A_545 = vector.extract_strided_slice %get3A_167 {offsets = [4], sizes = [1], strides = [1]} : vector<16xf32> to vector<1xf32>
          %squeeze3A_546 = vector.extract %slice3A_545[0] : f32 from vector<1xf32>
          %mul3A_547 = arith.constant 16 : i32
          %mul3A_548 = arith.muli %scan3A_162, %mul3A_547 : i32
          %add3A_549 = arith.addi %mul3A_117, %mul3A_548 : i32
          %add3A_550 = arith.constant 4 : i32
          %add3A_551 = arith.addi %add3A_549, %add3A_550 : i32
          %get3A_552 = arith.index_cast %add3A_551 : i32 to index
          %get3A_553 = arith.constant 0 : index
          %get3A_554 = tpu.vector_load %arg10[%get3A_552, %get3A_553] {strides = array<i32>} : memref<240x128xf32, #tpu.memory_space<vmem>>, vector<1x16xf32>,
          %get3A_555 = vector.shape_cast %get3A_554 : vector<1x16xf32> to vector<16xf32>
          %mul3A_556 = vector.broadcast %squeeze3A_546 : f32 to vector<16xf32>
          %mul3A_557 = arith.mulf %get3A_555, %mul3A_556 : vector<16xf32>
          %swap3A_558 = arith.index_cast %add3A_551 : i32 to index
          %swap3A_559 = arith.constant 0 : index
          %swap3A_560 = tpu.vector_load %arg10[%swap3A_558, %swap3A_559] {strides = array<i32>} : memref<240x128xf32, #tpu.memory_space<vmem>>, vector<1x16xf32>,
          %swap3A_561 = vector.shape_cast %swap3A_560 : vector<1x16xf32> to vector<16xf32>
          %swap3A_562 = vector.shape_cast %mul3A_557 : vector<16xf32> to vector<1x16xf32>
          tpu.vector_store %arg10[%swap3A_558, %swap3A_559], %swap3A_562 {strides = array<i32>} : memref<240x128xf32, #tpu.memory_space<vmem>>, vector<1x16xf32>,
          %get3A_563 = arith.index_cast %add3A_551 : i32 to index
          %get3A_564 = arith.constant 16 : index
          %get3A_565 = tpu.vector_load %arg10[%get3A_563, %get3A_564] {strides = array<i32>} : memref<240x128xf32, #tpu.memory_space<vmem>>, vector<1x16xf32>,
          %get3A_566 = vector.shape_cast %get3A_565 : vector<1x16xf32> to vector<16xf32>
          %mul3A_567 = vector.broadcast %squeeze3A_546 : f32 to vector<16xf32>
          %mul3A_568 = arith.mulf %get3A_566, %mul3A_567 : vector<16xf32>
          %swap3A_569 = arith.index_cast %add3A_551 : i32 to index
          %swap3A_570 = arith.constant 16 : index
          %swap3A_571 = tpu.vector_load %arg10[%swap3A_569, %swap3A_570] {strides = array<i32>} : memref<240x128xf32, #tpu.memory_space<vmem>>, vector<1x16xf32>,
          %swap3A_572 = vector.shape_cast %swap3A_571 : vector<1x16xf32> to vector<16xf32>
          %swap3A_573 = vector.shape_cast %mul3A_568 : vector<16xf32> to vector<1x16xf32>
          tpu.vector_store %arg10[%swap3A_569, %swap3A_570], %swap3A_573 {strides = array<i32>} : memref<240x128xf32, #tpu.memory_space<vmem>>, vector<1x16xf32>,
          %get3A_574 = arith.index_cast %add3A_551 : i32 to index
          %get3A_575 = arith.constant 32 : index
          %get3A_576 = tpu.vector_load %arg10[%get3A_574, %get3A_575] {strides = array<i32>} : memref<240x128xf32, #tpu.memory_space<vmem>>, vector<1x16xf32>,
          %get3A_577 = vector.shape_cast %get3A_576 : vector<1x16xf32> to vector<16xf32>
          %mul3A_578 = vector.broadcast %squeeze3A_546 : f32 to vector<16xf32>
          %mul3A_579 = arith.mulf %get3A_577, %mul3A_578 : vector<16xf32>
          %swap3A_580 = arith.index_cast %add3A_551 : i32 to index
          %swap3A_581 = arith.constant 32 : index
          %swap3A_582 = tpu.vector_load %arg10[%swap3A_580, %swap3A_581] {strides = array<i32>} : memref<240x128xf32, #tpu.memory_space<vmem>>, vector<1x16xf32>,
          %swap3A_583 = vector.shape_cast %swap3A_582 : vector<1x16xf32> to vector<16xf32>
          %swap3A_584 = vector.shape_cast %mul3A_579 : vector<16xf32> to vector<1x16xf32>
          tpu.vector_store %arg10[%swap3A_580, %swap3A_581], %swap3A_584 {strides = array<i32>} : memref<240x128xf32, #tpu.memory_space<vmem>>, vector<1x16xf32>,
          %get3A_585 = arith.index_cast %add3A_551 : i32 to index
          %get3A_586 = arith.constant 48 : index
          %get3A_587 = tpu.vector_load %arg10[%get3A_585, %get3A_586] {strides = array<i32>} : memref<240x128xf32, #tpu.memory_space<vmem>>, vector<1x16xf32>,
          %get3A_588 = vector.shape_cast %get3A_587 : vector<1x16xf32> to vector<16xf32>
          %mul3A_589 = vector.broadcast %squeeze3A_546 : f32 to vector<16xf32>
          %mul3A_590 = arith.mulf %get3A_588, %mul3A_589 : vector<16xf32>
          %swap3A_591 = arith.index_cast %add3A_551 : i32 to index
          %swap3A_592 = arith.constant 48 : index
          %swap3A_593 = tpu.vector_load %arg10[%swap3A_591, %swap3A_592] {strides = array<i32>} : memref<240x128xf32, #tpu.memory_space<vmem>>, vector<1x16xf32>,
          %swap3A_594 = vector.shape_cast %swap3A_593 : vector<1x16xf32> to vector<16xf32>
          %swap3A_595 = vector.shape_cast %mul3A_590 : vector<16xf32> to vector<1x16xf32>
          tpu.vector_store %arg10[%swap3A_591, %swap3A_592], %swap3A_595 {strides = array<i32>} : memref<240x128xf32, #tpu.memory_space<vmem>>, vector<1x16xf32>,
          %get3A_596 = arith.index_cast %add3A_551 : i32 to index
          %get3A_597 = arith.constant 64 : index
          %get3A_598 = tpu.vector_load %arg10[%get3A_596, %get3A_597] {strides = array<i32>} : memref<240x128xf32, #tpu.memory_space<vmem>>, vector<1x16xf32>,
          %get3A_599 = vector.shape_cast %get3A_598 : vector<1x16xf32> to vector<16xf32>
          %mul3A_600 = vector.broadcast %squeeze3A_546 : f32 to vector<16xf32>
          %mul3A_601 = arith.mulf %get3A_599, %mul3A_600 : vector<16xf32>
          %swap3A_602 = arith.index_cast %add3A_551 : i32 to index
          %swap3A_603 = arith.constant 64 : index
          %swap3A_604 = tpu.vector_load %arg10[%swap3A_602, %swap3A_603] {strides = array<i32>} : memref<240x128xf32, #tpu.memory_space<vmem>>, vector<1x16xf32>,
          %swap3A_605 = vector.shape_cast %swap3A_604 : vector<1x16xf32> to vector<16xf32>
          %swap3A_606 = vector.shape_cast %mul3A_601 : vector<16xf32> to vector<1x16xf32>
          tpu.vector_store %arg10[%swap3A_602, %swap3A_603], %swap3A_606 {strides = array<i32>} : memref<240x128xf32, #tpu.memory_space<vmem>>, vector<1x16xf32>,
          %get3A_607 = arith.index_cast %add3A_551 : i32 to index
          %get3A_608 = arith.constant 80 : index
          %get3A_609 = tpu.vector_load %arg10[%get3A_607, %get3A_608] {strides = array<i32>} : memref<240x128xf32, #tpu.memory_space<vmem>>, vector<1x16xf32>,
          %get3A_610 = vector.shape_cast %get3A_609 : vector<1x16xf32> to vector<16xf32>
          %mul3A_611 = vector.broadcast %squeeze3A_546 : f32 to vector<16xf32>
          %mul3A_612 = arith.mulf %get3A_610, %mul3A_611 : vector<16xf32>
          %swap3A_613 = arith.index_cast %add3A_551 : i32 to index
          %swap3A_614 = arith.constant 80 : index
          %swap3A_615 = tpu.vector_load %arg10[%swap3A_613, %swap3A_614] {strides = array<i32>} : memref<240x128xf32, #tpu.memory_space<vmem>>, vector<1x16xf32>,
          %swap3A_616 = vector.shape_cast %swap3A_615 : vector<1x16xf32> to vector<16xf32>
          %swap3A_617 = vector.shape_cast %mul3A_612 : vector<16xf32> to vector<1x16xf32>
          tpu.vector_store %arg10[%swap3A_613, %swap3A_614], %swap3A_617 {strides = array<i32>} : memref<240x128xf32, #tpu.memory_space<vmem>>, vector<1x16xf32>,
          %get3A_618 = arith.index_cast %add3A_551 : i32 to index
          %get3A_619 = arith.constant 96 : index
          %get3A_620 = tpu.vector_load %arg10[%get3A_618, %get3A_619] {strides = array<i32>} : memref<240x128xf32, #tpu.memory_space<vmem>>, vector<1x16xf32>,
          %get3A_621 = vector.shape_cast %get3A_620 : vector<1x16xf32> to vector<16xf32>
          %mul3A_622 = vector.broadcast %squeeze3A_546 : f32 to vector<16xf32>
          %mul3A_623 = arith.mulf %get3A_621, %mul3A_622 : vector<16xf32>
          %swap3A_624 = arith.index_cast %add3A_551 : i32 to index
          %swap3A_625 = arith.constant 96 : index
          %swap3A_626 = tpu.vector_load %arg10[%swap3A_624, %swap3A_625] {strides = array<i32>} : memref<240x128xf32, #tpu.memory_space<vmem>>, vector<1x16xf32>,
          %swap3A_627 = vector.shape_cast %swap3A_626 : vector<1x16xf32> to vector<16xf32>
          %swap3A_628 = vector.shape_cast %mul3A_623 : vector<16xf32> to vector<1x16xf32>
          tpu.vector_store %arg10[%swap3A_624, %swap3A_625], %swap3A_628 {strides = array<i32>} : memref<240x128xf32, #tpu.memory_space<vmem>>, vector<1x16xf32>,
          %get3A_629 = arith.index_cast %add3A_551 : i32 to index
          %get3A_630 = arith.constant 112 : index
          %get3A_631 = tpu.vector_load %arg10[%get3A_629, %get3A_630] {strides = array<i32>} : memref<240x128xf32, #tpu.memory_space<vmem>>, vector<1x16xf32>,
          %get3A_632 = vector.shape_cast %get3A_631 : vector<1x16xf32> to vector<16xf32>
          %mul3A_633 = vector.broadcast %squeeze3A_546 : f32 to vector<16xf32>
          %mul3A_634 = arith.mulf %get3A_632, %mul3A_633 : vector<16xf32>
          %swap3A_635 = arith.index_cast %add3A_551 : i32 to index
          %swap3A_636 = arith.constant 112 : index
          %swap3A_637 = tpu.vector_load %arg10[%swap3A_635, %swap3A_636] {strides = array<i32>} : memref<240x128xf32, #tpu.memory_space<vmem>>, vector<1x16xf32>,
          %swap3A_638 = vector.shape_cast %swap3A_637 : vector<1x16xf32> to vector<16xf32>
          %swap3A_639 = vector.shape_cast %mul3A_634 : vector<16xf32> to vector<1x16xf32>
          tpu.vector_store %arg10[%swap3A_635, %swap3A_636], %swap3A_639 {strides = array<i32>} : memref<240x128xf32, #tpu.memory_space<vmem>>, vector<1x16xf32>,
          %slice3A_640 = vector.extract_strided_slice %get3A_167 {offsets = [5], sizes = [1], strides = [1]} : vector<16xf32> to vector<1xf32>
          %squeeze3A_641 = vector.extract %slice3A_640[0] : f32 from vector<1xf32>
          %mul3A_642 = arith.constant 16 : i32
          %mul3A_643 = arith.muli %scan3A_162, %mul3A_642 : i32
          %add3A_644 = arith.addi %mul3A_117, %mul3A_643 : i32
          %add3A_645 = arith.constant 5 : i32
          %add3A_646 = arith.addi %add3A_644, %add3A_645 : i32
          %get3A_647 = arith.index_cast %add3A_646 : i32 to index
          %get3A_648 = arith.constant 0 : index
          %get3A_649 = tpu.vector_load %arg10[%get3A_647, %get3A_648] {strides = array<i32>} : memref<240x128xf32, #tpu.memory_space<vmem>>, vector<1x16xf32>,
          %get3A_650 = vector.shape_cast %get3A_649 : vector<1x16xf32> to vector<16xf32>
          %mul3A_651 = vector.broadcast %squeeze3A_641 : f32 to vector<16xf32>
          %mul3A_652 = arith.mulf %get3A_650, %mul3A_651 : vector<16xf32>
          %swap3A_653 = arith.index_cast %add3A_646 : i32 to index
          %swap3A_654 = arith.constant 0 : index
          %swap3A_655 = tpu.vector_load %arg10[%swap3A_653, %swap3A_654] {strides = array<i32>} : memref<240x128xf32, #tpu.memory_space<vmem>>, vector<1x16xf32>,
          %swap3A_656 = vector.shape_cast %swap3A_655 : vector<1x16xf32> to vector<16xf32>
          %swap3A_657 = vector.shape_cast %mul3A_652 : vector<16xf32> to vector<1x16xf32>
          tpu.vector_store %arg10[%swap3A_653, %swap3A_654], %swap3A_657 {strides = array<i32>} : memref<240x128xf32, #tpu.memory_space<vmem>>, vector<1x16xf32>,
          %get3A_658 = arith.index_cast %add3A_646 : i32 to index
          %get3A_659 = arith.constant 16 : index
          %get3A_660 = tpu.vector_load %arg10[%get3A_658, %get3A_659] {strides = array<i32>} : memref<240x128xf32, #tpu.memory_space<vmem>>, vector<1x16xf32>,
          %get3A_661 = vector.shape_cast %get3A_660 : vector<1x16xf32> to vector<16xf32>
          %mul3A_662 = vector.broadcast %squeeze3A_641 : f32 to vector<16xf32>
          %mul3A_663 = arith.mulf %get3A_661, %mul3A_662 : vector<16xf32>
          %swap3A_664 = arith.index_cast %add3A_646 : i32 to index
          %swap3A_665 = arith.constant 16 : index
          %swap3A_666 = tpu.vector_load %arg10[%swap3A_664, %swap3A_665] {strides = array<i32>} : memref<240x128xf32, #tpu.memory_space<vmem>>, vector<1x16xf32>,
          %swap3A_667 = vector.shape_cast %swap3A_666 : vector<1x16xf32> to vector<16xf32>
          %swap3A_668 = vector.shape_cast %mul3A_663 : vector<16xf32> to vector<1x16xf32>
          tpu.vector_store %arg10[%swap3A_664, %swap3A_665], %swap3A_668 {strides = array<i32>} : memref<240x128xf32, #tpu.memory_space<vmem>>, vector<1x16xf32>,
          %get3A_669 = arith.index_cast %add3A_646 : i32 to index
          %get3A_670 = arith.constant 32 : index
          %get3A_671 = tpu.vector_load %arg10[%get3A_669, %get3A_670] {strides = array<i32>} : memref<240x128xf32, #tpu.memory_space<vmem>>, vector<1x16xf32>,
          %get3A_672 = vector.shape_cast %get3A_671 : vector<1x16xf32> to vector<16xf32>
          %mul3A_673 = vector.broadcast %squeeze3A_641 : f32 to vector<16xf32>
          %mul3A_674 = arith.mulf %get3A_672, %mul3A_673 : vector<16xf32>
          %swap3A_675 = arith.index_cast %add3A_646 : i32 to index
          %swap3A_676 = arith.constant 32 : index
          %swap3A_677 = tpu.vector_load %arg10[%swap3A_675, %swap3A_676] {strides = array<i32>} : memref<240x128xf32, #tpu.memory_space<vmem>>, vector<1x16xf32>,
          %swap3A_678 = vector.shape_cast %swap3A_677 : vector<1x16xf32> to vector<16xf32>
          %swap3A_679 = vector.shape_cast %mul3A_674 : vector<16xf32> to vector<1x16xf32>
          tpu.vector_store %arg10[%swap3A_675, %swap3A_676], %swap3A_679 {strides = array<i32>} : memref<240x128xf32, #tpu.memory_space<vmem>>, vector<1x16xf32>,
          %get3A_680 = arith.index_cast %add3A_646 : i32 to index
          %get3A_681 = arith.constant 48 : index
          %get3A_682 = tpu.vector_load %arg10[%get3A_680, %get3A_681] {strides = array<i32>} : memref<240x128xf32, #tpu.memory_space<vmem>>, vector<1x16xf32>,
          %get3A_683 = vector.shape_cast %get3A_682 : vector<1x16xf32> to vector<16xf32>
          %mul3A_684 = vector.broadcast %squeeze3A_641 : f32 to vector<16xf32>
          %mul3A_685 = arith.mulf %get3A_683, %mul3A_684 : vector<16xf32>
          %swap3A_686 = arith.index_cast %add3A_646 : i32 to index
          %swap3A_687 = arith.constant 48 : index
          %swap3A_688 = tpu.vector_load %arg10[%swap3A_686, %swap3A_687] {strides = array<i32>} : memref<240x128xf32, #tpu.memory_space<vmem>>, vector<1x16xf32>,
          %swap3A_689 = vector.shape_cast %swap3A_688 : vector<1x16xf32> to vector<16xf32>
          %swap3A_690 = vector.shape_cast %mul3A_685 : vector<16xf32> to vector<1x16xf32>
          tpu.vector_store %arg10[%swap3A_686, %swap3A_687], %swap3A_690 {strides = array<i32>} : memref<240x128xf32, #tpu.memory_space<vmem>>, vector<1x16xf32>,
          %get3A_691 = arith.index_cast %add3A_646 : i32 to index
          %get3A_692 = arith.constant 64 : index
          %get3A_693 = tpu.vector_load %arg10[%get3A_691, %get3A_692] {strides = array<i32>} : memref<240x128xf32, #tpu.memory_space<vmem>>, vector<1x16xf32>,
          %get3A_694 = vector.shape_cast %get3A_693 : vector<1x16xf32> to vector<16xf32>
          %mul3A_695 = vector.broadcast %squeeze3A_641 : f32 to vector<16xf32>
          %mul3A_696 = arith.mulf %get3A_694, %mul3A_695 : vector<16xf32>
          %swap3A_697 = arith.index_cast %add3A_646 : i32 to index
          %swap3A_698 = arith.constant 64 : index
          %swap3A_699 = tpu.vector_load %arg10[%swap3A_697, %swap3A_698] {strides = array<i32>} : memref<240x128xf32, #tpu.memory_space<vmem>>, vector<1x16xf32>,
          %swap3A_700 = vector.shape_cast %swap3A_699 : vector<1x16xf32> to vector<16xf32>
          %swap3A_701 = vector.shape_cast %mul3A_696 : vector<16xf32> to vector<1x16xf32>
          tpu.vector_store %arg10[%swap3A_697, %swap3A_698], %swap3A_701 {strides = array<i32>} : memref<240x128xf32, #tpu.memory_space<vmem>>, vector<1x16xf32>,
          %get3A_702 = arith.index_cast %add3A_646 : i32 to index
          %get3A_703 = arith.constant 80 : index
          %get3A_704 = tpu.vector_load %arg10[%get3A_702, %get3A_703] {strides = array<i32>} : memref<240x128xf32, #tpu.memory_space<vmem>>, vector<1x16xf32>,
          %get3A_705 = vector.shape_cast %get3A_704 : vector<1x16xf32> to vector<16xf32>
          %mul3A_706 = vector.broadcast %squeeze3A_641 : f32 to vector<16xf32>
          %mul3A_707 = arith.mulf %get3A_705, %mul3A_706 : vector<16xf32>
          %swap3A_708 = arith.index_cast %add3A_646 : i32 to index
          %swap3A_709 = arith.constant 80 : index
          %swap3A_710 = tpu.vector_load %arg10[%swap3A_708, %swap3A_709] {strides = array<i32>} : memref<240x128xf32, #tpu.memory_space<vmem>>, vector<1x16xf32>,
          %swap3A_711 = vector.shape_cast %swap3A_710 : vector<1x16xf32> to vector<16xf32>
          %swap3A_712 = vector.shape_cast %mul3A_707 : vector<16xf32> to vector<1x16xf32>
          tpu.vector_store %arg10[%swap3A_708, %swap3A_709], %swap3A_712 {strides = array<i32>} : memref<240x128xf32, #tpu.memory_space<vmem>>, vector<1x16xf32>,
          %get3A_713 = arith.index_cast %add3A_646 : i32 to index
          %get3A_714 = arith.constant 96 : index
          %get3A_715 = tpu.vector_load %arg10[%get3A_713, %get3A_714] {strides = array<i32>} : memref<240x128xf32, #tpu.memory_space<vmem>>, vector<1x16xf32>,
          %get3A_716 = vector.shape_cast %get3A_715 : vector<1x16xf32> to vector<16xf32>
          %mul3A_717 = vector.broadcast %squeeze3A_641 : f32 to vector<16xf32>
          %mul3A_718 = arith.mulf %get3A_716, %mul3A_717 : vector<16xf32>
          %swap3A_719 = arith.index_cast %add3A_646 : i32 to index
          %swap3A_720 = arith.constant 96 : index
          %swap3A_721 = tpu.vector_load %arg10[%swap3A_719, %swap3A_720] {strides = array<i32>} : memref<240x128xf32, #tpu.memory_space<vmem>>, vector<1x16xf32>,
          %swap3A_722 = vector.shape_cast %swap3A_721 : vector<1x16xf32> to vector<16xf32>
          %swap3A_723 = vector.shape_cast %mul3A_718 : vector<16xf32> to vector<1x16xf32>
          tpu.vector_store %arg10[%swap3A_719, %swap3A_720], %swap3A_723 {strides = array<i32>} : memref<240x128xf32, #tpu.memory_space<vmem>>, vector<1x16xf32>,
          %get3A_724 = arith.index_cast %add3A_646 : i32 to index
          %get3A_725 = arith.constant 112 : index
          %get3A_726 = tpu.vector_load %arg10[%get3A_724, %get3A_725] {strides = array<i32>} : memref<240x128xf32, #tpu.memory_space<vmem>>, vector<1x16xf32>,
          %get3A_727 = vector.shape_cast %get3A_726 : vector<1x16xf32> to vector<16xf32>
          %mul3A_728 = vector.broadcast %squeeze3A_641 : f32 to vector<16xf32>
          %mul3A_729 = arith.mulf %get3A_727, %mul3A_728 : vector<16xf32>
          %swap3A_730 = arith.index_cast %add3A_646 : i32 to index
          %swap3A_731 = arith.constant 112 : index
          %swap3A_732 = tpu.vector_load %arg10[%swap3A_730, %swap3A_731] {strides = array<i32>} : memref<240x128xf32, #tpu.memory_space<vmem>>, vector<1x16xf32>,
          %swap3A_733 = vector.shape_cast %swap3A_732 : vector<1x16xf32> to vector<16xf32>
          %swap3A_734 = vector.shape_cast %mul3A_729 : vector<16xf32> to vector<1x16xf32>
          tpu.vector_store %arg10[%swap3A_730, %swap3A_731], %swap3A_734 {strides = array<i32>} : memref<240x128xf32, #tpu.memory_space<vmem>>, vector<1x16xf32>,
          %slice3A_735 = vector.extract_strided_slice %get3A_167 {offsets = [6], sizes = [1], strides = [1]} : vector<16xf32> to vector<1xf32>
          %squeeze3A_736 = vector.extract %slice3A_735[0] : f32 from vector<1xf32>
          %mul3A_737 = arith.constant 16 : i32
          %mul3A_738 = arith.muli %scan3A_162, %mul3A_737 : i32
          %add3A_739 = arith.addi %mul3A_117, %mul3A_738 : i32
          %add3A_740 = arith.constant 6 : i32
          %add3A_741 = arith.addi %add3A_739, %add3A_740 : i32
          %get3A_742 = arith.index_cast %add3A_741 : i32 to index
          %get3A_743 = arith.constant 0 : index
          %get3A_744 = tpu.vector_load %arg10[%get3A_742, %get3A_743] {strides = array<i32>} : memref<240x128xf32, #tpu.memory_space<vmem>>, vector<1x16xf32>,
          %get3A_745 = vector.shape_cast %get3A_744 : vector<1x16xf32> to vector<16xf32>
          %mul3A_746 = vector.broadcast %squeeze3A_736 : f32 to vector<16xf32>
          %mul3A_747 = arith.mulf %get3A_745, %mul3A_746 : vector<16xf32>
          %swap3A_748 = arith.index_cast %add3A_741 : i32 to index
          %swap3A_749 = arith.constant 0 : index
          %swap3A_750 = tpu.vector_load %arg10[%swap3A_748, %swap3A_749] {strides = array<i32>} : memref<240x128xf32, #tpu.memory_space<vmem>>, vector<1x16xf32>,
          %swap3A_751 = vector.shape_cast %swap3A_750 : vector<1x16xf32> to vector<16xf32>
          %swap3A_752 = vector.shape_cast %mul3A_747 : vector<16xf32> to vector<1x16xf32>
          tpu.vector_store %arg10[%swap3A_748, %swap3A_749], %swap3A_752 {strides = array<i32>} : memref<240x128xf32, #tpu.memory_space<vmem>>, vector<1x16xf32>,
          %get3A_753 = arith.index_cast %add3A_741 : i32 to index
          %get3A_754 = arith.constant 16 : index
          %get3A_755 = tpu.vector_load %arg10[%get3A_753, %get3A_754] {strides = array<i32>} : memref<240x128xf32, #tpu.memory_space<vmem>>, vector<1x16xf32>,
          %get3A_756 = vector.shape_cast %get3A_755 : vector<1x16xf32> to vector<16xf32>
          %mul3A_757 = vector.broadcast %squeeze3A_736 : f32 to vector<16xf32>
          %mul3A_758 = arith.mulf %get3A_756, %mul3A_757 : vector<16xf32>
          %swap3A_759 = arith.index_cast %add3A_741 : i32 to index
          %swap3A_760 = arith.constant 16 : index
          %swap3A_761 = tpu.vector_load %arg10[%swap3A_759, %swap3A_760] {strides = array<i32>} : memref<240x128xf32, #tpu.memory_space<vmem>>, vector<1x16xf32>,
          %swap3A_762 = vector.shape_cast %swap3A_761 : vector<1x16xf32> to vector<16xf32>
          %swap3A_763 = vector.shape_cast %mul3A_758 : vector<16xf32> to vector<1x16xf32>
          tpu.vector_store %arg10[%swap3A_759, %swap3A_760], %swap3A_763 {strides = array<i32>} : memref<240x128xf32, #tpu.memory_space<vmem>>, vector<1x16xf32>,
          %get3A_764 = arith.index_cast %add3A_741 : i32 to index
          %get3A_765 = arith.constant 32 : index
          %get3A_766 = tpu.vector_load %arg10[%get3A_764, %get3A_765] {strides = array<i32>} : memref<240x128xf32, #tpu.memory_space<vmem>>, vector<1x16xf32>,
          %get3A_767 = vector.shape_cast %get3A_766 : vector<1x16xf32> to vector<16xf32>
          %mul3A_768 = vector.broadcast %squeeze3A_736 : f32 to vector<16xf32>
          %mul3A_769 = arith.mulf %get3A_767, %mul3A_768 : vector<16xf32>
          %swap3A_770 = arith.index_cast %add3A_741 : i32 to index
          %swap3A_771 = arith.constant 32 : index
          %swap3A_772 = tpu.vector_load %arg10[%swap3A_770, %swap3A_771] {strides = array<i32>} : memref<240x128xf32, #tpu.memory_space<vmem>>, vector<1x16xf32>,
          %swap3A_773 = vector.shape_cast %swap3A_772 : vector<1x16xf32> to vector<16xf32>
          %swap3A_774 = vector.shape_cast %mul3A_769 : vector<16xf32> to vector<1x16xf32>
          tpu.vector_store %arg10[%swap3A_770, %swap3A_771], %swap3A_774 {strides = array<i32>} : memref<240x128xf32, #tpu.memory_space<vmem>>, vector<1x16xf32>,
          %get3A_775 = arith.index_cast %add3A_741 : i32 to index
          %get3A_776 = arith.constant 48 : index
          %get3A_777 = tpu.vector_load %arg10[%get3A_775, %get3A_776] {strides = array<i32>} : memref<240x128xf32, #tpu.memory_space<vmem>>, vector<1x16xf32>,
          %get3A_778 = vector.shape_cast %get3A_777 : vector<1x16xf32> to vector<16xf32>
          %mul3A_779 = vector.broadcast %squeeze3A_736 : f32 to vector<16xf32>
          %mul3A_780 = arith.mulf %get3A_778, %mul3A_779 : vector<16xf32>
          %swap3A_781 = arith.index_cast %add3A_741 : i32 to index
          %swap3A_782 = arith.constant 48 : index
          %swap3A_783 = tpu.vector_load %arg10[%swap3A_781, %swap3A_782] {strides = array<i32>} : memref<240x128xf32, #tpu.memory_space<vmem>>, vector<1x16xf32>,
          %swap3A_784 = vector.shape_cast %swap3A_783 : vector<1x16xf32> to vector<16xf32>
          %swap3A_785 = vector.shape_cast %mul3A_780 : vector<16xf32> to vector<1x16xf32>
          tpu.vector_store %arg10[%swap3A_781, %swap3A_782], %swap3A_785 {strides = array<i32>} : memref<240x128xf32, #tpu.memory_space<vmem>>, vector<1x16xf32>,
          %get3A_786 = arith.index_cast %add3A_741 : i32 to index
          %get3A_787 = arith.constant 64 : index
          %get3A_788 = tpu.vector_load %arg10[%get3A_786, %get3A_787] {strides = array<i32>} : memref<240x128xf32, #tpu.memory_space<vmem>>, vector<1x16xf32>,
          %get3A_789 = vector.shape_cast %get3A_788 : vector<1x16xf32> to vector<16xf32>
          %mul3A_790 = vector.broadcast %squeeze3A_736 : f32 to vector<16xf32>
          %mul3A_791 = arith.mulf %get3A_789, %mul3A_790 : vector<16xf32>
          %swap3A_792 = arith.index_cast %add3A_741 : i32 to index
          %swap3A_793 = arith.constant 64 : index
          %swap3A_794 = tpu.vector_load %arg10[%swap3A_792, %swap3A_793] {strides = array<i32>} : memref<240x128xf32, #tpu.memory_space<vmem>>, vector<1x16xf32>,
          %swap3A_795 = vector.shape_cast %swap3A_794 : vector<1x16xf32> to vector<16xf32>
          %swap3A_796 = vector.shape_cast %mul3A_791 : vector<16xf32> to vector<1x16xf32>
          tpu.vector_store %arg10[%swap3A_792, %swap3A_793], %swap3A_796 {strides = array<i32>} : memref<240x128xf32, #tpu.memory_space<vmem>>, vector<1x16xf32>,
          %get3A_797 = arith.index_cast %add3A_741 : i32 to index
          %get3A_798 = arith.constant 80 : index
          %get3A_799 = tpu.vector_load %arg10[%get3A_797, %get3A_798] {strides = array<i32>} : memref<240x128xf32, #tpu.memory_space<vmem>>, vector<1x16xf32>,
          %get3A_800 = vector.shape_cast %get3A_799 : vector<1x16xf32> to vector<16xf32>
          %mul3A_801 = vector.broadcast %squeeze3A_736 : f32 to vector<16xf32>
          %mul3A_802 = arith.mulf %get3A_800, %mul3A_801 : vector<16xf32>
          %swap3A_803 = arith.index_cast %add3A_741 : i32 to index
          %swap3A_804 = arith.constant 80 : index
          %swap3A_805 = tpu.vector_load %arg10[%swap3A_803, %swap3A_804] {strides = array<i32>} : memref<240x128xf32, #tpu.memory_space<vmem>>, vector<1x16xf32>,
          %swap3A_806 = vector.shape_cast %swap3A_805 : vector<1x16xf32> to vector<16xf32>
          %swap3A_807 = vector.shape_cast %mul3A_802 : vector<16xf32> to vector<1x16xf32>
          tpu.vector_store %arg10[%swap3A_803, %swap3A_804], %swap3A_807 {strides = array<i32>} : memref<240x128xf32, #tpu.memory_space<vmem>>, vector<1x16xf32>,
          %get3A_808 = arith.index_cast %add3A_741 : i32 to index
          %get3A_809 = arith.constant 96 : index
          %get3A_810 = tpu.vector_load %arg10[%get3A_808, %get3A_809] {strides = array<i32>} : memref<240x128xf32, #tpu.memory_space<vmem>>, vector<1x16xf32>,
          %get3A_811 = vector.shape_cast %get3A_810 : vector<1x16xf32> to vector<16xf32>
          %mul3A_812 = vector.broadcast %squeeze3A_736 : f32 to vector<16xf32>
          %mul3A_813 = arith.mulf %get3A_811, %mul3A_812 : vector<16xf32>
          %swap3A_814 = arith.index_cast %add3A_741 : i32 to index
          %swap3A_815 = arith.constant 96 : index
          %swap3A_816 = tpu.vector_load %arg10[%swap3A_814, %swap3A_815] {strides = array<i32>} : memref<240x128xf32, #tpu.memory_space<vmem>>, vector<1x16xf32>,
          %swap3A_817 = vector.shape_cast %swap3A_816 : vector<1x16xf32> to vector<16xf32>
          %swap3A_818 = vector.shape_cast %mul3A_813 : vector<16xf32> to vector<1x16xf32>
          tpu.vector_store %arg10[%swap3A_814, %swap3A_815], %swap3A_818 {strides = array<i32>} : memref<240x128xf32, #tpu.memory_space<vmem>>, vector<1x16xf32>,
          %get3A_819 = arith.index_cast %add3A_741 : i32 to index
          %get3A_820 = arith.constant 112 : index
          %get3A_821 = tpu.vector_load %arg10[%get3A_819, %get3A_820] {strides = array<i32>} : memref<240x128xf32, #tpu.memory_space<vmem>>, vector<1x16xf32>,
          %get3A_822 = vector.shape_cast %get3A_821 : vector<1x16xf32> to vector<16xf32>
          %mul3A_823 = vector.broadcast %squeeze3A_736 : f32 to vector<16xf32>
          %mul3A_824 = arith.mulf %get3A_822, %mul3A_823 : vector<16xf32>
          %swap3A_825 = arith.index_cast %add3A_741 : i32 to index
          %swap3A_826 = arith.constant 112 : index
          %swap3A_827 = tpu.vector_load %arg10[%swap3A_825, %swap3A_826] {strides = array<i32>} : memref<240x128xf32, #tpu.memory_space<vmem>>, vector<1x16xf32>,
          %swap3A_828 = vector.shape_cast %swap3A_827 : vector<1x16xf32> to vector<16xf32>
          %swap3A_829 = vector.shape_cast %mul3A_824 : vector<16xf32> to vector<1x16xf32>
          tpu.vector_store %arg10[%swap3A_825, %swap3A_826], %swap3A_829 {strides = array<i32>} : memref<240x128xf32, #tpu.memory_space<vmem>>, vector<1x16xf32>,
          %slice3A_830 = vector.extract_strided_slice %get3A_167 {offsets = [7], sizes = [1], strides = [1]} : vector<16xf32> to vector<1xf32>
          %squeeze3A_831 = vector.extract %slice3A_830[0] : f32 from vector<1xf32>
          %mul3A_832 = arith.constant 16 : i32
          %mul3A_833 = arith.muli %scan3A_162, %mul3A_832 : i32
          %add3A_834 = arith.addi %mul3A_117, %mul3A_833 : i32
          %add3A_835 = arith.constant 7 : i32
          %add3A_836 = arith.addi %add3A_834, %add3A_835 : i32
          %get3A_837 = arith.index_cast %add3A_836 : i32 to index
          %get3A_838 = arith.constant 0 : index
          %get3A_839 = tpu.vector_load %arg10[%get3A_837, %get3A_838] {strides = array<i32>} : memref<240x128xf32, #tpu.memory_space<vmem>>, vector<1x16xf32>,
          %get3A_840 = vector.shape_cast %get3A_839 : vector<1x16xf32> to vector<16xf32>
          %mul3A_841 = vector.broadcast %squeeze3A_831 : f32 to vector<16xf32>
          %mul3A_842 = arith.mulf %get3A_840, %mul3A_841 : vector<16xf32>
          %swap3A_843 = arith.index_cast %add3A_836 : i32 to index
          %swap3A_844 = arith.constant 0 : index
          %swap3A_845 = tpu.vector_load %arg10[%swap3A_843, %swap3A_844] {strides = array<i32>} : memref<240x128xf32, #tpu.memory_space<vmem>>, vector<1x16xf32>,
          %swap3A_846 = vector.shape_cast %swap3A_845 : vector<1x16xf32> to vector<16xf32>
          %swap3A_847 = vector.shape_cast %mul3A_842 : vector<16xf32> to vector<1x16xf32>
          tpu.vector_store %arg10[%swap3A_843, %swap3A_844], %swap3A_847 {strides = array<i32>} : memref<240x128xf32, #tpu.memory_space<vmem>>, vector<1x16xf32>,
          %get3A_848 = arith.index_cast %add3A_836 : i32 to index
          %get3A_849 = arith.constant 16 : index
          %get3A_850 = tpu.vector_load %arg10[%get3A_848, %get3A_849] {strides = array<i32>} : memref<240x128xf32, #tpu.memory_space<vmem>>, vector<1x16xf32>,
          %get3A_851 = vector.shape_cast %get3A_850 : vector<1x16xf32> to vector<16xf32>
          %mul3A_852 = vector.broadcast %squeeze3A_831 : f32 to vector<16xf32>
          %mul3A_853 = arith.mulf %get3A_851, %mul3A_852 : vector<16xf32>
          %swap3A_854 = arith.index_cast %add3A_836 : i32 to index
          %swap3A_855 = arith.constant 16 : index
          %swap3A_856 = tpu.vector_load %arg10[%swap3A_854, %swap3A_855] {strides = array<i32>} : memref<240x128xf32, #tpu.memory_space<vmem>>, vector<1x16xf32>,
          %swap3A_857 = vector.shape_cast %swap3A_856 : vector<1x16xf32> to vector<16xf32>
          %swap3A_858 = vector.shape_cast %mul3A_853 : vector<16xf32> to vector<1x16xf32>
          tpu.vector_store %arg10[%swap3A_854, %swap3A_855], %swap3A_858 {strides = array<i32>} : memref<240x128xf32, #tpu.memory_space<vmem>>, vector<1x16xf32>,
          %get3A_859 = arith.index_cast %add3A_836 : i32 to index
          %get3A_860 = arith.constant 32 : index
          %get3A_861 = tpu.vector_load %arg10[%get3A_859, %get3A_860] {strides = array<i32>} : memref<240x128xf32, #tpu.memory_space<vmem>>, vector<1x16xf32>,
          %get3A_862 = vector.shape_cast %get3A_861 : vector<1x16xf32> to vector<16xf32>
          %mul3A_863 = vector.broadcast %squeeze3A_831 : f32 to vector<16xf32>
          %mul3A_864 = arith.mulf %get3A_862, %mul3A_863 : vector<16xf32>
          %swap3A_865 = arith.index_cast %add3A_836 : i32 to index
          %swap3A_866 = arith.constant 32 : index
          %swap3A_867 = tpu.vector_load %arg10[%swap3A_865, %swap3A_866] {strides = array<i32>} : memref<240x128xf32, #tpu.memory_space<vmem>>, vector<1x16xf32>,
          %swap3A_868 = vector.shape_cast %swap3A_867 : vector<1x16xf32> to vector<16xf32>
          %swap3A_869 = vector.shape_cast %mul3A_864 : vector<16xf32> to vector<1x16xf32>
          tpu.vector_store %arg10[%swap3A_865, %swap3A_866], %swap3A_869 {strides = array<i32>} : memref<240x128xf32, #tpu.memory_space<vmem>>, vector<1x16xf32>,
          %get3A_870 = arith.index_cast %add3A_836 : i32 to index
          %get3A_871 = arith.constant 48 : index
          %get3A_872 = tpu.vector_load %arg10[%get3A_870, %get3A_871] {strides = array<i32>} : memref<240x128xf32, #tpu.memory_space<vmem>>, vector<1x16xf32>,
          %get3A_873 = vector.shape_cast %get3A_872 : vector<1x16xf32> to vector<16xf32>
          %mul3A_874 = vector.broadcast %squeeze3A_831 : f32 to vector<16xf32>
          %mul3A_875 = arith.mulf %get3A_873, %mul3A_874 : vector<16xf32>
          %swap3A_876 = arith.index_cast %add3A_836 : i32 to index
          %swap3A_877 = arith.constant 48 : index
          %swap3A_878 = tpu.vector_load %arg10[%swap3A_876, %swap3A_877] {strides = array<i32>} : memref<240x128xf32, #tpu.memory_space<vmem>>, vector<1x16xf32>,
          %swap3A_879 = vector.shape_cast %swap3A_878 : vector<1x16xf32> to vector<16xf32>
          %swap3A_880 = vector.shape_cast %mul3A_875 : vector<16xf32> to vector<1x16xf32>
          tpu.vector_store %arg10[%swap3A_876, %swap3A_877], %swap3A_880 {strides = array<i32>} : memref<240x128xf32, #tpu.memory_space<vmem>>, vector<1x16xf32>,
          %get3A_881 = arith.index_cast %add3A_836 : i32 to index
          %get3A_882 = arith.constant 64 : index
          %get3A_883 = tpu.vector_load %arg10[%get3A_881, %get3A_882] {strides = array<i32>} : memref<240x128xf32, #tpu.memory_space<vmem>>, vector<1x16xf32>,
          %get3A_884 = vector.shape_cast %get3A_883 : vector<1x16xf32> to vector<16xf32>
          %mul3A_885 = vector.broadcast %squeeze3A_831 : f32 to vector<16xf32>
          %mul3A_886 = arith.mulf %get3A_884, %mul3A_885 : vector<16xf32>
          %swap3A_887 = arith.index_cast %add3A_836 : i32 to index
          %swap3A_888 = arith.constant 64 : index
          %swap3A_889 = tpu.vector_load %arg10[%swap3A_887, %swap3A_888] {strides = array<i32>} : memref<240x128xf32, #tpu.memory_space<vmem>>, vector<1x16xf32>,
          %swap3A_890 = vector.shape_cast %swap3A_889 : vector<1x16xf32> to vector<16xf32>
          %swap3A_891 = vector.shape_cast %mul3A_886 : vector<16xf32> to vector<1x16xf32>
          tpu.vector_store %arg10[%swap3A_887, %swap3A_888], %swap3A_891 {strides = array<i32>} : memref<240x128xf32, #tpu.memory_space<vmem>>, vector<1x16xf32>,
          %get3A_892 = arith.index_cast %add3A_836 : i32 to index
          %get3A_893 = arith.constant 80 : index
          %get3A_894 = tpu.vector_load %arg10[%get3A_892, %get3A_893] {strides = array<i32>} : memref<240x128xf32, #tpu.memory_space<vmem>>, vector<1x16xf32>,
          %get3A_895 = vector.shape_cast %get3A_894 : vector<1x16xf32> to vector<16xf32>
          %mul3A_896 = vector.broadcast %squeeze3A_831 : f32 to vector<16xf32>
          %mul3A_897 = arith.mulf %get3A_895, %mul3A_896 : vector<16xf32>
          %swap3A_898 = arith.index_cast %add3A_836 : i32 to index
          %swap3A_899 = arith.constant 80 : index
          %swap3A_900 = tpu.vector_load %arg10[%swap3A_898, %swap3A_899] {strides = array<i32>} : memref<240x128xf32, #tpu.memory_space<vmem>>, vector<1x16xf32>,
          %swap3A_901 = vector.shape_cast %swap3A_900 : vector<1x16xf32> to vector<16xf32>
          %swap3A_902 = vector.shape_cast %mul3A_897 : vector<16xf32> to vector<1x16xf32>
          tpu.vector_store %arg10[%swap3A_898, %swap3A_899], %swap3A_902 {strides = array<i32>} : memref<240x128xf32, #tpu.memory_space<vmem>>, vector<1x16xf32>,
          %get3A_903 = arith.index_cast %add3A_836 : i32 to index
          %get3A_904 = arith.constant 96 : index
          %get3A_905 = tpu.vector_load %arg10[%get3A_903, %get3A_904] {strides = array<i32>} : memref<240x128xf32, #tpu.memory_space<vmem>>, vector<1x16xf32>,
          %get3A_906 = vector.shape_cast %get3A_905 : vector<1x16xf32> to vector<16xf32>
          %mul3A_907 = vector.broadcast %squeeze3A_831 : f32 to vector<16xf32>
          %mul3A_908 = arith.mulf %get3A_906, %mul3A_907 : vector<16xf32>
          %swap3A_909 = arith.index_cast %add3A_836 : i32 to index
          %swap3A_910 = arith.constant 96 : index
          %swap3A_911 = tpu.vector_load %arg10[%swap3A_909, %swap3A_910] {strides = array<i32>} : memref<240x128xf32, #tpu.memory_space<vmem>>, vector<1x16xf32>,
          %swap3A_912 = vector.shape_cast %swap3A_911 : vector<1x16xf32> to vector<16xf32>
          %swap3A_913 = vector.shape_cast %mul3A_908 : vector<16xf32> to vector<1x16xf32>
          tpu.vector_store %arg10[%swap3A_909, %swap3A_910], %swap3A_913 {strides = array<i32>} : memref<240x128xf32, #tpu.memory_space<vmem>>, vector<1x16xf32>,
          %get3A_914 = arith.index_cast %add3A_836 : i32 to index
          %get3A_915 = arith.constant 112 : index
          %get3A_916 = tpu.vector_load %arg10[%get3A_914, %get3A_915] {strides = array<i32>} : memref<240x128xf32, #tpu.memory_space<vmem>>, vector<1x16xf32>,
          %get3A_917 = vector.shape_cast %get3A_916 : vector<1x16xf32> to vector<16xf32>
          %mul3A_918 = vector.broadcast %squeeze3A_831 : f32 to vector<16xf32>
          %mul3A_919 = arith.mulf %get3A_917, %mul3A_918 : vector<16xf32>
          %swap3A_920 = arith.index_cast %add3A_836 : i32 to index
          %swap3A_921 = arith.constant 112 : index
          %swap3A_922 = tpu.vector_load %arg10[%swap3A_920, %swap3A_921] {strides = array<i32>} : memref<240x128xf32, #tpu.memory_space<vmem>>, vector<1x16xf32>,
          %swap3A_923 = vector.shape_cast %swap3A_922 : vector<1x16xf32> to vector<16xf32>
          %swap3A_924 = vector.shape_cast %mul3A_919 : vector<16xf32> to vector<1x16xf32>
          tpu.vector_store %arg10[%swap3A_920, %swap3A_921], %swap3A_924 {strides = array<i32>} : memref<240x128xf32, #tpu.memory_space<vmem>>, vector<1x16xf32>,
          %slice3A_925 = vector.extract_strided_slice %get3A_167 {offsets = [8], sizes = [1], strides = [1]} : vector<16xf32> to vector<1xf32>
          %squeeze3A_926 = vector.extract %slice3A_925[0] : f32 from vector<1xf32>
          %mul3A_927 = arith.constant 16 : i32
          %mul3A_928 = arith.muli %scan3A_162, %mul3A_927 : i32
          %add3A_929 = arith.addi %mul3A_117, %mul3A_928 : i32
          %add3A_930 = arith.constant 8 : i32
          %add3A_931 = arith.addi %add3A_929, %add3A_930 : i32
          %get3A_932 = arith.index_cast %add3A_931 : i32 to index
          %get3A_933 = arith.constant 0 : index
          %get3A_934 = tpu.vector_load %arg10[%get3A_932, %get3A_933] {strides = array<i32>} : memref<240x128xf32, #tpu.memory_space<vmem>>, vector<1x16xf32>,
          %get3A_935 = vector.shape_cast %get3A_934 : vector<1x16xf32> to vector<16xf32>
          %mul3A_936 = vector.broadcast %squeeze3A_926 : f32 to vector<16xf32>
          %mul3A_937 = arith.mulf %get3A_935, %mul3A_936 : vector<16xf32>
          %swap3A_938 = arith.index_cast %add3A_931 : i32 to index
          %swap3A_939 = arith.constant 0 : index
          %swap3A_940 = tpu.vector_load %arg10[%swap3A_938, %swap3A_939] {strides = array<i32>} : memref<240x128xf32, #tpu.memory_space<vmem>>, vector<1x16xf32>,
          %swap3A_941 = vector.shape_cast %swap3A_940 : vector<1x16xf32> to vector<16xf32>
          %swap3A_942 = vector.shape_cast %mul3A_937 : vector<16xf32> to vector<1x16xf32>
          tpu.vector_store %arg10[%swap3A_938, %swap3A_939], %swap3A_942 {strides = array<i32>} : memref<240x128xf32, #tpu.memory_space<vmem>>, vector<1x16xf32>,
          %get3A_943 = arith.index_cast %add3A_931 : i32 to index
          %get3A_944 = arith.constant 16 : index
          %get3A_945 = tpu.vector_load %arg10[%get3A_943, %get3A_944] {strides = array<i32>} : memref<240x128xf32, #tpu.memory_space<vmem>>, vector<1x16xf32>,
          %get3A_946 = vector.shape_cast %get3A_945 : vector<1x16xf32> to vector<16xf32>
          %mul3A_947 = vector.broadcast %squeeze3A_926 : f32 to vector<16xf32>
          %mul3A_948 = arith.mulf %get3A_946, %mul3A_947 : vector<16xf32>
          %swap3A_949 = arith.index_cast %add3A_931 : i32 to index
          %swap3A_950 = arith.constant 16 : index
          %swap3A_951 = tpu.vector_load %arg10[%swap3A_949, %swap3A_950] {strides = array<i32>} : memref<240x128xf32, #tpu.memory_space<vmem>>, vector<1x16xf32>,
          %swap3A_952 = vector.shape_cast %swap3A_951 : vector<1x16xf32> to vector<16xf32>
          %swap3A_953 = vector.shape_cast %mul3A_948 : vector<16xf32> to vector<1x16xf32>
          tpu.vector_store %arg10[%swap3A_949, %swap3A_950], %swap3A_953 {strides = array<i32>} : memref<240x128xf32, #tpu.memory_space<vmem>>, vector<1x16xf32>,
          %get3A_954 = arith.index_cast %add3A_931 : i32 to index
          %get3A_955 = arith.constant 32 : index
          %get3A_956 = tpu.vector_load %arg10[%get3A_954, %get3A_955] {strides = array<i32>} : memref<240x128xf32, #tpu.memory_space<vmem>>, vector<1x16xf32>,
          %get3A_957 = vector.shape_cast %get3A_956 : vector<1x16xf32> to vector<16xf32>
          %mul3A_958 = vector.broadcast %squeeze3A_926 : f32 to vector<16xf32>
          %mul3A_959 = arith.mulf %get3A_957, %mul3A_958 : vector<16xf32>
          %swap3A_960 = arith.index_cast %add3A_931 : i32 to index
          %swap3A_961 = arith.constant 32 : index
          %swap3A_962 = tpu.vector_load %arg10[%swap3A_960, %swap3A_961] {strides = array<i32>} : memref<240x128xf32, #tpu.memory_space<vmem>>, vector<1x16xf32>,
          %swap3A_963 = vector.shape_cast %swap3A_962 : vector<1x16xf32> to vector<16xf32>
          %swap3A_964 = vector.shape_cast %mul3A_959 : vector<16xf32> to vector<1x16xf32>
          tpu.vector_store %arg10[%swap3A_960, %swap3A_961], %swap3A_964 {strides = array<i32>} : memref<240x128xf32, #tpu.memory_space<vmem>>, vector<1x16xf32>,
          %get3A_965 = arith.index_cast %add3A_931 : i32 to index
          %get3A_966 = arith.constant 48 : index
          %get3A_967 = tpu.vector_load %arg10[%get3A_965, %get3A_966] {strides = array<i32>} : memref<240x128xf32, #tpu.memory_space<vmem>>, vector<1x16xf32>,
          %get3A_968 = vector.shape_cast %get3A_967 : vector<1x16xf32> to vector<16xf32>
          %mul3A_969 = vector.broadcast %squeeze3A_926 : f32 to vector<16xf32>
          %mul3A_970 = arith.mulf %get3A_968, %mul3A_969 : vector<16xf32>
          %swap3A_971 = arith.index_cast %add3A_931 : i32 to index
          %swap3A_972 = arith.constant 48 : index
          %swap3A_973 = tpu.vector_load %arg10[%swap3A_971, %swap3A_972] {strides = array<i32>} : memref<240x128xf32, #tpu.memory_space<vmem>>, vector<1x16xf32>,
          %swap3A_974 = vector.shape_cast %swap3A_973 : vector<1x16xf32> to vector<16xf32>
          %swap3A_975 = vector.shape_cast %mul3A_970 : vector<16xf32> to vector<1x16xf32>
          tpu.vector_store %arg10[%swap3A_971, %swap3A_972], %swap3A_975 {strides = array<i32>} : memref<240x128xf32, #tpu.memory_space<vmem>>, vector<1x16xf32>,
          %get3A_976 = arith.index_cast %add3A_931 : i32 to index
          %get3A_977 = arith.constant 64 : index
          %get3A_978 = tpu.vector_load %arg10[%get3A_976, %get3A_977] {strides = array<i32>} : memref<240x128xf32, #tpu.memory_space<vmem>>, vector<1x16xf32>,
          %get3A_979 = vector.shape_cast %get3A_978 : vector<1x16xf32> to vector<16xf32>
          %mul3A_980 = vector.broadcast %squeeze3A_926 : f32 to vector<16xf32>
          %mul3A_981 = arith.mulf %get3A_979, %mul3A_980 : vector<16xf32>
          %swap3A_982 = arith.index_cast %add3A_931 : i32 to index
          %swap3A_983 = arith.constant 64 : index
          %swap3A_984 = tpu.vector_load %arg10[%swap3A_982, %swap3A_983] {strides = array<i32>} : memref<240x128xf32, #tpu.memory_space<vmem>>, vector<1x16xf32>,
          %swap3A_985 = vector.shape_cast %swap3A_984 : vector<1x16xf32> to vector<16xf32>
          %swap3A_986 = vector.shape_cast %mul3A_981 : vector<16xf32> to vector<1x16xf32>
          tpu.vector_store %arg10[%swap3A_982, %swap3A_983], %swap3A_986 {strides = array<i32>} : memref<240x128xf32, #tpu.memory_space<vmem>>, vector<1x16xf32>,
          %get3A_987 = arith.index_cast %add3A_931 : i32 to index
          %get3A_988 = arith.constant 80 : index
          %get3A_989 = tpu.vector_load %arg10[%get3A_987, %get3A_988] {strides = array<i32>} : memref<240x128xf32, #tpu.memory_space<vmem>>, vector<1x16xf32>,
          %get3A_990 = vector.shape_cast %get3A_989 : vector<1x16xf32> to vector<16xf32>
          %mul3A_991 = vector.broadcast %squeeze3A_926 : f32 to vector<16xf32>
          %mul3A_992 = arith.mulf %get3A_990, %mul3A_991 : vector<16xf32>
          %swap3A_993 = arith.index_cast %add3A_931 : i32 to index
          %swap3A_994 = arith.constant 80 : index
          %swap3A_995 = tpu.vector_load %arg10[%swap3A_993, %swap3A_994] {strides = array<i32>} : memref<240x128xf32, #tpu.memory_space<vmem>>, vector<1x16xf32>,
          %swap3A_996 = vector.shape_cast %swap3A_995 : vector<1x16xf32> to vector<16xf32>
          %swap3A_997 = vector.shape_cast %mul3A_992 : vector<16xf32> to vector<1x16xf32>
          tpu.vector_store %arg10[%swap3A_993, %swap3A_994], %swap3A_997 {strides = array<i32>} : memref<240x128xf32, #tpu.memory_space<vmem>>, vector<1x16xf32>,
          %get3A_998 = arith.index_cast %add3A_931 : i32 to index
          %get3A_999 = arith.constant 96 : index
          %get3A_1000 = tpu.vector_load %arg10[%get3A_998, %get3A_999] {strides = array<i32>} : memref<240x128xf32, #tpu.memory_space<vmem>>, vector<1x16xf32>,
          %get3A_1001 = vector.shape_cast %get3A_1000 : vector<1x16xf32> to vector<16xf32>
          %mul3A_1002 = vector.broadcast %squeeze3A_926 : f32 to vector<16xf32>
          %mul3A_1003 = arith.mulf %get3A_1001, %mul3A_1002 : vector<16xf32>
          %swap3A_1004 = arith.index_cast %add3A_931 : i32 to index
          %swap3A_1005 = arith.constant 96 : index
          %swap3A_1006 = tpu.vector_load %arg10[%swap3A_1004, %swap3A_1005] {strides = array<i32>} : memref<240x128xf32, #tpu.memory_space<vmem>>, vector<1x16xf32>,
          %swap3A_1007 = vector.shape_cast %swap3A_1006 : vector<1x16xf32> to vector<16xf32>
          %swap3A_1008 = vector.shape_cast %mul3A_1003 : vector<16xf32> to vector<1x16xf32>
          tpu.vector_store %arg10[%swap3A_1004, %swap3A_1005], %swap3A_1008 {strides = array<i32>} : memref<240x128xf32, #tpu.memory_space<vmem>>, vector<1x16xf32>,
          %get3A_1009 = arith.index_cast %add3A_931 : i32 to index
          %get3A_1010 = arith.constant 112 : index
          %get3A_1011 = tpu.vector_load %arg10[%get3A_1009, %get3A_1010] {strides = array<i32>} : memref<240x128xf32, #tpu.memory_space<vmem>>, vector<1x16xf32>,
          %get3A_1012 = vector.shape_cast %get3A_1011 : vector<1x16xf32> to vector<16xf32>
          %mul3A_1013 = vector.broadcast %squeeze3A_926 : f32 to vector<16xf32>
          %mul3A_1014 = arith.mulf %get3A_1012, %mul3A_1013 : vector<16xf32>
          %swap3A_1015 = arith.index_cast %add3A_931 : i32 to index
          %swap3A_1016 = arith.constant 112 : index
          %swap3A_1017 = tpu.vector_load %arg10[%swap3A_1015, %swap3A_1016] {strides = array<i32>} : memref<240x128xf32, #tpu.memory_space<vmem>>, vector<1x16xf32>,
          %swap3A_1018 = vector.shape_cast %swap3A_1017 : vector<1x16xf32> to vector<16xf32>
          %swap3A_1019 = vector.shape_cast %mul3A_1014 : vector<16xf32> to vector<1x16xf32>
          tpu.vector_store %arg10[%swap3A_1015, %swap3A_1016], %swap3A_1019 {strides = array<i32>} : memref<240x128xf32, #tpu.memory_space<vmem>>, vector<1x16xf32>,
          %slice3A_1020 = vector.extract_strided_slice %get3A_167 {offsets = [9], sizes = [1], strides = [1]} : vector<16xf32> to vector<1xf32>
          %squeeze3A_1021 = vector.extract %slice3A_1020[0] : f32 from vector<1xf32>
          %mul3A_1022 = arith.constant 16 : i32
          %mul3A_1023 = arith.muli %scan3A_162, %mul3A_1022 : i32
          %add3A_1024 = arith.addi %mul3A_117, %mul3A_1023 : i32
          %add3A_1025 = arith.constant 9 : i32
          %add3A_1026 = arith.addi %add3A_1024, %add3A_1025 : i32
          %get3A_1027 = arith.index_cast %add3A_1026 : i32 to index
          %get3A_1028 = arith.constant 0 : index
          %get3A_1029 = tpu.vector_load %arg10[%get3A_1027, %get3A_1028] {strides = array<i32>} : memref<240x128xf32, #tpu.memory_space<vmem>>, vector<1x16xf32>,
          %get3A_1030 = vector.shape_cast %get3A_1029 : vector<1x16xf32> to vector<16xf32>
          %mul3A_1031 = vector.broadcast %squeeze3A_1021 : f32 to vector<16xf32>
          %mul3A_1032 = arith.mulf %get3A_1030, %mul3A_1031 : vector<16xf32>
          %swap3A_1033 = arith.index_cast %add3A_1026 : i32 to index
          %swap3A_1034 = arith.constant 0 : index
          %swap3A_1035 = tpu.vector_load %arg10[%swap3A_1033, %swap3A_1034] {strides = array<i32>} : memref<240x128xf32, #tpu.memory_space<vmem>>, vector<1x16xf32>,
          %swap3A_1036 = vector.shape_cast %swap3A_1035 : vector<1x16xf32> to vector<16xf32>
          %swap3A_1037 = vector.shape_cast %mul3A_1032 : vector<16xf32> to vector<1x16xf32>
          tpu.vector_store %arg10[%swap3A_1033, %swap3A_1034], %swap3A_1037 {strides = array<i32>} : memref<240x128xf32, #tpu.memory_space<vmem>>, vector<1x16xf32>,
          %get3A_1038 = arith.index_cast %add3A_1026 : i32 to index
          %get3A_1039 = arith.constant 16 : index
          %get3A_1040 = tpu.vector_load %arg10[%get3A_1038, %get3A_1039] {strides = array<i32>} : memref<240x128xf32, #tpu.memory_space<vmem>>, vector<1x16xf32>,
          %get3A_1041 = vector.shape_cast %get3A_1040 : vector<1x16xf32> to vector<16xf32>
          %mul3A_1042 = vector.broadcast %squeeze3A_1021 : f32 to vector<16xf32>
          %mul3A_1043 = arith.mulf %get3A_1041, %mul3A_1042 : vector<16xf32>
          %swap3A_1044 = arith.index_cast %add3A_1026 : i32 to index
          %swap3A_1045 = arith.constant 16 : index
          %swap3A_1046 = tpu.vector_load %arg10[%swap3A_1044, %swap3A_1045] {strides = array<i32>} : memref<240x128xf32, #tpu.memory_space<vmem>>, vector<1x16xf32>,
          %swap3A_1047 = vector.shape_cast %swap3A_1046 : vector<1x16xf32> to vector<16xf32>
          %swap3A_1048 = vector.shape_cast %mul3A_1043 : vector<16xf32> to vector<1x16xf32>
          tpu.vector_store %arg10[%swap3A_1044, %swap3A_1045], %swap3A_1048 {strides = array<i32>} : memref<240x128xf32, #tpu.memory_space<vmem>>, vector<1x16xf32>,
          %get3A_1049 = arith.index_cast %add3A_1026 : i32 to index
          %get3A_1050 = arith.constant 32 : index
          %get3A_1051 = tpu.vector_load %arg10[%get3A_1049, %get3A_1050] {strides = array<i32>} : memref<240x128xf32, #tpu.memory_space<vmem>>, vector<1x16xf32>,
          %get3A_1052 = vector.shape_cast %get3A_1051 : vector<1x16xf32> to vector<16xf32>
          %mul3A_1053 = vector.broadcast %squeeze3A_1021 : f32 to vector<16xf32>
          %mul3A_1054 = arith.mulf %get3A_1052, %mul3A_1053 : vector<16xf32>
          %swap3A_1055 = arith.index_cast %add3A_1026 : i32 to index
          %swap3A_1056 = arith.constant 32 : index
          %swap3A_1057 = tpu.vector_load %arg10[%swap3A_1055, %swap3A_1056] {strides = array<i32>} : memref<240x128xf32, #tpu.memory_space<vmem>>, vector<1x16xf32>,
          %swap3A_1058 = vector.shape_cast %swap3A_1057 : vector<1x16xf32> to vector<16xf32>
          %swap3A_1059 = vector.shape_cast %mul3A_1054 : vector<16xf32> to vector<1x16xf32>
          tpu.vector_store %arg10[%swap3A_1055, %swap3A_1056], %swap3A_1059 {strides = array<i32>} : memref<240x128xf32, #tpu.memory_space<vmem>>, vector<1x16xf32>,
          %get3A_1060 = arith.index_cast %add3A_1026 : i32 to index
          %get3A_1061 = arith.constant 48 : index
          %get3A_1062 = tpu.vector_load %arg10[%get3A_1060, %get3A_1061] {strides = array<i32>} : memref<240x128xf32, #tpu.memory_space<vmem>>, vector<1x16xf32>,
          %get3A_1063 = vector.shape_cast %get3A_1062 : vector<1x16xf32> to vector<16xf32>
          %mul3A_1064 = vector.broadcast %squeeze3A_1021 : f32 to vector<16xf32>
          %mul3A_1065 = arith.mulf %get3A_1063, %mul3A_1064 : vector<16xf32>
          %swap3A_1066 = arith.index_cast %add3A_1026 : i32 to index
          %swap3A_1067 = arith.constant 48 : index
          %swap3A_1068 = tpu.vector_load %arg10[%swap3A_1066, %swap3A_1067] {strides = array<i32>} : memref<240x128xf32, #tpu.memory_space<vmem>>, vector<1x16xf32>,
          %swap3A_1069 = vector.shape_cast %swap3A_1068 : vector<1x16xf32> to vector<16xf32>
          %swap3A_1070 = vector.shape_cast %mul3A_1065 : vector<16xf32> to vector<1x16xf32>
          tpu.vector_store %arg10[%swap3A_1066, %swap3A_1067], %swap3A_1070 {strides = array<i32>} : memref<240x128xf32, #tpu.memory_space<vmem>>, vector<1x16xf32>,
          %get3A_1071 = arith.index_cast %add3A_1026 : i32 to index
          %get3A_1072 = arith.constant 64 : index
          %get3A_1073 = tpu.vector_load %arg10[%get3A_1071, %get3A_1072] {strides = array<i32>} : memref<240x128xf32, #tpu.memory_space<vmem>>, vector<1x16xf32>,
          %get3A_1074 = vector.shape_cast %get3A_1073 : vector<1x16xf32> to vector<16xf32>
          %mul3A_1075 = vector.broadcast %squeeze3A_1021 : f32 to vector<16xf32>
          %mul3A_1076 = arith.mulf %get3A_1074, %mul3A_1075 : vector<16xf32>
          %swap3A_1077 = arith.index_cast %add3A_1026 : i32 to index
          %swap3A_1078 = arith.constant 64 : index
          %swap3A_1079 = tpu.vector_load %arg10[%swap3A_1077, %swap3A_1078] {strides = array<i32>} : memref<240x128xf32, #tpu.memory_space<vmem>>, vector<1x16xf32>,
          %swap3A_1080 = vector.shape_cast %swap3A_1079 : vector<1x16xf32> to vector<16xf32>
          %swap3A_1081 = vector.shape_cast %mul3A_1076 : vector<16xf32> to vector<1x16xf32>
          tpu.vector_store %arg10[%swap3A_1077, %swap3A_1078], %swap3A_1081 {strides = array<i32>} : memref<240x128xf32, #tpu.memory_space<vmem>>, vector<1x16xf32>,
          %get3A_1082 = arith.index_cast %add3A_1026 : i32 to index
          %get3A_1083 = arith.constant 80 : index
          %get3A_1084 = tpu.vector_load %arg10[%get3A_1082, %get3A_1083] {strides = array<i32>} : memref<240x128xf32, #tpu.memory_space<vmem>>, vector<1x16xf32>,
          %get3A_1085 = vector.shape_cast %get3A_1084 : vector<1x16xf32> to vector<16xf32>
          %mul3A_1086 = vector.broadcast %squeeze3A_1021 : f32 to vector<16xf32>
          %mul3A_1087 = arith.mulf %get3A_1085, %mul3A_1086 : vector<16xf32>
          %swap3A_1088 = arith.index_cast %add3A_1026 : i32 to index
          %swap3A_1089 = arith.constant 80 : index
          %swap3A_1090 = tpu.vector_load %arg10[%swap3A_1088, %swap3A_1089] {strides = array<i32>} : memref<240x128xf32, #tpu.memory_space<vmem>>, vector<1x16xf32>,
          %swap3A_1091 = vector.shape_cast %swap3A_1090 : vector<1x16xf32> to vector<16xf32>
          %swap3A_1092 = vector.shape_cast %mul3A_1087 : vector<16xf32> to vector<1x16xf32>
          tpu.vector_store %arg10[%swap3A_1088, %swap3A_1089], %swap3A_1092 {strides = array<i32>} : memref<240x128xf32, #tpu.memory_space<vmem>>, vector<1x16xf32>,
          %get3A_1093 = arith.index_cast %add3A_1026 : i32 to index
          %get3A_1094 = arith.constant 96 : index
          %get3A_1095 = tpu.vector_load %arg10[%get3A_1093, %get3A_1094] {strides = array<i32>} : memref<240x128xf32, #tpu.memory_space<vmem>>, vector<1x16xf32>,
          %get3A_1096 = vector.shape_cast %get3A_1095 : vector<1x16xf32> to vector<16xf32>
          %mul3A_1097 = vector.broadcast %squeeze3A_1021 : f32 to vector<16xf32>
          %mul3A_1098 = arith.mulf %get3A_1096, %mul3A_1097 : vector<16xf32>
          %swap3A_1099 = arith.index_cast %add3A_1026 : i32 to index
          %swap3A_1100 = arith.constant 96 : index
          %swap3A_1101 = tpu.vector_load %arg10[%swap3A_1099, %swap3A_1100] {strides = array<i32>} : memref<240x128xf32, #tpu.memory_space<vmem>>, vector<1x16xf32>,
          %swap3A_1102 = vector.shape_cast %swap3A_1101 : vector<1x16xf32> to vector<16xf32>
          %swap3A_1103 = vector.shape_cast %mul3A_1098 : vector<16xf32> to vector<1x16xf32>
          tpu.vector_store %arg10[%swap3A_1099, %swap3A_1100], %swap3A_1103 {strides = array<i32>} : memref<240x128xf32, #tpu.memory_space<vmem>>, vector<1x16xf32>,
          %get3A_1104 = arith.index_cast %add3A_1026 : i32 to index
          %get3A_1105 = arith.constant 112 : index
          %get3A_1106 = tpu.vector_load %arg10[%get3A_1104, %get3A_1105] {strides = array<i32>} : memref<240x128xf32, #tpu.memory_space<vmem>>, vector<1x16xf32>,
          %get3A_1107 = vector.shape_cast %get3A_1106 : vector<1x16xf32> to vector<16xf32>
          %mul3A_1108 = vector.broadcast %squeeze3A_1021 : f32 to vector<16xf32>
          %mul3A_1109 = arith.mulf %get3A_1107, %mul3A_1108 : vector<16xf32>
          %swap3A_1110 = arith.index_cast %add3A_1026 : i32 to index
          %swap3A_1111 = arith.constant 112 : index
          %swap3A_1112 = tpu.vector_load %arg10[%swap3A_1110, %swap3A_1111] {strides = array<i32>} : memref<240x128xf32, #tpu.memory_space<vmem>>, vector<1x16xf32>,
          %swap3A_1113 = vector.shape_cast %swap3A_1112 : vector<1x16xf32> to vector<16xf32>
          %swap3A_1114 = vector.shape_cast %mul3A_1109 : vector<16xf32> to vector<1x16xf32>
          tpu.vector_store %arg10[%swap3A_1110, %swap3A_1111], %swap3A_1114 {strides = array<i32>} : memref<240x128xf32, #tpu.memory_space<vmem>>, vector<1x16xf32>,
          %slice3A_1115 = vector.extract_strided_slice %get3A_167 {offsets = [10], sizes = [1], strides = [1]} : vector<16xf32> to vector<1xf32>
          %squeeze3A_1116 = vector.extract %slice3A_1115[0] : f32 from vector<1xf32>
          %mul3A_1117 = arith.constant 16 : i32
          %mul3A_1118 = arith.muli %scan3A_162, %mul3A_1117 : i32
          %add3A_1119 = arith.addi %mul3A_117, %mul3A_1118 : i32
          %add3A_1120 = arith.constant 10 : i32
          %add3A_1121 = arith.addi %add3A_1119, %add3A_1120 : i32
          %get3A_1122 = arith.index_cast %add3A_1121 : i32 to index
          %get3A_1123 = arith.constant 0 : index
          %get3A_1124 = tpu.vector_load %arg10[%get3A_1122, %get3A_1123] {strides = array<i32>} : memref<240x128xf32, #tpu.memory_space<vmem>>, vector<1x16xf32>,
          %get3A_1125 = vector.shape_cast %get3A_1124 : vector<1x16xf32> to vector<16xf32>
          %mul3A_1126 = vector.broadcast %squeeze3A_1116 : f32 to vector<16xf32>
          %mul3A_1127 = arith.mulf %get3A_1125, %mul3A_1126 : vector<16xf32>
          %swap3A_1128 = arith.index_cast %add3A_1121 : i32 to index
          %swap3A_1129 = arith.constant 0 : index
          %swap3A_1130 = tpu.vector_load %arg10[%swap3A_1128, %swap3A_1129] {strides = array<i32>} : memref<240x128xf32, #tpu.memory_space<vmem>>, vector<1x16xf32>,
          %swap3A_1131 = vector.shape_cast %swap3A_1130 : vector<1x16xf32> to vector<16xf32>
          %swap3A_1132 = vector.shape_cast %mul3A_1127 : vector<16xf32> to vector<1x16xf32>
          tpu.vector_store %arg10[%swap3A_1128, %swap3A_1129], %swap3A_1132 {strides = array<i32>} : memref<240x128xf32, #tpu.memory_space<vmem>>, vector<1x16xf32>,
          %get3A_1133 = arith.index_cast %add3A_1121 : i32 to index
          %get3A_1134 = arith.constant 16 : index
          %get3A_1135 = tpu.vector_load %arg10[%get3A_1133, %get3A_1134] {strides = array<i32>} : memref<240x128xf32, #tpu.memory_space<vmem>>, vector<1x16xf32>,
          %get3A_1136 = vector.shape_cast %get3A_1135 : vector<1x16xf32> to vector<16xf32>
          %mul3A_1137 = vector.broadcast %squeeze3A_1116 : f32 to vector<16xf32>
          %mul3A_1138 = arith.mulf %get3A_1136, %mul3A_1137 : vector<16xf32>
          %swap3A_1139 = arith.index_cast %add3A_1121 : i32 to index
          %swap3A_1140 = arith.constant 16 : index
          %swap3A_1141 = tpu.vector_load %arg10[%swap3A_1139, %swap3A_1140] {strides = array<i32>} : memref<240x128xf32, #tpu.memory_space<vmem>>, vector<1x16xf32>,
          %swap3A_1142 = vector.shape_cast %swap3A_1141 : vector<1x16xf32> to vector<16xf32>
          %swap3A_1143 = vector.shape_cast %mul3A_1138 : vector<16xf32> to vector<1x16xf32>
          tpu.vector_store %arg10[%swap3A_1139, %swap3A_1140], %swap3A_1143 {strides = array<i32>} : memref<240x128xf32, #tpu.memory_space<vmem>>, vector<1x16xf32>,
          %get3A_1144 = arith.index_cast %add3A_1121 : i32 to index
          %get3A_1145 = arith.constant 32 : index
          %get3A_1146 = tpu.vector_load %arg10[%get3A_1144, %get3A_1145] {strides = array<i32>} : memref<240x128xf32, #tpu.memory_space<vmem>>, vector<1x16xf32>,
          %get3A_1147 = vector.shape_cast %get3A_1146 : vector<1x16xf32> to vector<16xf32>
          %mul3A_1148 = vector.broadcast %squeeze3A_1116 : f32 to vector<16xf32>
          %mul3A_1149 = arith.mulf %get3A_1147, %mul3A_1148 : vector<16xf32>
          %swap3A_1150 = arith.index_cast %add3A_1121 : i32 to index
          %swap3A_1151 = arith.constant 32 : index
          %swap3A_1152 = tpu.vector_load %arg10[%swap3A_1150, %swap3A_1151] {strides = array<i32>} : memref<240x128xf32, #tpu.memory_space<vmem>>, vector<1x16xf32>,
          %swap3A_1153 = vector.shape_cast %swap3A_1152 : vector<1x16xf32> to vector<16xf32>
          %swap3A_1154 = vector.shape_cast %mul3A_1149 : vector<16xf32> to vector<1x16xf32>
          tpu.vector_store %arg10[%swap3A_1150, %swap3A_1151], %swap3A_1154 {strides = array<i32>} : memref<240x128xf32, #tpu.memory_space<vmem>>, vector<1x16xf32>,
          %get3A_1155 = arith.index_cast %add3A_1121 : i32 to index
          %get3A_1156 = arith.constant 48 : index
          %get3A_1157 = tpu.vector_load %arg10[%get3A_1155, %get3A_1156] {strides = array<i32>} : memref<240x128xf32, #tpu.memory_space<vmem>>, vector<1x16xf32>,
          %get3A_1158 = vector.shape_cast %get3A_1157 : vector<1x16xf32> to vector<16xf32>
          %mul3A_1159 = vector.broadcast %squeeze3A_1116 : f32 to vector<16xf32>
          %mul3A_1160 = arith.mulf %get3A_1158, %mul3A_1159 : vector<16xf32>
          %swap3A_1161 = arith.index_cast %add3A_1121 : i32 to index
          %swap3A_1162 = arith.constant 48 : index
          %swap3A_1163 = tpu.vector_load %arg10[%swap3A_1161, %swap3A_1162] {strides = array<i32>} : memref<240x128xf32, #tpu.memory_space<vmem>>, vector<1x16xf32>,
          %swap3A_1164 = vector.shape_cast %swap3A_1163 : vector<1x16xf32> to vector<16xf32>
          %swap3A_1165 = vector.shape_cast %mul3A_1160 : vector<16xf32> to vector<1x16xf32>
          tpu.vector_store %arg10[%swap3A_1161, %swap3A_1162], %swap3A_1165 {strides = array<i32>} : memref<240x128xf32, #tpu.memory_space<vmem>>, vector<1x16xf32>,
          %get3A_1166 = arith.index_cast %add3A_1121 : i32 to index
          %get3A_1167 = arith.constant 64 : index
          %get3A_1168 = tpu.vector_load %arg10[%get3A_1166, %get3A_1167] {strides = array<i32>} : memref<240x128xf32, #tpu.memory_space<vmem>>, vector<1x16xf32>,
          %get3A_1169 = vector.shape_cast %get3A_1168 : vector<1x16xf32> to vector<16xf32>
          %mul3A_1170 = vector.broadcast %squeeze3A_1116 : f32 to vector<16xf32>
          %mul3A_1171 = arith.mulf %get3A_1169, %mul3A_1170 : vector<16xf32>
          %swap3A_1172 = arith.index_cast %add3A_1121 : i32 to index
          %swap3A_1173 = arith.constant 64 : index
          %swap3A_1174 = tpu.vector_load %arg10[%swap3A_1172, %swap3A_1173] {strides = array<i32>} : memref<240x128xf32, #tpu.memory_space<vmem>>, vector<1x16xf32>,
          %swap3A_1175 = vector.shape_cast %swap3A_1174 : vector<1x16xf32> to vector<16xf32>
          %swap3A_1176 = vector.shape_cast %mul3A_1171 : vector<16xf32> to vector<1x16xf32>
          tpu.vector_store %arg10[%swap3A_1172, %swap3A_1173], %swap3A_1176 {strides = array<i32>} : memref<240x128xf32, #tpu.memory_space<vmem>>, vector<1x16xf32>,
          %get3A_1177 = arith.index_cast %add3A_1121 : i32 to index
          %get3A_1178 = arith.constant 80 : index
          %get3A_1179 = tpu.vector_load %arg10[%get3A_1177, %get3A_1178] {strides = array<i32>} : memref<240x128xf32, #tpu.memory_space<vmem>>, vector<1x16xf32>,
          %get3A_1180 = vector.shape_cast %get3A_1179 : vector<1x16xf32> to vector<16xf32>
          %mul3A_1181 = vector.broadcast %squeeze3A_1116 : f32 to vector<16xf32>
          %mul3A_1182 = arith.mulf %get3A_1180, %mul3A_1181 : vector<16xf32>
          %swap3A_1183 = arith.index_cast %add3A_1121 : i32 to index
          %swap3A_1184 = arith.constant 80 : index
          %swap3A_1185 = tpu.vector_load %arg10[%swap3A_1183, %swap3A_1184] {strides = array<i32>} : memref<240x128xf32, #tpu.memory_space<vmem>>, vector<1x16xf32>,
          %swap3A_1186 = vector.shape_cast %swap3A_1185 : vector<1x16xf32> to vector<16xf32>
          %swap3A_1187 = vector.shape_cast %mul3A_1182 : vector<16xf32> to vector<1x16xf32>
          tpu.vector_store %arg10[%swap3A_1183, %swap3A_1184], %swap3A_1187 {strides = array<i32>} : memref<240x128xf32, #tpu.memory_space<vmem>>, vector<1x16xf32>,
          %get3A_1188 = arith.index_cast %add3A_1121 : i32 to index
          %get3A_1189 = arith.constant 96 : index
          %get3A_1190 = tpu.vector_load %arg10[%get3A_1188, %get3A_1189] {strides = array<i32>} : memref<240x128xf32, #tpu.memory_space<vmem>>, vector<1x16xf32>,
          %get3A_1191 = vector.shape_cast %get3A_1190 : vector<1x16xf32> to vector<16xf32>
          %mul3A_1192 = vector.broadcast %squeeze3A_1116 : f32 to vector<16xf32>
          %mul3A_1193 = arith.mulf %get3A_1191, %mul3A_1192 : vector<16xf32>
          %swap3A_1194 = arith.index_cast %add3A_1121 : i32 to index
          %swap3A_1195 = arith.constant 96 : index
          %swap3A_1196 = tpu.vector_load %arg10[%swap3A_1194, %swap3A_1195] {strides = array<i32>} : memref<240x128xf32, #tpu.memory_space<vmem>>, vector<1x16xf32>,
          %swap3A_1197 = vector.shape_cast %swap3A_1196 : vector<1x16xf32> to vector<16xf32>
          %swap3A_1198 = vector.shape_cast %mul3A_1193 : vector<16xf32> to vector<1x16xf32>
          tpu.vector_store %arg10[%swap3A_1194, %swap3A_1195], %swap3A_1198 {strides = array<i32>} : memref<240x128xf32, #tpu.memory_space<vmem>>, vector<1x16xf32>,
          %get3A_1199 = arith.index_cast %add3A_1121 : i32 to index
          %get3A_1200 = arith.constant 112 : index
          %get3A_1201 = tpu.vector_load %arg10[%get3A_1199, %get3A_1200] {strides = array<i32>} : memref<240x128xf32, #tpu.memory_space<vmem>>, vector<1x16xf32>,
          %get3A_1202 = vector.shape_cast %get3A_1201 : vector<1x16xf32> to vector<16xf32>
          %mul3A_1203 = vector.broadcast %squeeze3A_1116 : f32 to vector<16xf32>
          %mul3A_1204 = arith.mulf %get3A_1202, %mul3A_1203 : vector<16xf32>
          %swap3A_1205 = arith.index_cast %add3A_1121 : i32 to index
          %swap3A_1206 = arith.constant 112 : index
          %swap3A_1207 = tpu.vector_load %arg10[%swap3A_1205, %swap3A_1206] {strides = array<i32>} : memref<240x128xf32, #tpu.memory_space<vmem>>, vector<1x16xf32>,
          %swap3A_1208 = vector.shape_cast %swap3A_1207 : vector<1x16xf32> to vector<16xf32>
          %swap3A_1209 = vector.shape_cast %mul3A_1204 : vector<16xf32> to vector<1x16xf32>
          tpu.vector_store %arg10[%swap3A_1205, %swap3A_1206], %swap3A_1209 {strides = array<i32>} : memref<240x128xf32, #tpu.memory_space<vmem>>, vector<1x16xf32>,
          %slice3A_1210 = vector.extract_strided_slice %get3A_167 {offsets = [11], sizes = [1], strides = [1]} : vector<16xf32> to vector<1xf32>
          %squeeze3A_1211 = vector.extract %slice3A_1210[0] : f32 from vector<1xf32>
          %mul3A_1212 = arith.constant 16 : i32
          %mul3A_1213 = arith.muli %scan3A_162, %mul3A_1212 : i32
          %add3A_1214 = arith.addi %mul3A_117, %mul3A_1213 : i32
          %add3A_1215 = arith.constant 11 : i32
          %add3A_1216 = arith.addi %add3A_1214, %add3A_1215 : i32
          %get3A_1217 = arith.index_cast %add3A_1216 : i32 to index
          %get3A_1218 = arith.constant 0 : index
          %get3A_1219 = tpu.vector_load %arg10[%get3A_1217, %get3A_1218] {strides = array<i32>} : memref<240x128xf32, #tpu.memory_space<vmem>>, vector<1x16xf32>,
          %get3A_1220 = vector.shape_cast %get3A_1219 : vector<1x16xf32> to vector<16xf32>
          %mul3A_1221 = vector.broadcast %squeeze3A_1211 : f32 to vector<16xf32>
          %mul3A_1222 = arith.mulf %get3A_1220, %mul3A_1221 : vector<16xf32>
          %swap3A_1223 = arith.index_cast %add3A_1216 : i32 to index
          %swap3A_1224 = arith.constant 0 : index
          %swap3A_1225 = tpu.vector_load %arg10[%swap3A_1223, %swap3A_1224] {strides = array<i32>} : memref<240x128xf32, #tpu.memory_space<vmem>>, vector<1x16xf32>,
          %swap3A_1226 = vector.shape_cast %swap3A_1225 : vector<1x16xf32> to vector<16xf32>
          %swap3A_1227 = vector.shape_cast %mul3A_1222 : vector<16xf32> to vector<1x16xf32>
          tpu.vector_store %arg10[%swap3A_1223, %swap3A_1224], %swap3A_1227 {strides = array<i32>} : memref<240x128xf32, #tpu.memory_space<vmem>>, vector<1x16xf32>,
          %get3A_1228 = arith.index_cast %add3A_1216 : i32 to index
          %get3A_1229 = arith.constant 16 : index
          %get3A_1230 = tpu.vector_load %arg10[%get3A_1228, %get3A_1229] {strides = array<i32>} : memref<240x128xf32, #tpu.memory_space<vmem>>, vector<1x16xf32>,
          %get3A_1231 = vector.shape_cast %get3A_1230 : vector<1x16xf32> to vector<16xf32>
          %mul3A_1232 = vector.broadcast %squeeze3A_1211 : f32 to vector<16xf32>
          %mul3A_1233 = arith.mulf %get3A_1231, %mul3A_1232 : vector<16xf32>
          %swap3A_1234 = arith.index_cast %add3A_1216 : i32 to index
          %swap3A_1235 = arith.constant 16 : index
          %swap3A_1236 = tpu.vector_load %arg10[%swap3A_1234, %swap3A_1235] {strides = array<i32>} : memref<240x128xf32, #tpu.memory_space<vmem>>, vector<1x16xf32>,
          %swap3A_1237 = vector.shape_cast %swap3A_1236 : vector<1x16xf32> to vector<16xf32>
          %swap3A_1238 = vector.shape_cast %mul3A_1233 : vector<16xf32> to vector<1x16xf32>
          tpu.vector_store %arg10[%swap3A_1234, %swap3A_1235], %swap3A_1238 {strides = array<i32>} : memref<240x128xf32, #tpu.memory_space<vmem>>, vector<1x16xf32>,
          %get3A_1239 = arith.index_cast %add3A_1216 : i32 to index
          %get3A_1240 = arith.constant 32 : index
          %get3A_1241 = tpu.vector_load %arg10[%get3A_1239, %get3A_1240] {strides = array<i32>} : memref<240x128xf32, #tpu.memory_space<vmem>>, vector<1x16xf32>,
          %get3A_1242 = vector.shape_cast %get3A_1241 : vector<1x16xf32> to vector<16xf32>
          %mul3A_1243 = vector.broadcast %squeeze3A_1211 : f32 to vector<16xf32>
          %mul3A_1244 = arith.mulf %get3A_1242, %mul3A_1243 : vector<16xf32>
          %swap3A_1245 = arith.index_cast %add3A_1216 : i32 to index
          %swap3A_1246 = arith.constant 32 : index
          %swap3A_1247 = tpu.vector_load %arg10[%swap3A_1245, %swap3A_1246] {strides = array<i32>} : memref<240x128xf32, #tpu.memory_space<vmem>>, vector<1x16xf32>,
          %swap3A_1248 = vector.shape_cast %swap3A_1247 : vector<1x16xf32> to vector<16xf32>
          %swap3A_1249 = vector.shape_cast %mul3A_1244 : vector<16xf32> to vector<1x16xf32>
          tpu.vector_store %arg10[%swap3A_1245, %swap3A_1246], %swap3A_1249 {strides = array<i32>} : memref<240x128xf32, #tpu.memory_space<vmem>>, vector<1x16xf32>,
          %get3A_1250 = arith.index_cast %add3A_1216 : i32 to index
          %get3A_1251 = arith.constant 48 : index
          %get3A_1252 = tpu.vector_load %arg10[%get3A_1250, %get3A_1251] {strides = array<i32>} : memref<240x128xf32, #tpu.memory_space<vmem>>, vector<1x16xf32>,
          %get3A_1253 = vector.shape_cast %get3A_1252 : vector<1x16xf32> to vector<16xf32>
          %mul3A_1254 = vector.broadcast %squeeze3A_1211 : f32 to vector<16xf32>
          %mul3A_1255 = arith.mulf %get3A_1253, %mul3A_1254 : vector<16xf32>
          %swap3A_1256 = arith.index_cast %add3A_1216 : i32 to index
          %swap3A_1257 = arith.constant 48 : index
          %swap3A_1258 = tpu.vector_load %arg10[%swap3A_1256, %swap3A_1257] {strides = array<i32>} : memref<240x128xf32, #tpu.memory_space<vmem>>, vector<1x16xf32>,
          %swap3A_1259 = vector.shape_cast %swap3A_1258 : vector<1x16xf32> to vector<16xf32>
          %swap3A_1260 = vector.shape_cast %mul3A_1255 : vector<16xf32> to vector<1x16xf32>
          tpu.vector_store %arg10[%swap3A_1256, %swap3A_1257], %swap3A_1260 {strides = array<i32>} : memref<240x128xf32, #tpu.memory_space<vmem>>, vector<1x16xf32>,
          %get3A_1261 = arith.index_cast %add3A_1216 : i32 to index
          %get3A_1262 = arith.constant 64 : index
          %get3A_1263 = tpu.vector_load %arg10[%get3A_1261, %get3A_1262] {strides = array<i32>} : memref<240x128xf32, #tpu.memory_space<vmem>>, vector<1x16xf32>,
          %get3A_1264 = vector.shape_cast %get3A_1263 : vector<1x16xf32> to vector<16xf32>
          %mul3A_1265 = vector.broadcast %squeeze3A_1211 : f32 to vector<16xf32>
          %mul3A_1266 = arith.mulf %get3A_1264, %mul3A_1265 : vector<16xf32>
          %swap3A_1267 = arith.index_cast %add3A_1216 : i32 to index
          %swap3A_1268 = arith.constant 64 : index
          %swap3A_1269 = tpu.vector_load %arg10[%swap3A_1267, %swap3A_1268] {strides = array<i32>} : memref<240x128xf32, #tpu.memory_space<vmem>>, vector<1x16xf32>,
          %swap3A_1270 = vector.shape_cast %swap3A_1269 : vector<1x16xf32> to vector<16xf32>
          %swap3A_1271 = vector.shape_cast %mul3A_1266 : vector<16xf32> to vector<1x16xf32>
          tpu.vector_store %arg10[%swap3A_1267, %swap3A_1268], %swap3A_1271 {strides = array<i32>} : memref<240x128xf32, #tpu.memory_space<vmem>>, vector<1x16xf32>,
          %get3A_1272 = arith.index_cast %add3A_1216 : i32 to index
          %get3A_1273 = arith.constant 80 : index
          %get3A_1274 = tpu.vector_load %arg10[%get3A_1272, %get3A_1273] {strides = array<i32>} : memref<240x128xf32, #tpu.memory_space<vmem>>, vector<1x16xf32>,
          %get3A_1275 = vector.shape_cast %get3A_1274 : vector<1x16xf32> to vector<16xf32>
          %mul3A_1276 = vector.broadcast %squeeze3A_1211 : f32 to vector<16xf32>
          %mul3A_1277 = arith.mulf %get3A_1275, %mul3A_1276 : vector<16xf32>
          %swap3A_1278 = arith.index_cast %add3A_1216 : i32 to index
          %swap3A_1279 = arith.constant 80 : index
          %swap3A_1280 = tpu.vector_load %arg10[%swap3A_1278, %swap3A_1279] {strides = array<i32>} : memref<240x128xf32, #tpu.memory_space<vmem>>, vector<1x16xf32>,
          %swap3A_1281 = vector.shape_cast %swap3A_1280 : vector<1x16xf32> to vector<16xf32>
          %swap3A_1282 = vector.shape_cast %mul3A_1277 : vector<16xf32> to vector<1x16xf32>
          tpu.vector_store %arg10[%swap3A_1278, %swap3A_1279], %swap3A_1282 {strides = array<i32>} : memref<240x128xf32, #tpu.memory_space<vmem>>, vector<1x16xf32>,
          %get3A_1283 = arith.index_cast %add3A_1216 : i32 to index
          %get3A_1284 = arith.constant 96 : index
          %get3A_1285 = tpu.vector_load %arg10[%get3A_1283, %get3A_1284] {strides = array<i32>} : memref<240x128xf32, #tpu.memory_space<vmem>>, vector<1x16xf32>,
          %get3A_1286 = vector.shape_cast %get3A_1285 : vector<1x16xf32> to vector<16xf32>
          %mul3A_1287 = vector.broadcast %squeeze3A_1211 : f32 to vector<16xf32>
          %mul3A_1288 = arith.mulf %get3A_1286, %mul3A_1287 : vector<16xf32>
          %swap3A_1289 = arith.index_cast %add3A_1216 : i32 to index
          %swap3A_1290 = arith.constant 96 : index
          %swap3A_1291 = tpu.vector_load %arg10[%swap3A_1289, %swap3A_1290] {strides = array<i32>} : memref<240x128xf32, #tpu.memory_space<vmem>>, vector<1x16xf32>,
          %swap3A_1292 = vector.shape_cast %swap3A_1291 : vector<1x16xf32> to vector<16xf32>
          %swap3A_1293 = vector.shape_cast %mul3A_1288 : vector<16xf32> to vector<1x16xf32>
          tpu.vector_store %arg10[%swap3A_1289, %swap3A_1290], %swap3A_1293 {strides = array<i32>} : memref<240x128xf32, #tpu.memory_space<vmem>>, vector<1x16xf32>,
          %get3A_1294 = arith.index_cast %add3A_1216 : i32 to index
          %get3A_1295 = arith.constant 112 : index
          %get3A_1296 = tpu.vector_load %arg10[%get3A_1294, %get3A_1295] {strides = array<i32>} : memref<240x128xf32, #tpu.memory_space<vmem>>, vector<1x16xf32>,
          %get3A_1297 = vector.shape_cast %get3A_1296 : vector<1x16xf32> to vector<16xf32>
          %mul3A_1298 = vector.broadcast %squeeze3A_1211 : f32 to vector<16xf32>
          %mul3A_1299 = arith.mulf %get3A_1297, %mul3A_1298 : vector<16xf32>
          %swap3A_1300 = arith.index_cast %add3A_1216 : i32 to index
          %swap3A_1301 = arith.constant 112 : index
          %swap3A_1302 = tpu.vector_load %arg10[%swap3A_1300, %swap3A_1301] {strides = array<i32>} : memref<240x128xf32, #tpu.memory_space<vmem>>, vector<1x16xf32>,
          %swap3A_1303 = vector.shape_cast %swap3A_1302 : vector<1x16xf32> to vector<16xf32>
          %swap3A_1304 = vector.shape_cast %mul3A_1299 : vector<16xf32> to vector<1x16xf32>
          tpu.vector_store %arg10[%swap3A_1300, %swap3A_1301], %swap3A_1304 {strides = array<i32>} : memref<240x128xf32, #tpu.memory_space<vmem>>, vector<1x16xf32>,
          %slice3A_1305 = vector.extract_strided_slice %get3A_167 {offsets = [12], sizes = [1], strides = [1]} : vector<16xf32> to vector<1xf32>
          %squeeze3A_1306 = vector.extract %slice3A_1305[0] : f32 from vector<1xf32>
          %mul3A_1307 = arith.constant 16 : i32
          %mul3A_1308 = arith.muli %scan3A_162, %mul3A_1307 : i32
          %add3A_1309 = arith.addi %mul3A_117, %mul3A_1308 : i32
          %add3A_1310 = arith.constant 12 : i32
          %add3A_1311 = arith.addi %add3A_1309, %add3A_1310 : i32
          %get3A_1312 = arith.index_cast %add3A_1311 : i32 to index
          %get3A_1313 = arith.constant 0 : index
          %get3A_1314 = tpu.vector_load %arg10[%get3A_1312, %get3A_1313] {strides = array<i32>} : memref<240x128xf32, #tpu.memory_space<vmem>>, vector<1x16xf32>,
          %get3A_1315 = vector.shape_cast %get3A_1314 : vector<1x16xf32> to vector<16xf32>
          %mul3A_1316 = vector.broadcast %squeeze3A_1306 : f32 to vector<16xf32>
          %mul3A_1317 = arith.mulf %get3A_1315, %mul3A_1316 : vector<16xf32>
          %swap3A_1318 = arith.index_cast %add3A_1311 : i32 to index
          %swap3A_1319 = arith.constant 0 : index
          %swap3A_1320 = tpu.vector_load %arg10[%swap3A_1318, %swap3A_1319] {strides = array<i32>} : memref<240x128xf32, #tpu.memory_space<vmem>>, vector<1x16xf32>,
          %swap3A_1321 = vector.shape_cast %swap3A_1320 : vector<1x16xf32> to vector<16xf32>
          %swap3A_1322 = vector.shape_cast %mul3A_1317 : vector<16xf32> to vector<1x16xf32>
          tpu.vector_store %arg10[%swap3A_1318, %swap3A_1319], %swap3A_1322 {strides = array<i32>} : memref<240x128xf32, #tpu.memory_space<vmem>>, vector<1x16xf32>,
          %get3A_1323 = arith.index_cast %add3A_1311 : i32 to index
          %get3A_1324 = arith.constant 16 : index
          %get3A_1325 = tpu.vector_load %arg10[%get3A_1323, %get3A_1324] {strides = array<i32>} : memref<240x128xf32, #tpu.memory_space<vmem>>, vector<1x16xf32>,
          %get3A_1326 = vector.shape_cast %get3A_1325 : vector<1x16xf32> to vector<16xf32>
          %mul3A_1327 = vector.broadcast %squeeze3A_1306 : f32 to vector<16xf32>
          %mul3A_1328 = arith.mulf %get3A_1326, %mul3A_1327 : vector<16xf32>
          %swap3A_1329 = arith.index_cast %add3A_1311 : i32 to index
          %swap3A_1330 = arith.constant 16 : index
          %swap3A_1331 = tpu.vector_load %arg10[%swap3A_1329, %swap3A_1330] {strides = array<i32>} : memref<240x128xf32, #tpu.memory_space<vmem>>, vector<1x16xf32>,
          %swap3A_1332 = vector.shape_cast %swap3A_1331 : vector<1x16xf32> to vector<16xf32>
          %swap3A_1333 = vector.shape_cast %mul3A_1328 : vector<16xf32> to vector<1x16xf32>
          tpu.vector_store %arg10[%swap3A_1329, %swap3A_1330], %swap3A_1333 {strides = array<i32>} : memref<240x128xf32, #tpu.memory_space<vmem>>, vector<1x16xf32>,
          %get3A_1334 = arith.index_cast %add3A_1311 : i32 to index
          %get3A_1335 = arith.constant 32 : index
          %get3A_1336 = tpu.vector_load %arg10[%get3A_1334, %get3A_1335] {strides = array<i32>} : memref<240x128xf32, #tpu.memory_space<vmem>>, vector<1x16xf32>,
          %get3A_1337 = vector.shape_cast %get3A_1336 : vector<1x16xf32> to vector<16xf32>
          %mul3A_1338 = vector.broadcast %squeeze3A_1306 : f32 to vector<16xf32>
          %mul3A_1339 = arith.mulf %get3A_1337, %mul3A_1338 : vector<16xf32>
          %swap3A_1340 = arith.index_cast %add3A_1311 : i32 to index
          %swap3A_1341 = arith.constant 32 : index
          %swap3A_1342 = tpu.vector_load %arg10[%swap3A_1340, %swap3A_1341] {strides = array<i32>} : memref<240x128xf32, #tpu.memory_space<vmem>>, vector<1x16xf32>,
          %swap3A_1343 = vector.shape_cast %swap3A_1342 : vector<1x16xf32> to vector<16xf32>
          %swap3A_1344 = vector.shape_cast %mul3A_1339 : vector<16xf32> to vector<1x16xf32>
          tpu.vector_store %arg10[%swap3A_1340, %swap3A_1341], %swap3A_1344 {strides = array<i32>} : memref<240x128xf32, #tpu.memory_space<vmem>>, vector<1x16xf32>,
          %get3A_1345 = arith.index_cast %add3A_1311 : i32 to index
          %get3A_1346 = arith.constant 48 : index
          %get3A_1347 = tpu.vector_load %arg10[%get3A_1345, %get3A_1346] {strides = array<i32>} : memref<240x128xf32, #tpu.memory_space<vmem>>, vector<1x16xf32>,
          %get3A_1348 = vector.shape_cast %get3A_1347 : vector<1x16xf32> to vector<16xf32>
          %mul3A_1349 = vector.broadcast %squeeze3A_1306 : f32 to vector<16xf32>
          %mul3A_1350 = arith.mulf %get3A_1348, %mul3A_1349 : vector<16xf32>
          %swap3A_1351 = arith.index_cast %add3A_1311 : i32 to index
          %swap3A_1352 = arith.constant 48 : index
          %swap3A_1353 = tpu.vector_load %arg10[%swap3A_1351, %swap3A_1352] {strides = array<i32>} : memref<240x128xf32, #tpu.memory_space<vmem>>, vector<1x16xf32>,
          %swap3A_1354 = vector.shape_cast %swap3A_1353 : vector<1x16xf32> to vector<16xf32>
          %swap3A_1355 = vector.shape_cast %mul3A_1350 : vector<16xf32> to vector<1x16xf32>
          tpu.vector_store %arg10[%swap3A_1351, %swap3A_1352], %swap3A_1355 {strides = array<i32>} : memref<240x128xf32, #tpu.memory_space<vmem>>, vector<1x16xf32>,
          %get3A_1356 = arith.index_cast %add3A_1311 : i32 to index
          %get3A_1357 = arith.constant 64 : index
          %get3A_1358 = tpu.vector_load %arg10[%get3A_1356, %get3A_1357] {strides = array<i32>} : memref<240x128xf32, #tpu.memory_space<vmem>>, vector<1x16xf32>,
          %get3A_1359 = vector.shape_cast %get3A_1358 : vector<1x16xf32> to vector<16xf32>
          %mul3A_1360 = vector.broadcast %squeeze3A_1306 : f32 to vector<16xf32>
          %mul3A_1361 = arith.mulf %get3A_1359, %mul3A_1360 : vector<16xf32>
          %swap3A_1362 = arith.index_cast %add3A_1311 : i32 to index
          %swap3A_1363 = arith.constant 64 : index
          %swap3A_1364 = tpu.vector_load %arg10[%swap3A_1362, %swap3A_1363] {strides = array<i32>} : memref<240x128xf32, #tpu.memory_space<vmem>>, vector<1x16xf32>,
          %swap3A_1365 = vector.shape_cast %swap3A_1364 : vector<1x16xf32> to vector<16xf32>
          %swap3A_1366 = vector.shape_cast %mul3A_1361 : vector<16xf32> to vector<1x16xf32>
          tpu.vector_store %arg10[%swap3A_1362, %swap3A_1363], %swap3A_1366 {strides = array<i32>} : memref<240x128xf32, #tpu.memory_space<vmem>>, vector<1x16xf32>,
          %get3A_1367 = arith.index_cast %add3A_1311 : i32 to index
          %get3A_1368 = arith.constant 80 : index
          %get3A_1369 = tpu.vector_load %arg10[%get3A_1367, %get3A_1368] {strides = array<i32>} : memref<240x128xf32, #tpu.memory_space<vmem>>, vector<1x16xf32>,
          %get3A_1370 = vector.shape_cast %get3A_1369 : vector<1x16xf32> to vector<16xf32>
          %mul3A_1371 = vector.broadcast %squeeze3A_1306 : f32 to vector<16xf32>
          %mul3A_1372 = arith.mulf %get3A_1370, %mul3A_1371 : vector<16xf32>
          %swap3A_1373 = arith.index_cast %add3A_1311 : i32 to index
          %swap3A_1374 = arith.constant 80 : index
          %swap3A_1375 = tpu.vector_load %arg10[%swap3A_1373, %swap3A_1374] {strides = array<i32>} : memref<240x128xf32, #tpu.memory_space<vmem>>, vector<1x16xf32>,
          %swap3A_1376 = vector.shape_cast %swap3A_1375 : vector<1x16xf32> to vector<16xf32>
          %swap3A_1377 = vector.shape_cast %mul3A_1372 : vector<16xf32> to vector<1x16xf32>
          tpu.vector_store %arg10[%swap3A_1373, %swap3A_1374], %swap3A_1377 {strides = array<i32>} : memref<240x128xf32, #tpu.memory_space<vmem>>, vector<1x16xf32>,
          %get3A_1378 = arith.index_cast %add3A_1311 : i32 to index
          %get3A_1379 = arith.constant 96 : index
          %get3A_1380 = tpu.vector_load %arg10[%get3A_1378, %get3A_1379] {strides = array<i32>} : memref<240x128xf32, #tpu.memory_space<vmem>>, vector<1x16xf32>,
          %get3A_1381 = vector.shape_cast %get3A_1380 : vector<1x16xf32> to vector<16xf32>
          %mul3A_1382 = vector.broadcast %squeeze3A_1306 : f32 to vector<16xf32>
          %mul3A_1383 = arith.mulf %get3A_1381, %mul3A_1382 : vector<16xf32>
          %swap3A_1384 = arith.index_cast %add3A_1311 : i32 to index
          %swap3A_1385 = arith.constant 96 : index
          %swap3A_1386 = tpu.vector_load %arg10[%swap3A_1384, %swap3A_1385] {strides = array<i32>} : memref<240x128xf32, #tpu.memory_space<vmem>>, vector<1x16xf32>,
          %swap3A_1387 = vector.shape_cast %swap3A_1386 : vector<1x16xf32> to vector<16xf32>
          %swap3A_1388 = vector.shape_cast %mul3A_1383 : vector<16xf32> to vector<1x16xf32>
          tpu.vector_store %arg10[%swap3A_1384, %swap3A_1385], %swap3A_1388 {strides = array<i32>} : memref<240x128xf32, #tpu.memory_space<vmem>>, vector<1x16xf32>,
          %get3A_1389 = arith.index_cast %add3A_1311 : i32 to index
          %get3A_1390 = arith.constant 112 : index
          %get3A_1391 = tpu.vector_load %arg10[%get3A_1389, %get3A_1390] {strides = array<i32>} : memref<240x128xf32, #tpu.memory_space<vmem>>, vector<1x16xf32>,
          %get3A_1392 = vector.shape_cast %get3A_1391 : vector<1x16xf32> to vector<16xf32>
          %mul3A_1393 = vector.broadcast %squeeze3A_1306 : f32 to vector<16xf32>
          %mul3A_1394 = arith.mulf %get3A_1392, %mul3A_1393 : vector<16xf32>
          %swap3A_1395 = arith.index_cast %add3A_1311 : i32 to index
          %swap3A_1396 = arith.constant 112 : index
          %swap3A_1397 = tpu.vector_load %arg10[%swap3A_1395, %swap3A_1396] {strides = array<i32>} : memref<240x128xf32, #tpu.memory_space<vmem>>, vector<1x16xf32>,
          %swap3A_1398 = vector.shape_cast %swap3A_1397 : vector<1x16xf32> to vector<16xf32>
          %swap3A_1399 = vector.shape_cast %mul3A_1394 : vector<16xf32> to vector<1x16xf32>
          tpu.vector_store %arg10[%swap3A_1395, %swap3A_1396], %swap3A_1399 {strides = array<i32>} : memref<240x128xf32, #tpu.memory_space<vmem>>, vector<1x16xf32>,
          %slice3A_1400 = vector.extract_strided_slice %get3A_167 {offsets = [13], sizes = [1], strides = [1]} : vector<16xf32> to vector<1xf32>
          %squeeze3A_1401 = vector.extract %slice3A_1400[0] : f32 from vector<1xf32>
          %mul3A_1402 = arith.constant 16 : i32
          %mul3A_1403 = arith.muli %scan3A_162, %mul3A_1402 : i32
          %add3A_1404 = arith.addi %mul3A_117, %mul3A_1403 : i32
          %add3A_1405 = arith.constant 13 : i32
          %add3A_1406 = arith.addi %add3A_1404, %add3A_1405 : i32
          %get3A_1407 = arith.index_cast %add3A_1406 : i32 to index
          %get3A_1408 = arith.constant 0 : index
          %get3A_1409 = tpu.vector_load %arg10[%get3A_1407, %get3A_1408] {strides = array<i32>} : memref<240x128xf32, #tpu.memory_space<vmem>>, vector<1x16xf32>,
          %get3A_1410 = vector.shape_cast %get3A_1409 : vector<1x16xf32> to vector<16xf32>
          %mul3A_1411 = vector.broadcast %squeeze3A_1401 : f32 to vector<16xf32>
          %mul3A_1412 = arith.mulf %get3A_1410, %mul3A_1411 : vector<16xf32>
          %swap3A_1413 = arith.index_cast %add3A_1406 : i32 to index
          %swap3A_1414 = arith.constant 0 : index
          %swap3A_1415 = tpu.vector_load %arg10[%swap3A_1413, %swap3A_1414] {strides = array<i32>} : memref<240x128xf32, #tpu.memory_space<vmem>>, vector<1x16xf32>,
          %swap3A_1416 = vector.shape_cast %swap3A_1415 : vector<1x16xf32> to vector<16xf32>
          %swap3A_1417 = vector.shape_cast %mul3A_1412 : vector<16xf32> to vector<1x16xf32>
          tpu.vector_store %arg10[%swap3A_1413, %swap3A_1414], %swap3A_1417 {strides = array<i32>} : memref<240x128xf32, #tpu.memory_space<vmem>>, vector<1x16xf32>,
          %get3A_1418 = arith.index_cast %add3A_1406 : i32 to index
          %get3A_1419 = arith.constant 16 : index
          %get3A_1420 = tpu.vector_load %arg10[%get3A_1418, %get3A_1419] {strides = array<i32>} : memref<240x128xf32, #tpu.memory_space<vmem>>, vector<1x16xf32>,
          %get3A_1421 = vector.shape_cast %get3A_1420 : vector<1x16xf32> to vector<16xf32>
          %mul3A_1422 = vector.broadcast %squeeze3A_1401 : f32 to vector<16xf32>
          %mul3A_1423 = arith.mulf %get3A_1421, %mul3A_1422 : vector<16xf32>
          %swap3A_1424 = arith.index_cast %add3A_1406 : i32 to index
          %swap3A_1425 = arith.constant 16 : index
          %swap3A_1426 = tpu.vector_load %arg10[%swap3A_1424, %swap3A_1425] {strides = array<i32>} : memref<240x128xf32, #tpu.memory_space<vmem>>, vector<1x16xf32>,
          %swap3A_1427 = vector.shape_cast %swap3A_1426 : vector<1x16xf32> to vector<16xf32>
          %swap3A_1428 = vector.shape_cast %mul3A_1423 : vector<16xf32> to vector<1x16xf32>
          tpu.vector_store %arg10[%swap3A_1424, %swap3A_1425], %swap3A_1428 {strides = array<i32>} : memref<240x128xf32, #tpu.memory_space<vmem>>, vector<1x16xf32>,
          %get3A_1429 = arith.index_cast %add3A_1406 : i32 to index
          %get3A_1430 = arith.constant 32 : index
          %get3A_1431 = tpu.vector_load %arg10[%get3A_1429, %get3A_1430] {strides = array<i32>} : memref<240x128xf32, #tpu.memory_space<vmem>>, vector<1x16xf32>,
          %get3A_1432 = vector.shape_cast %get3A_1431 : vector<1x16xf32> to vector<16xf32>
          %mul3A_1433 = vector.broadcast %squeeze3A_1401 : f32 to vector<16xf32>
          %mul3A_1434 = arith.mulf %get3A_1432, %mul3A_1433 : vector<16xf32>
          %swap3A_1435 = arith.index_cast %add3A_1406 : i32 to index
          %swap3A_1436 = arith.constant 32 : index
          %swap3A_1437 = tpu.vector_load %arg10[%swap3A_1435, %swap3A_1436] {strides = array<i32>} : memref<240x128xf32, #tpu.memory_space<vmem>>, vector<1x16xf32>,
          %swap3A_1438 = vector.shape_cast %swap3A_1437 : vector<1x16xf32> to vector<16xf32>
          %swap3A_1439 = vector.shape_cast %mul3A_1434 : vector<16xf32> to vector<1x16xf32>
          tpu.vector_store %arg10[%swap3A_1435, %swap3A_1436], %swap3A_1439 {strides = array<i32>} : memref<240x128xf32, #tpu.memory_space<vmem>>, vector<1x16xf32>,
          %get3A_1440 = arith.index_cast %add3A_1406 : i32 to index
          %get3A_1441 = arith.constant 48 : index
          %get3A_1442 = tpu.vector_load %arg10[%get3A_1440, %get3A_1441] {strides = array<i32>} : memref<240x128xf32, #tpu.memory_space<vmem>>, vector<1x16xf32>,
          %get3A_1443 = vector.shape_cast %get3A_1442 : vector<1x16xf32> to vector<16xf32>
          %mul3A_1444 = vector.broadcast %squeeze3A_1401 : f32 to vector<16xf32>
          %mul3A_1445 = arith.mulf %get3A_1443, %mul3A_1444 : vector<16xf32>
          %swap3A_1446 = arith.index_cast %add3A_1406 : i32 to index
          %swap3A_1447 = arith.constant 48 : index
          %swap3A_1448 = tpu.vector_load %arg10[%swap3A_1446, %swap3A_1447] {strides = array<i32>} : memref<240x128xf32, #tpu.memory_space<vmem>>, vector<1x16xf32>,
          %swap3A_1449 = vector.shape_cast %swap3A_1448 : vector<1x16xf32> to vector<16xf32>
          %swap3A_1450 = vector.shape_cast %mul3A_1445 : vector<16xf32> to vector<1x16xf32>
          tpu.vector_store %arg10[%swap3A_1446, %swap3A_1447], %swap3A_1450 {strides = array<i32>} : memref<240x128xf32, #tpu.memory_space<vmem>>, vector<1x16xf32>,
          %get3A_1451 = arith.index_cast %add3A_1406 : i32 to index
          %get3A_1452 = arith.constant 64 : index
          %get3A_1453 = tpu.vector_load %arg10[%get3A_1451, %get3A_1452] {strides = array<i32>} : memref<240x128xf32, #tpu.memory_space<vmem>>, vector<1x16xf32>,
          %get3A_1454 = vector.shape_cast %get3A_1453 : vector<1x16xf32> to vector<16xf32>
          %mul3A_1455 = vector.broadcast %squeeze3A_1401 : f32 to vector<16xf32>
          %mul3A_1456 = arith.mulf %get3A_1454, %mul3A_1455 : vector<16xf32>
          %swap3A_1457 = arith.index_cast %add3A_1406 : i32 to index
          %swap3A_1458 = arith.constant 64 : index
          %swap3A_1459 = tpu.vector_load %arg10[%swap3A_1457, %swap3A_1458] {strides = array<i32>} : memref<240x128xf32, #tpu.memory_space<vmem>>, vector<1x16xf32>,
          %swap3A_1460 = vector.shape_cast %swap3A_1459 : vector<1x16xf32> to vector<16xf32>
          %swap3A_1461 = vector.shape_cast %mul3A_1456 : vector<16xf32> to vector<1x16xf32>
          tpu.vector_store %arg10[%swap3A_1457, %swap3A_1458], %swap3A_1461 {strides = array<i32>} : memref<240x128xf32, #tpu.memory_space<vmem>>, vector<1x16xf32>,
          %get3A_1462 = arith.index_cast %add3A_1406 : i32 to index
          %get3A_1463 = arith.constant 80 : index
          %get3A_1464 = tpu.vector_load %arg10[%get3A_1462, %get3A_1463] {strides = array<i32>} : memref<240x128xf32, #tpu.memory_space<vmem>>, vector<1x16xf32>,
          %get3A_1465 = vector.shape_cast %get3A_1464 : vector<1x16xf32> to vector<16xf32>
          %mul3A_1466 = vector.broadcast %squeeze3A_1401 : f32 to vector<16xf32>
          %mul3A_1467 = arith.mulf %get3A_1465, %mul3A_1466 : vector<16xf32>
          %swap3A_1468 = arith.index_cast %add3A_1406 : i32 to index
          %swap3A_1469 = arith.constant 80 : index
          %swap3A_1470 = tpu.vector_load %arg10[%swap3A_1468, %swap3A_1469] {strides = array<i32>} : memref<240x128xf32, #tpu.memory_space<vmem>>, vector<1x16xf32>,
          %swap3A_1471 = vector.shape_cast %swap3A_1470 : vector<1x16xf32> to vector<16xf32>
          %swap3A_1472 = vector.shape_cast %mul3A_1467 : vector<16xf32> to vector<1x16xf32>
          tpu.vector_store %arg10[%swap3A_1468, %swap3A_1469], %swap3A_1472 {strides = array<i32>} : memref<240x128xf32, #tpu.memory_space<vmem>>, vector<1x16xf32>,
          %get3A_1473 = arith.index_cast %add3A_1406 : i32 to index
          %get3A_1474 = arith.constant 96 : index
          %get3A_1475 = tpu.vector_load %arg10[%get3A_1473, %get3A_1474] {strides = array<i32>} : memref<240x128xf32, #tpu.memory_space<vmem>>, vector<1x16xf32>,
          %get3A_1476 = vector.shape_cast %get3A_1475 : vector<1x16xf32> to vector<16xf32>
          %mul3A_1477 = vector.broadcast %squeeze3A_1401 : f32 to vector<16xf32>
          %mul3A_1478 = arith.mulf %get3A_1476, %mul3A_1477 : vector<16xf32>
          %swap3A_1479 = arith.index_cast %add3A_1406 : i32 to index
          %swap3A_1480 = arith.constant 96 : index
          %swap3A_1481 = tpu.vector_load %arg10[%swap3A_1479, %swap3A_1480] {strides = array<i32>} : memref<240x128xf32, #tpu.memory_space<vmem>>, vector<1x16xf32>,
          %swap3A_1482 = vector.shape_cast %swap3A_1481 : vector<1x16xf32> to vector<16xf32>
          %swap3A_1483 = vector.shape_cast %mul3A_1478 : vector<16xf32> to vector<1x16xf32>
          tpu.vector_store %arg10[%swap3A_1479, %swap3A_1480], %swap3A_1483 {strides = array<i32>} : memref<240x128xf32, #tpu.memory_space<vmem>>, vector<1x16xf32>,
          %get3A_1484 = arith.index_cast %add3A_1406 : i32 to index
          %get3A_1485 = arith.constant 112 : index
          %get3A_1486 = tpu.vector_load %arg10[%get3A_1484, %get3A_1485] {strides = array<i32>} : memref<240x128xf32, #tpu.memory_space<vmem>>, vector<1x16xf32>,
          %get3A_1487 = vector.shape_cast %get3A_1486 : vector<1x16xf32> to vector<16xf32>
          %mul3A_1488 = vector.broadcast %squeeze3A_1401 : f32 to vector<16xf32>
          %mul3A_1489 = arith.mulf %get3A_1487, %mul3A_1488 : vector<16xf32>
          %swap3A_1490 = arith.index_cast %add3A_1406 : i32 to index
          %swap3A_1491 = arith.constant 112 : index
          %swap3A_1492 = tpu.vector_load %arg10[%swap3A_1490, %swap3A_1491] {strides = array<i32>} : memref<240x128xf32, #tpu.memory_space<vmem>>, vector<1x16xf32>,
          %swap3A_1493 = vector.shape_cast %swap3A_1492 : vector<1x16xf32> to vector<16xf32>
          %swap3A_1494 = vector.shape_cast %mul3A_1489 : vector<16xf32> to vector<1x16xf32>
          tpu.vector_store %arg10[%swap3A_1490, %swap3A_1491], %swap3A_1494 {strides = array<i32>} : memref<240x128xf32, #tpu.memory_space<vmem>>, vector<1x16xf32>,
          %slice3A_1495 = vector.extract_strided_slice %get3A_167 {offsets = [14], sizes = [1], strides = [1]} : vector<16xf32> to vector<1xf32>
          %squeeze3A_1496 = vector.extract %slice3A_1495[0] : f32 from vector<1xf32>
          %mul3A_1497 = arith.constant 16 : i32
          %mul3A_1498 = arith.muli %scan3A_162, %mul3A_1497 : i32
          %add3A_1499 = arith.addi %mul3A_117, %mul3A_1498 : i32
          %add3A_1500 = arith.constant 14 : i32
          %add3A_1501 = arith.addi %add3A_1499, %add3A_1500 : i32
          %get3A_1502 = arith.index_cast %add3A_1501 : i32 to index
          %get3A_1503 = arith.constant 0 : index
          %get3A_1504 = tpu.vector_load %arg10[%get3A_1502, %get3A_1503] {strides = array<i32>} : memref<240x128xf32, #tpu.memory_space<vmem>>, vector<1x16xf32>,
          %get3A_1505 = vector.shape_cast %get3A_1504 : vector<1x16xf32> to vector<16xf32>
          %mul3A_1506 = vector.broadcast %squeeze3A_1496 : f32 to vector<16xf32>
          %mul3A_1507 = arith.mulf %get3A_1505, %mul3A_1506 : vector<16xf32>
          %swap3A_1508 = arith.index_cast %add3A_1501 : i32 to index
          %swap3A_1509 = arith.constant 0 : index
          %swap3A_1510 = tpu.vector_load %arg10[%swap3A_1508, %swap3A_1509] {strides = array<i32>} : memref<240x128xf32, #tpu.memory_space<vmem>>, vector<1x16xf32>,
          %swap3A_1511 = vector.shape_cast %swap3A_1510 : vector<1x16xf32> to vector<16xf32>
          %swap3A_1512 = vector.shape_cast %mul3A_1507 : vector<16xf32> to vector<1x16xf32>
          tpu.vector_store %arg10[%swap3A_1508, %swap3A_1509], %swap3A_1512 {strides = array<i32>} : memref<240x128xf32, #tpu.memory_space<vmem>>, vector<1x16xf32>,
          %get3A_1513 = arith.index_cast %add3A_1501 : i32 to index
          %get3A_1514 = arith.constant 16 : index
          %get3A_1515 = tpu.vector_load %arg10[%get3A_1513, %get3A_1514] {strides = array<i32>} : memref<240x128xf32, #tpu.memory_space<vmem>>, vector<1x16xf32>,
          %get3A_1516 = vector.shape_cast %get3A_1515 : vector<1x16xf32> to vector<16xf32>
          %mul3A_1517 = vector.broadcast %squeeze3A_1496 : f32 to vector<16xf32>
          %mul3A_1518 = arith.mulf %get3A_1516, %mul3A_1517 : vector<16xf32>
          %swap3A_1519 = arith.index_cast %add3A_1501 : i32 to index
          %swap3A_1520 = arith.constant 16 : index
          %swap3A_1521 = tpu.vector_load %arg10[%swap3A_1519, %swap3A_1520] {strides = array<i32>} : memref<240x128xf32, #tpu.memory_space<vmem>>, vector<1x16xf32>,
          %swap3A_1522 = vector.shape_cast %swap3A_1521 : vector<1x16xf32> to vector<16xf32>
          %swap3A_1523 = vector.shape_cast %mul3A_1518 : vector<16xf32> to vector<1x16xf32>
          tpu.vector_store %arg10[%swap3A_1519, %swap3A_1520], %swap3A_1523 {strides = array<i32>} : memref<240x128xf32, #tpu.memory_space<vmem>>, vector<1x16xf32>,
          %get3A_1524 = arith.index_cast %add3A_1501 : i32 to index
          %get3A_1525 = arith.constant 32 : index
          %get3A_1526 = tpu.vector_load %arg10[%get3A_1524, %get3A_1525] {strides = array<i32>} : memref<240x128xf32, #tpu.memory_space<vmem>>, vector<1x16xf32>,
          %get3A_1527 = vector.shape_cast %get3A_1526 : vector<1x16xf32> to vector<16xf32>
          %mul3A_1528 = vector.broadcast %squeeze3A_1496 : f32 to vector<16xf32>
          %mul3A_1529 = arith.mulf %get3A_1527, %mul3A_1528 : vector<16xf32>
          %swap3A_1530 = arith.index_cast %add3A_1501 : i32 to index
          %swap3A_1531 = arith.constant 32 : index
          %swap3A_1532 = tpu.vector_load %arg10[%swap3A_1530, %swap3A_1531] {strides = array<i32>} : memref<240x128xf32, #tpu.memory_space<vmem>>, vector<1x16xf32>,
          %swap3A_1533 = vector.shape_cast %swap3A_1532 : vector<1x16xf32> to vector<16xf32>
          %swap3A_1534 = vector.shape_cast %mul3A_1529 : vector<16xf32> to vector<1x16xf32>
          tpu.vector_store %arg10[%swap3A_1530, %swap3A_1531], %swap3A_1534 {strides = array<i32>} : memref<240x128xf32, #tpu.memory_space<vmem>>, vector<1x16xf32>,
          %get3A_1535 = arith.index_cast %add3A_1501 : i32 to index
          %get3A_1536 = arith.constant 48 : index
          %get3A_1537 = tpu.vector_load %arg10[%get3A_1535, %get3A_1536] {strides = array<i32>} : memref<240x128xf32, #tpu.memory_space<vmem>>, vector<1x16xf32>,
          %get3A_1538 = vector.shape_cast %get3A_1537 : vector<1x16xf32> to vector<16xf32>
          %mul3A_1539 = vector.broadcast %squeeze3A_1496 : f32 to vector<16xf32>
          %mul3A_1540 = arith.mulf %get3A_1538, %mul3A_1539 : vector<16xf32>
          %swap3A_1541 = arith.index_cast %add3A_1501 : i32 to index
          %swap3A_1542 = arith.constant 48 : index
          %swap3A_1543 = tpu.vector_load %arg10[%swap3A_1541, %swap3A_1542] {strides = array<i32>} : memref<240x128xf32, #tpu.memory_space<vmem>>, vector<1x16xf32>,
          %swap3A_1544 = vector.shape_cast %swap3A_1543 : vector<1x16xf32> to vector<16xf32>
          %swap3A_1545 = vector.shape_cast %mul3A_1540 : vector<16xf32> to vector<1x16xf32>
          tpu.vector_store %arg10[%swap3A_1541, %swap3A_1542], %swap3A_1545 {strides = array<i32>} : memref<240x128xf32, #tpu.memory_space<vmem>>, vector<1x16xf32>,
          %get3A_1546 = arith.index_cast %add3A_1501 : i32 to index
          %get3A_1547 = arith.constant 64 : index
          %get3A_1548 = tpu.vector_load %arg10[%get3A_1546, %get3A_1547] {strides = array<i32>} : memref<240x128xf32, #tpu.memory_space<vmem>>, vector<1x16xf32>,
          %get3A_1549 = vector.shape_cast %get3A_1548 : vector<1x16xf32> to vector<16xf32>
          %mul3A_1550 = vector.broadcast %squeeze3A_1496 : f32 to vector<16xf32>
          %mul3A_1551 = arith.mulf %get3A_1549, %mul3A_1550 : vector<16xf32>
          %swap3A_1552 = arith.index_cast %add3A_1501 : i32 to index
          %swap3A_1553 = arith.constant 64 : index
          %swap3A_1554 = tpu.vector_load %arg10[%swap3A_1552, %swap3A_1553] {strides = array<i32>} : memref<240x128xf32, #tpu.memory_space<vmem>>, vector<1x16xf32>,
          %swap3A_1555 = vector.shape_cast %swap3A_1554 : vector<1x16xf32> to vector<16xf32>
          %swap3A_1556 = vector.shape_cast %mul3A_1551 : vector<16xf32> to vector<1x16xf32>
          tpu.vector_store %arg10[%swap3A_1552, %swap3A_1553], %swap3A_1556 {strides = array<i32>} : memref<240x128xf32, #tpu.memory_space<vmem>>, vector<1x16xf32>,
          %get3A_1557 = arith.index_cast %add3A_1501 : i32 to index
          %get3A_1558 = arith.constant 80 : index
          %get3A_1559 = tpu.vector_load %arg10[%get3A_1557, %get3A_1558] {strides = array<i32>} : memref<240x128xf32, #tpu.memory_space<vmem>>, vector<1x16xf32>,
          %get3A_1560 = vector.shape_cast %get3A_1559 : vector<1x16xf32> to vector<16xf32>
          %mul3A_1561 = vector.broadcast %squeeze3A_1496 : f32 to vector<16xf32>
          %mul3A_1562 = arith.mulf %get3A_1560, %mul3A_1561 : vector<16xf32>
          %swap3A_1563 = arith.index_cast %add3A_1501 : i32 to index
          %swap3A_1564 = arith.constant 80 : index
          %swap3A_1565 = tpu.vector_load %arg10[%swap3A_1563, %swap3A_1564] {strides = array<i32>} : memref<240x128xf32, #tpu.memory_space<vmem>>, vector<1x16xf32>,
          %swap3A_1566 = vector.shape_cast %swap3A_1565 : vector<1x16xf32> to vector<16xf32>
          %swap3A_1567 = vector.shape_cast %mul3A_1562 : vector<16xf32> to vector<1x16xf32>
          tpu.vector_store %arg10[%swap3A_1563, %swap3A_1564], %swap3A_1567 {strides = array<i32>} : memref<240x128xf32, #tpu.memory_space<vmem>>, vector<1x16xf32>,
          %get3A_1568 = arith.index_cast %add3A_1501 : i32 to index
          %get3A_1569 = arith.constant 96 : index
          %get3A_1570 = tpu.vector_load %arg10[%get3A_1568, %get3A_1569] {strides = array<i32>} : memref<240x128xf32, #tpu.memory_space<vmem>>, vector<1x16xf32>,
          %get3A_1571 = vector.shape_cast %get3A_1570 : vector<1x16xf32> to vector<16xf32>
          %mul3A_1572 = vector.broadcast %squeeze3A_1496 : f32 to vector<16xf32>
          %mul3A_1573 = arith.mulf %get3A_1571, %mul3A_1572 : vector<16xf32>
          %swap3A_1574 = arith.index_cast %add3A_1501 : i32 to index
          %swap3A_1575 = arith.constant 96 : index
          %swap3A_1576 = tpu.vector_load %arg10[%swap3A_1574, %swap3A_1575] {strides = array<i32>} : memref<240x128xf32, #tpu.memory_space<vmem>>, vector<1x16xf32>,
          %swap3A_1577 = vector.shape_cast %swap3A_1576 : vector<1x16xf32> to vector<16xf32>
          %swap3A_1578 = vector.shape_cast %mul3A_1573 : vector<16xf32> to vector<1x16xf32>
          tpu.vector_store %arg10[%swap3A_1574, %swap3A_1575], %swap3A_1578 {strides = array<i32>} : memref<240x128xf32, #tpu.memory_space<vmem>>, vector<1x16xf32>,
          %get3A_1579 = arith.index_cast %add3A_1501 : i32 to index
          %get3A_1580 = arith.constant 112 : index
          %get3A_1581 = tpu.vector_load %arg10[%get3A_1579, %get3A_1580] {strides = array<i32>} : memref<240x128xf32, #tpu.memory_space<vmem>>, vector<1x16xf32>,
          %get3A_1582 = vector.shape_cast %get3A_1581 : vector<1x16xf32> to vector<16xf32>
          %mul3A_1583 = vector.broadcast %squeeze3A_1496 : f32 to vector<16xf32>
          %mul3A_1584 = arith.mulf %get3A_1582, %mul3A_1583 : vector<16xf32>
          %swap3A_1585 = arith.index_cast %add3A_1501 : i32 to index
          %swap3A_1586 = arith.constant 112 : index
          %swap3A_1587 = tpu.vector_load %arg10[%swap3A_1585, %swap3A_1586] {strides = array<i32>} : memref<240x128xf32, #tpu.memory_space<vmem>>, vector<1x16xf32>,
          %swap3A_1588 = vector.shape_cast %swap3A_1587 : vector<1x16xf32> to vector<16xf32>
          %swap3A_1589 = vector.shape_cast %mul3A_1584 : vector<16xf32> to vector<1x16xf32>
          tpu.vector_store %arg10[%swap3A_1585, %swap3A_1586], %swap3A_1589 {strides = array<i32>} : memref<240x128xf32, #tpu.memory_space<vmem>>, vector<1x16xf32>,
          %slice3A_1590 = vector.extract_strided_slice %get3A_167 {offsets = [15], sizes = [1], strides = [1]} : vector<16xf32> to vector<1xf32>
          %squeeze3A_1591 = vector.extract %slice3A_1590[0] : f32 from vector<1xf32>
          %mul3A_1592 = arith.constant 16 : i32
          %mul3A_1593 = arith.muli %scan3A_162, %mul3A_1592 : i32
          %add3A_1594 = arith.addi %mul3A_117, %mul3A_1593 : i32
          %add3A_1595 = arith.constant 15 : i32
          %add3A_1596 = arith.addi %add3A_1594, %add3A_1595 : i32
          %get3A_1597 = arith.index_cast %add3A_1596 : i32 to index
          %get3A_1598 = arith.constant 0 : index
          %get3A_1599 = tpu.vector_load %arg10[%get3A_1597, %get3A_1598] {strides = array<i32>} : memref<240x128xf32, #tpu.memory_space<vmem>>, vector<1x16xf32>,
          %get3A_1600 = vector.shape_cast %get3A_1599 : vector<1x16xf32> to vector<16xf32>
          %mul3A_1601 = vector.broadcast %squeeze3A_1591 : f32 to vector<16xf32>
          %mul3A_1602 = arith.mulf %get3A_1600, %mul3A_1601 : vector<16xf32>
          %swap3A_1603 = arith.index_cast %add3A_1596 : i32 to index
          %swap3A_1604 = arith.constant 0 : index
          %swap3A_1605 = tpu.vector_load %arg10[%swap3A_1603, %swap3A_1604] {strides = array<i32>} : memref<240x128xf32, #tpu.memory_space<vmem>>, vector<1x16xf32>,
          %swap3A_1606 = vector.shape_cast %swap3A_1605 : vector<1x16xf32> to vector<16xf32>
          %swap3A_1607 = vector.shape_cast %mul3A_1602 : vector<16xf32> to vector<1x16xf32>
          tpu.vector_store %arg10[%swap3A_1603, %swap3A_1604], %swap3A_1607 {strides = array<i32>} : memref<240x128xf32, #tpu.memory_space<vmem>>, vector<1x16xf32>,
          %get3A_1608 = arith.index_cast %add3A_1596 : i32 to index
          %get3A_1609 = arith.constant 16 : index
          %get3A_1610 = tpu.vector_load %arg10[%get3A_1608, %get3A_1609] {strides = array<i32>} : memref<240x128xf32, #tpu.memory_space<vmem>>, vector<1x16xf32>,
          %get3A_1611 = vector.shape_cast %get3A_1610 : vector<1x16xf32> to vector<16xf32>
          %mul3A_1612 = vector.broadcast %squeeze3A_1591 : f32 to vector<16xf32>
          %mul3A_1613 = arith.mulf %get3A_1611, %mul3A_1612 : vector<16xf32>
          %swap3A_1614 = arith.index_cast %add3A_1596 : i32 to index
          %swap3A_1615 = arith.constant 16 : index
          %swap3A_1616 = tpu.vector_load %arg10[%swap3A_1614, %swap3A_1615] {strides = array<i32>} : memref<240x128xf32, #tpu.memory_space<vmem>>, vector<1x16xf32>,
          %swap3A_1617 = vector.shape_cast %swap3A_1616 : vector<1x16xf32> to vector<16xf32>
          %swap3A_1618 = vector.shape_cast %mul3A_1613 : vector<16xf32> to vector<1x16xf32>
          tpu.vector_store %arg10[%swap3A_1614, %swap3A_1615], %swap3A_1618 {strides = array<i32>} : memref<240x128xf32, #tpu.memory_space<vmem>>, vector<1x16xf32>,
          %get3A_1619 = arith.index_cast %add3A_1596 : i32 to index
          %get3A_1620 = arith.constant 32 : index
          %get3A_1621 = tpu.vector_load %arg10[%get3A_1619, %get3A_1620] {strides = array<i32>} : memref<240x128xf32, #tpu.memory_space<vmem>>, vector<1x16xf32>,
          %get3A_1622 = vector.shape_cast %get3A_1621 : vector<1x16xf32> to vector<16xf32>
          %mul3A_1623 = vector.broadcast %squeeze3A_1591 : f32 to vector<16xf32>
          %mul3A_1624 = arith.mulf %get3A_1622, %mul3A_1623 : vector<16xf32>
          %swap3A_1625 = arith.index_cast %add3A_1596 : i32 to index
          %swap3A_1626 = arith.constant 32 : index
          %swap3A_1627 = tpu.vector_load %arg10[%swap3A_1625, %swap3A_1626] {strides = array<i32>} : memref<240x128xf32, #tpu.memory_space<vmem>>, vector<1x16xf32>,
          %swap3A_1628 = vector.shape_cast %swap3A_1627 : vector<1x16xf32> to vector<16xf32>
          %swap3A_1629 = vector.shape_cast %mul3A_1624 : vector<16xf32> to vector<1x16xf32>
          tpu.vector_store %arg10[%swap3A_1625, %swap3A_1626], %swap3A_1629 {strides = array<i32>} : memref<240x128xf32, #tpu.memory_space<vmem>>, vector<1x16xf32>,
          %get3A_1630 = arith.index_cast %add3A_1596 : i32 to index
          %get3A_1631 = arith.constant 48 : index
          %get3A_1632 = tpu.vector_load %arg10[%get3A_1630, %get3A_1631] {strides = array<i32>} : memref<240x128xf32, #tpu.memory_space<vmem>>, vector<1x16xf32>,
          %get3A_1633 = vector.shape_cast %get3A_1632 : vector<1x16xf32> to vector<16xf32>
          %mul3A_1634 = vector.broadcast %squeeze3A_1591 : f32 to vector<16xf32>
          %mul3A_1635 = arith.mulf %get3A_1633, %mul3A_1634 : vector<16xf32>
          %swap3A_1636 = arith.index_cast %add3A_1596 : i32 to index
          %swap3A_1637 = arith.constant 48 : index
          %swap3A_1638 = tpu.vector_load %arg10[%swap3A_1636, %swap3A_1637] {strides = array<i32>} : memref<240x128xf32, #tpu.memory_space<vmem>>, vector<1x16xf32>,
          %swap3A_1639 = vector.shape_cast %swap3A_1638 : vector<1x16xf32> to vector<16xf32>
          %swap3A_1640 = vector.shape_cast %mul3A_1635 : vector<16xf32> to vector<1x16xf32>
          tpu.vector_store %arg10[%swap3A_1636, %swap3A_1637], %swap3A_1640 {strides = array<i32>} : memref<240x128xf32, #tpu.memory_space<vmem>>, vector<1x16xf32>,
          %get3A_1641 = arith.index_cast %add3A_1596 : i32 to index
          %get3A_1642 = arith.constant 64 : index
          %get3A_1643 = tpu.vector_load %arg10[%get3A_1641, %get3A_1642] {strides = array<i32>} : memref<240x128xf32, #tpu.memory_space<vmem>>, vector<1x16xf32>,
          %get3A_1644 = vector.shape_cast %get3A_1643 : vector<1x16xf32> to vector<16xf32>
          %mul3A_1645 = vector.broadcast %squeeze3A_1591 : f32 to vector<16xf32>
          %mul3A_1646 = arith.mulf %get3A_1644, %mul3A_1645 : vector<16xf32>
          %swap3A_1647 = arith.index_cast %add3A_1596 : i32 to index
          %swap3A_1648 = arith.constant 64 : index
          %swap3A_1649 = tpu.vector_load %arg10[%swap3A_1647, %swap3A_1648] {strides = array<i32>} : memref<240x128xf32, #tpu.memory_space<vmem>>, vector<1x16xf32>,
          %swap3A_1650 = vector.shape_cast %swap3A_1649 : vector<1x16xf32> to vector<16xf32>
          %swap3A_1651 = vector.shape_cast %mul3A_1646 : vector<16xf32> to vector<1x16xf32>
          tpu.vector_store %arg10[%swap3A_1647, %swap3A_1648], %swap3A_1651 {strides = array<i32>} : memref<240x128xf32, #tpu.memory_space<vmem>>, vector<1x16xf32>,
          %get3A_1652 = arith.index_cast %add3A_1596 : i32 to index
          %get3A_1653 = arith.constant 80 : index
          %get3A_1654 = tpu.vector_load %arg10[%get3A_1652, %get3A_1653] {strides = array<i32>} : memref<240x128xf32, #tpu.memory_space<vmem>>, vector<1x16xf32>,
          %get3A_1655 = vector.shape_cast %get3A_1654 : vector<1x16xf32> to vector<16xf32>
          %mul3A_1656 = vector.broadcast %squeeze3A_1591 : f32 to vector<16xf32>
          %mul3A_1657 = arith.mulf %get3A_1655, %mul3A_1656 : vector<16xf32>
          %swap3A_1658 = arith.index_cast %add3A_1596 : i32 to index
          %swap3A_1659 = arith.constant 80 : index
          %swap3A_1660 = tpu.vector_load %arg10[%swap3A_1658, %swap3A_1659] {strides = array<i32>} : memref<240x128xf32, #tpu.memory_space<vmem>>, vector<1x16xf32>,
          %swap3A_1661 = vector.shape_cast %swap3A_1660 : vector<1x16xf32> to vector<16xf32>
          %swap3A_1662 = vector.shape_cast %mul3A_1657 : vector<16xf32> to vector<1x16xf32>
          tpu.vector_store %arg10[%swap3A_1658, %swap3A_1659], %swap3A_1662 {strides = array<i32>} : memref<240x128xf32, #tpu.memory_space<vmem>>, vector<1x16xf32>,
          %get3A_1663 = arith.index_cast %add3A_1596 : i32 to index
          %get3A_1664 = arith.constant 96 : index
          %get3A_1665 = tpu.vector_load %arg10[%get3A_1663, %get3A_1664] {strides = array<i32>} : memref<240x128xf32, #tpu.memory_space<vmem>>, vector<1x16xf32>,
          %get3A_1666 = vector.shape_cast %get3A_1665 : vector<1x16xf32> to vector<16xf32>
          %mul3A_1667 = vector.broadcast %squeeze3A_1591 : f32 to vector<16xf32>
          %mul3A_1668 = arith.mulf %get3A_1666, %mul3A_1667 : vector<16xf32>
          %swap3A_1669 = arith.index_cast %add3A_1596 : i32 to index
          %swap3A_1670 = arith.constant 96 : index
          %swap3A_1671 = tpu.vector_load %arg10[%swap3A_1669, %swap3A_1670] {strides = array<i32>} : memref<240x128xf32, #tpu.memory_space<vmem>>, vector<1x16xf32>,
          %swap3A_1672 = vector.shape_cast %swap3A_1671 : vector<1x16xf32> to vector<16xf32>
          %swap3A_1673 = vector.shape_cast %mul3A_1668 : vector<16xf32> to vector<1x16xf32>
          tpu.vector_store %arg10[%swap3A_1669, %swap3A_1670], %swap3A_1673 {strides = array<i32>} : memref<240x128xf32, #tpu.memory_space<vmem>>, vector<1x16xf32>,
          %get3A_1674 = arith.index_cast %add3A_1596 : i32 to index
          %get3A_1675 = arith.constant 112 : index
          %get3A_1676 = tpu.vector_load %arg10[%get3A_1674, %get3A_1675] {strides = array<i32>} : memref<240x128xf32, #tpu.memory_space<vmem>>, vector<1x16xf32>,
          %get3A_1677 = vector.shape_cast %get3A_1676 : vector<1x16xf32> to vector<16xf32>
          %mul3A_1678 = vector.broadcast %squeeze3A_1591 : f32 to vector<16xf32>
          %mul3A_1679 = arith.mulf %get3A_1677, %mul3A_1678 : vector<16xf32>
          %swap3A_1680 = arith.index_cast %add3A_1596 : i32 to index
          %swap3A_1681 = arith.constant 112 : index
          %swap3A_1682 = tpu.vector_load %arg10[%swap3A_1680, %swap3A_1681] {strides = array<i32>} : memref<240x128xf32, #tpu.memory_space<vmem>>, vector<1x16xf32>,
          %swap3A_1683 = vector.shape_cast %swap3A_1682 : vector<1x16xf32> to vector<16xf32>
          %swap3A_1684 = vector.shape_cast %mul3A_1679 : vector<16xf32> to vector<1x16xf32>
          tpu.vector_store %arg10[%swap3A_1680, %swap3A_1681], %swap3A_1684 {strides = array<i32>} : memref<240x128xf32, #tpu.memory_space<vmem>>, vector<1x16xf32>,
        }
        %scan3A_153 = arith.constant 5 : i32
        %dma_start3A_154 = arith.constant 0 : i32
        %dma_start3A_155 = tpu.memref_slice %arg10[%mul3A_117, %dma_start3A_154] : memref<240x128xf32, #tpu.memory_space<vmem>> -> memref<80x128xf32, #tpu.memory_space<vmem>>
        %dma_start3A_156 = arith.constant 0 : i32
        %dma_start3A_157 = tpu.memref_slice %arg8[%scan3A_114, %dma_start3A_156] : memref<25x80xi32, #tpu.memory_space<vmem>> -> memref<1x80xi32, #tpu.memory_space<vmem>>
        %dma_start3A_158 = tpu.memref_squeeze %dma_start3A_157 : memref<1x80xi32, #tpu.memory_space<vmem>> -> memref<80xi32, #tpu.memory_space<vmem>>
        %dma_start3A_159 = arith.constant 0 : i32
        %dma_start3A_160 = arith.constant 0 : i32
        %dma_start3A_161 = tpu.memref_slice %arg11[%dma_start3A_159, %dma_start3A_160] : memref<10000x128xf32, #tpu.memory_space<vmem_shared>> -> memref<10000x128xf32, #tpu.memory_space<vmem_shared>>
        tpu.enqueue_indirect_dma source(%dma_start3A_155 : memref<80x128xf32, #tpu.memory_space<vmem>>) target(%dma_start3A_161 : memref<10000x128xf32, #tpu.memory_space<vmem_shared>>) offsets(%dma_start3A_158 : memref<80xi32, #tpu.memory_space<vmem>>) semaphore(%arg14 : memref<!tpu.dma_semaphore, #tpu.memory_space<semaphore_mem>>) {add = true}
      }
      %scan3A_84 = arith.constant 25 : i32
      %dma_wait3A = arith.constant 22 : i32
      %dma_wait3A_85 = arith.constant 80 : i32
      %dma_wait3A_86 = arith.constant 0 : i32
      %dma_wait3A_87 = tpu.memref_slice %arg10[%dma_wait3A_85, %dma_wait3A_86] : memref<240x128xf32, #tpu.memory_space<vmem>> -> memref<80x128xf32, #tpu.memory_space<vmem>>
      %dma_wait3A_88 = arith.constant 0 : i32
      %dma_wait3A_89 = tpu.memref_slice %arg8[%dma_wait3A, %dma_wait3A_88] : memref<25x80xi32, #tpu.memory_space<vmem>> -> memref<1x80xi32, #tpu.memory_space<vmem>>
      %dma_wait3A_90 = tpu.memref_squeeze %dma_wait3A_89 : memref<1x80xi32, #tpu.memory_space<vmem>> -> memref<80xi32, #tpu.memory_space<vmem>>
      %dma_wait3A_91 = arith.constant 0 : i32
      %dma_wait3A_92 = arith.constant 0 : i32
      %dma_wait3A_93 = tpu.memref_slice %arg11[%dma_wait3A_91, %dma_wait3A_92] : memref<10000x128xf32, #tpu.memory_space<vmem_shared>> -> memref<10000x128xf32, #tpu.memory_space<vmem_shared>>
      tpu.wait_indirect_dma semaphore(%arg14 : memref<!tpu.dma_semaphore, #tpu.memory_space<semaphore_mem>>) src(%dma_wait3A_87 : memref<80x128xf32, #tpu.memory_space<vmem>>) dst(%dma_wait3A_93 : memref<10000x128xf32, #tpu.memory_space<vmem_shared>>)
      %dma_wait3A_94 = arith.constant 23 : i32
      %dma_wait3A_95 = arith.constant 160 : i32
      %dma_wait3A_96 = arith.constant 0 : i32
      %dma_wait3A_97 = tpu.memref_slice %arg10[%dma_wait3A_95, %dma_wait3A_96] : memref<240x128xf32, #tpu.memory_space<vmem>> -> memref<80x128xf32, #tpu.memory_space<vmem>>
      %dma_wait3A_98 = arith.constant 0 : i32
      %dma_wait3A_99 = tpu.memref_slice %arg8[%dma_wait3A_94, %dma_wait3A_98] : memref<25x80xi32, #tpu.memory_space<vmem>> -> memref<1x80xi32, #tpu.memory_space<vmem>>
      %dma_wait3A_100 = tpu.memref_squeeze %dma_wait3A_99 : memref<1x80xi32, #tpu.memory_space<vmem>> -> memref<80xi32, #tpu.memory_space<vmem>>
      %dma_wait3A_101 = arith.constant 0 : i32
      %dma_wait3A_102 = arith.constant 0 : i32
      %dma_wait3A_103 = tpu.memref_slice %arg11[%dma_wait3A_101, %dma_wait3A_102] : memref<10000x128xf32, #tpu.memory_space<vmem_shared>> -> memref<10000x128xf32, #tpu.memory_space<vmem_shared>>
      tpu.wait_indirect_dma semaphore(%arg14 : memref<!tpu.dma_semaphore, #tpu.memory_space<semaphore_mem>>) src(%dma_wait3A_97 : memref<80x128xf32, #tpu.memory_space<vmem>>) dst(%dma_wait3A_103 : memref<10000x128xf32, #tpu.memory_space<vmem_shared>>)
      %dma_wait3A_104 = arith.constant 24 : i32
      %dma_wait3A_105 = arith.constant 0 : i32
      %dma_wait3A_106 = arith.constant 0 : i32
      %dma_wait3A_107 = tpu.memref_slice %arg10[%dma_wait3A_105, %dma_wait3A_106] : memref<240x128xf32, #tpu.memory_space<vmem>> -> memref<80x128xf32, #tpu.memory_space<vmem>>
      %dma_wait3A_108 = arith.constant 0 : i32
      %dma_wait3A_109 = tpu.memref_slice %arg8[%dma_wait3A_104, %dma_wait3A_108] : memref<25x80xi32, #tpu.memory_space<vmem>> -> memref<1x80xi32, #tpu.memory_space<vmem>>
      %dma_wait3A_110 = tpu.memref_squeeze %dma_wait3A_109 : memref<1x80xi32, #tpu.memory_space<vmem>> -> memref<80xi32, #tpu.memory_space<vmem>>
      %dma_wait3A_111 = arith.constant 0 : i32
      %dma_wait3A_112 = arith.constant 0 : i32
      %dma_wait3A_113 = tpu.memref_slice %arg11[%dma_wait3A_111, %dma_wait3A_112] : memref<10000x128xf32, #tpu.memory_space<vmem_shared>> -> memref<10000x128xf32, #tpu.memory_space<vmem_shared>>
      tpu.wait_indirect_dma semaphore(%arg14 : memref<!tpu.dma_semaphore, #tpu.memory_space<semaphore_mem>>) src(%dma_wait3A_107 : memref<80x128xf32, #tpu.memory_space<vmem>>) dst(%dma_wait3A_113 : memref<10000x128xf32, #tpu.memory_space<vmem_shared>>)
    }
    %scan3A_45 = arith.constant 5 : i32
    %barrier3A_46 = arith.constant 0 : index
    tpu.barrier barrier_id(%barrier3A_46)
    %mul3A_47 = arith.constant 624 : i32
    %mul3A_48 = arith.muli %arg1, %mul3A_47 : i32
    %mul3A_49 = arith.constant 10000 : i32
    %mul3A_50 = arith.muli %arg0, %mul3A_49 : i32
    %mul3A_51 = arith.constant 624 : i32
    %mul3A_52 = arith.muli %arg1, %mul3A_51 : i32
    %add3A_53 = arith.addi %mul3A_50, %mul3A_52 : i32
    "tpu.region"() ({
      %run_scoped3A = tpu.sem_alloc : memref<!tpu.dma_semaphore, #tpu.memory_space<semaphore_mem>>
      %dma_start3A = arith.constant 0 : i32
      %dma_start3A_59 = tpu.memref_slice %arg6[%add3A_53, %dma_start3A] : memref<20000x128xf32, #tpu.memory_space<hbm>> -> memref<624x128xf32, #tpu.memory_space<hbm>>
      %dma_start3A_60 = arith.constant 0 : i32
      %dma_start3A_61 = tpu.memref_slice %arg11[%mul3A_48, %dma_start3A_60] : memref<10000x128xf32, #tpu.memory_space<vmem_shared>> -> memref<624x128xf32, #tpu.memory_space<vmem_shared>>
      tpu.enqueue_dma source(%dma_start3A_61 : memref<624x128xf32, #tpu.memory_space<vmem_shared>>) target(%dma_start3A_59 : memref<624x128xf32, #tpu.memory_space<hbm>>) target_semaphore(%run_scoped3A : memref<!tpu.dma_semaphore, #tpu.memory_space<semaphore_mem>>)
      %dma_wait3A = arith.constant 0 : i32
      %dma_wait3A_62 = tpu.memref_slice %arg6[%add3A_53, %dma_wait3A] : memref<20000x128xf32, #tpu.memory_space<hbm>> -> memref<624x128xf32, #tpu.memory_space<hbm>>
      %dma_wait3A_63 = arith.constant 0 : i32
      %dma_wait3A_64 = tpu.memref_slice %arg11[%mul3A_48, %dma_wait3A_63] : memref<10000x128xf32, #tpu.memory_space<vmem_shared>> -> memref<624x128xf32, #tpu.memory_space<vmem_shared>>
      tpu.wait_dma2 semaphore(%run_scoped3A : memref<!tpu.dma_semaphore, #tpu.memory_space<semaphore_mem>>) src(%dma_wait3A_64 : memref<624x128xf32, #tpu.memory_space<vmem_shared>>) dst(%dma_wait3A_62 : memref<624x128xf32, #tpu.memory_space<hbm>>)
      tpu.yield
    }) : () -> ()
    %eq3A_54 = arith.constant 15 : i32
    %eq3A_55 = arith.cmpi eq, %arg1, %eq3A_54 : i32
    %convert_element_type3A_56 = arith.extui %eq3A_55 : i1 to i32
    %cond3A_57 = arith.constant 0 : i32
    %cond3A_58 = arith.cmpi ne, %convert_element_type3A_56, %cond3A_57 : i32
    scf.if %cond3A_58 {
      %mul3A_59 = arith.constant 10000 : i32
      %mul3A_60 = arith.muli %arg0, %mul3A_59 : i32
      %add3A_61 = arith.constant 9984 : i32
      %add3A_62 = arith.addi %mul3A_60, %add3A_61 : i32
      "tpu.region"() ({
        %run_scoped3A = tpu.sem_alloc : memref<!tpu.dma_semaphore, #tpu.memory_space<semaphore_mem>>
        %dma_start3A = arith.constant 0 : i32
        %dma_start3A_63 = tpu.memref_slice %arg6[%add3A_62, %dma_start3A] : memref<20000x128xf32, #tpu.memory_space<hbm>> -> memref<16x128xf32, #tpu.memory_space<hbm>>
        %dma_start3A_64 = arith.constant 9984 : i32
        %dma_start3A_65 = arith.constant 0 : i32
        %dma_start3A_66 = tpu.memref_slice %arg11[%dma_start3A_64, %dma_start3A_65] : memref<10000x128xf32, #tpu.memory_space<vmem_shared>> -> memref<16x128xf32, #tpu.memory_space<vmem_shared>>
        tpu.enqueue_dma source(%dma_start3A_66 : memref<16x128xf32, #tpu.memory_space<vmem_shared>>) target(%dma_start3A_63 : memref<16x128xf32, #tpu.memory_space<hbm>>) target_semaphore(%run_scoped3A : memref<!tpu.dma_semaphore, #tpu.memory_space<semaphore_mem>>)
        %dma_wait3A = arith.constant 0 : i32
        %dma_wait3A_67 = tpu.memref_slice %arg6[%add3A_62, %dma_wait3A] : memref<20000x128xf32, #tpu.memory_space<hbm>> -> memref<16x128xf32, #tpu.memory_space<hbm>>
        %dma_wait3A_68 = arith.constant 9984 : i32
        %dma_wait3A_69 = arith.constant 0 : i32
        %dma_wait3A_70 = tpu.memref_slice %arg11[%dma_wait3A_68, %dma_wait3A_69] : memref<10000x128xf32, #tpu.memory_space<vmem_shared>> -> memref<16x128xf32, #tpu.memory_space<vmem_shared>>
        tpu.wait_dma2 semaphore(%run_scoped3A : memref<!tpu.dma_semaphore, #tpu.memory_space<semaphore_mem>>) src(%dma_wait3A_70 : memref<16x128xf32, #tpu.memory_space<vmem_shared>>) dst(%dma_wait3A_67 : memref<16x128xf32, #tpu.memory_space<hbm>>)
        tpu.yield
      }) : () -> ()
    } else {
    }
    return
  }
}

module attributes {stable_mosaic.version = 14 : i64} {
  func.func @_mm_body(%arg0: i32, %arg1: memref<1000x128xf32, #tpu.memory_space<vmem>>, %arg2: memref<128x128xf32, #tpu.memory_space<vmem>>, %arg3: memref<1x128xf32, #tpu.memory_space<vmem>>, %arg4: memref<1000x128xf32, #tpu.memory_space<vmem>>) attributes {dimension_semantics = [#tpu.dimension_semantics<arbitrary>], iteration_bounds = array<i64: 10>, scalar_prefetch = 0 : i64, scratch_operands = 0 : i64, tpu.core_type = #tpu.core_type<tc>, window_params = [{transform_indices = @transform_0, window_bounds = array<i64: 1000, 128>}, {pipeline_mode = #tpu.pipeline_mode<synchronous>, transform_indices = @transform_1, window_bounds = array<i64: 128, 128>}, {pipeline_mode = #tpu.pipeline_mode<synchronous>, transform_indices = @transform_2, window_bounds = array<i64: 1, 128>}, {transform_indices = @transform_3, window_bounds = array<i64: 1000, 128>}]} {
    %get3A = arith.constant 0 : index
    %get3A_0 = arith.constant 0 : index
    %get3A_1 = vector.load %arg1[%get3A, %get3A_0] : memref<1000x128xf32, #tpu.memory_space<vmem>>, vector<1000x128xf32>
    %get3A_2 = arith.constant 0 : index
    %get3A_3 = arith.constant 0 : index
    %get3A_4 = vector.load %arg2[%get3A_2, %get3A_3] : memref<128x128xf32, #tpu.memory_space<vmem>>, vector<128x128xf32>
    %dot_general3A = arith.constant dense<0.000000e+00> : vector<1000x128xf32>
    %dot_general3A_5 = tpu.matmul %get3A_1, %get3A_4, %dot_general3A {dimension_numbers = #tpu.dot_dimension_numbers<[1], [0], [0], [1], [0, 0, 1, 1], [], []>, transpose_lhs_hint = false} : vector<1000x128xf32>, vector<128x128xf32>, vector<1000x128xf32> -> vector<1000x128xf32>
    %get3A_6 = arith.constant 0 : index
    %get3A_7 = arith.constant 0 : index
    %get3A_8 = vector.load %arg3[%get3A_6, %get3A_7] : memref<1x128xf32, #tpu.memory_space<vmem>>, vector<1x128xf32>
    %add3A = vector.broadcast %get3A_8 : vector<1x128xf32> to vector<1000x128xf32>
    %add3A_9 = arith.addf %dot_general3A_5, %add3A : vector<1000x128xf32>
    %swap3A = arith.constant 0 : index
    %swap3A_10 = arith.constant 0 : index
    %swap3A_11 = vector.load %arg4[%swap3A, %swap3A_10] : memref<1000x128xf32, #tpu.memory_space<vmem>>, vector<1000x128xf32>
    tpu.vector_store %arg4[%swap3A, %swap3A_10], %add3A_9 {strides = array<i32>} : memref<1000x128xf32, #tpu.memory_space<vmem>>, vector<1000x128xf32>,
    return
  }
  func.func @transform_0(%arg0: i32) -> (i32, i32) {
    %c0_i32 = arith.constant 0 : i32
    %c0_i32_0 = arith.constant 0 : i32
    return %arg0, %c0_i32 : i32, i32
  }
  func.func @transform_1(%arg0: i32) -> (i32, i32) {
    %c0_i32 = arith.constant 0 : i32
    %c0_i32_0 = arith.constant 0 : i32
    %c0_i32_1 = arith.constant 0 : i32
    return %c0_i32, %c0_i32_0 : i32, i32
  }
  func.func @transform_2(%arg0: i32) -> (i32, i32) {
    %c0_i32 = arith.constant 0 : i32
    %c0_i32_0 = arith.constant 0 : i32
    %c0_i32_1 = arith.constant 0 : i32
    return %c0_i32, %c0_i32_0 : i32, i32
  }
  func.func @transform_3(%arg0: i32) -> (i32, i32) {
    %c0_i32 = arith.constant 0 : i32
    %c0_i32_0 = arith.constant 0 : i32
    return %arg0, %c0_i32 : i32, i32
  }
}

module attributes {stable_mosaic.version = 14 : i64} {
  func.func @_combine_body(%arg0: i32, %arg1: memref<1000x128xf32, #tpu.memory_space<vmem>>, %arg2: memref<1000x128xf32, #tpu.memory_space<vmem>>, %arg3: memref<1000x128xf32, #tpu.memory_space<vmem>>) attributes {dimension_semantics = [#tpu.dimension_semantics<arbitrary>], iteration_bounds = array<i64: 10>, scalar_prefetch = 0 : i64, scratch_operands = 0 : i64, tpu.core_type = #tpu.core_type<tc>, window_params = [{transform_indices = @transform_0, window_bounds = array<i64: 1000, 128>}, {transform_indices = @transform_1, window_bounds = array<i64: 1000, 128>}, {transform_indices = @transform_2, window_bounds = array<i64: 1000, 128>}]} {
    %get3A = arith.constant 0 : index
    %get3A_0 = arith.constant 0 : index
    %get3A_1 = vector.load %arg1[%get3A, %get3A_0] : memref<1000x128xf32, #tpu.memory_space<vmem>>, vector<1000x128xf32>
    %get3A_2 = arith.constant 0 : index
    %get3A_3 = arith.constant 0 : index
    %get3A_4 = vector.load %arg2[%get3A_2, %get3A_3] : memref<1000x128xf32, #tpu.memory_space<vmem>>, vector<1000x128xf32>
    %add3A = arith.addf %get3A_1, %get3A_4 : vector<1000x128xf32>
    %gt3A = arith.constant 0.000000e+00 : f32
    %gt3A_5 = vector.broadcast %gt3A : f32 to vector<1000x128xf32>
    %gt3A_6 = arith.cmpf ogt, %add3A, %gt3A_5 : vector<1000x128xf32>
    %exp3A = math.exp %add3A : vector<1000x128xf32>
    %sub3A = arith.constant 1.000000e+00 : f32
    %sub3A_7 = vector.broadcast %sub3A : f32 to vector<1000x128xf32>
    %sub3A_8 = arith.subf %exp3A, %sub3A_7 : vector<1000x128xf32>
    %select_n3A = arith.select %gt3A_6, %add3A, %sub3A_8 : vector<1000x128xi1>, vector<1000x128xf32>
    %swap3A = arith.constant 0 : index
    %swap3A_9 = arith.constant 0 : index
    %swap3A_10 = vector.load %arg3[%swap3A, %swap3A_9] : memref<1000x128xf32, #tpu.memory_space<vmem>>, vector<1000x128xf32>
    tpu.vector_store %arg3[%swap3A, %swap3A_9], %select_n3A {strides = array<i32>} : memref<1000x128xf32, #tpu.memory_space<vmem>>, vector<1000x128xf32>,
    return
  }
  func.func @transform_0(%arg0: i32) -> (i32, i32) {
    %c0_i32 = arith.constant 0 : i32
    %c0_i32_0 = arith.constant 0 : i32
    return %arg0, %c0_i32 : i32, i32
  }
  func.func @transform_1(%arg0: i32) -> (i32, i32) {
    %add3A = arith.constant 10 : i32
    %add3A_0 = arith.addi %add3A, %arg0 : i32
    %c0_i32 = arith.constant 0 : i32
    %c0_i32_1 = arith.constant 0 : i32
    return %add3A_0, %c0_i32 : i32, i32
  }
  func.func @transform_2(%arg0: i32) -> (i32, i32) {
    %c0_i32 = arith.constant 0 : i32
    %c0_i32_0 = arith.constant 0 : i32
    return %arg0, %c0_i32 : i32, i32
  }
}

</mosaic_0001>

<sc_bundles>
// kernel: kernel.5.cloned.1.call-start
scs
__scs_entry_jumppad:
0x0: {  	(pc) =	sbr.rel $0x88, $3  }
0x1: {  	(tag) =	ssettag $0x0;
	lr =	simm.s32 $0x1  }
0x2: {  	[smem:$0x3F9C] =	sst lr;
	_ =	strace $0xD0000000  }
0x3: {  	_ = 	snop  }
0x4: {  	_ = 	snop  }
0x5: {  	_ = 	snop  }
0x6: {  	_ = 	snop  }
0x7: {  	_ = 	snop  }
__scs_overlays_trampoline_lowered:
0x8: {  	[smem:$0x3FAB] =	sst s0  }
0x9: {  	[smem:$0x3FAC] =	sst s1  }
0xa: {  	[smem:$0x3FAD] =	sst s2  }
0xb: {  	[smem:$0x3FAE] =	sst s3  }
0xc: {  	[smem:$0x3FAF] =	sst s4  }
0xd: {  	[smem:$0x3FB0] =	sst s5  }
0xe: {  	[smem:$0x3FB1] =	sst s6  }
0xf: {  	[smem:$0x3FB2] =	sst s7  }
0x10: {  	[smem:$0x3FB3] =	sst s8  }
0x11: {  	[smem:$0x3FB4] =	sst s9;
	s0 =	simm.s32 @!p0 $0x0  }
0x12: {  	s1 =	sld [smem:$0x3F9A];
	s0 =	simm.s32 @p0 $0x1  }
0x13: {  	[smem:$0x3FB5] =	sst s0;
	s0 =	simm.s32 @!p1 $0x0  }
0x14: {  	s2 =	sld [smem:$0x3F99];
	s0 =	simm.s32 @p1 $0x1  }
0x15: {  	[smem:$0x3FB6] =	sst s0;
	s0 =	simm.s32 @!p2 $0x0  }
0x16: {  	s3 =	sld [smem:$0x3FDB];
	s0 =	simm.s32 @p2 $0x1  }
0x17: {  	s4 =	simm.s32 $0x1BF5;
	[smem:$0x3FB8] =	sst s0  }
0x18: {  	s0 =	sld [smem:$0x3F9B];
	_ =	swait.ge [sflag:s4], $0x0  }
0x19: {  	s7 =	sld [smem:$0x3F9C]  }
0x1a: {  	s8 =	sadd.s32 $0xFFFFE003, lr  }
0x1b: {  	s9 =	sadd.s32 $0xFFFFFEF7, lr;
	s5 =	simm.s32 $0xFFFFFFFF;
	p2 =	slt.u32 s8, $0xFFFFF086  }
0x1c: {  	p1 =	slt.u32 s9, $0xF7A;
	s5 =	simm.s32 @!p2 $0x0  }
0x1d: {  	s5 =	simm.s32 @p1 $0x1;
	p0 =	seq.s32 s7, s2  }
0x1e: {  	s7 =	smul.u32 @!p0 $0xF7A, s2;
	p2 =	seq.s32 @!p0 s5, $0x0  }
0x1f: {  	s9 =	smul.u32 $0xF7A, s1;
	s8 =	simm.s32 @!p0 $0x1BF5;
	p2 =	por !p2, p0  }
0x20: {  	[sflag:s8] =	ssyncset.s32 @!p0 $0xFFFFF086;
	s6 =	sadd.s32 @!p0 s3, s7;
	s7 =	simm.s32 @!p0 $0x108  }
0x21: {  	s3 =	sadd.s32 s3, s9;
	s6 =	sadd.s32 @!p0 $0x88, s6;
	s7 =	simm.s32 @p2 $0x1082  }
0x22: {  	[simem:s7], [sflag:s8] =	dma.local @!p0 [hbm:s6], $0xF7A  }
0x23: {  	s9 =	sor.u32 $0xD0000000, s2;
	s6 =	simm.s32 $0x108;
	_ =	swait.ge @!p0 [sflag:s8], $0x0  }
0x24: {  	s3 =	sadd.s32 $0x88, s3;
	s6 =	simm.s32 @!p1 $0x1082;
	[sflag:s4] =	ssyncset.s32 $0xFFFFF086  }
0x25: {  	[simem:s6], [sflag:s4] =	dma.local [hbm:s3], $0xF7A  }
0x26: {  	[smem:$0x3F9C] =	sst s1;
	(tag) =	ssettag s2;
	_ =	strace s9  }
0x27: {  	s1 =	sld [smem:$0x3FAC]  }
0x28: {  	s2 =	sld [smem:$0x3FAD]  }
0x29: {  	s4 =	sld [smem:$0x3FAF]  }
0x2a: {  	p0 =	seq.s32 s5, $0x0;
	s5 =	sld [smem:$0x3FB0]  }
0x2b: {  	s6 =	sld [smem:$0x3FB1]  }
0x2c: {  	s7 =	sld [smem:$0x3FB2]  }
0x2d: {  	s3 =	simm.s32 $0x108;
	s8 =	sld [smem:$0x3FB3]  }
0x2e: {  	s3 =	simm.s32 @!p0 $0x1082;
	s9 =	sld [smem:$0x3FB4]  }
0x2f: {  	lr =	sadd.s32 s0, s3;
	s0 =	sld [smem:$0x3FAB]  }
0x30: {  	s3 =	sld [smem:$0x3FAE]  }
0x31: {  	[smem:$0x3FB7] =	sst s10  }
0x32: {  	s10 =	sld [smem:$0x3FB5];
	_ =	sdelay $0x3  }
0x33: {  	p0 =	seq.s32 s10, $0x1;
	s10 =	sld [smem:$0x3FB7];
	_ =	sdelay $0x3  }
0x34: {  	[smem:$0x3FB7] =	sst s10  }
0x35: {  	s10 =	sld [smem:$0x3FB6];
	_ =	sdelay $0x3  }
0x36: {  	p1 =	seq.s32 s10, $0x1;
	s10 =	sld [smem:$0x3FB7];
	_ =	sdelay $0x3  }
0x37: {  	[smem:$0x3FB7] =	sst s10  }
0x38: {  	s10 =	sld [smem:$0x3FB8]  }
0x39: {  	_ = 	snop;
	(pc) =	sbr.ind lr, $3  }
0x3a: {  	_ = 	snop  }
0x3b: {  	_ = 	snop  }
0x3c: {  	p2 =	seq.s32 s10, $0x1;
	s10 =	sld [smem:$0x3FB7]  }
0x3d: {  	_ =	shalt  }
0x3e: {  	_ =	shalt  }
0x3f: {  	_ =	shalt  }
0x40: {  	_ =	shalt  }
0x41: {  	_ =	shalt  }
0x42: {  	_ =	shalt  }
0x43: {  	_ =	shalt  }
0x44: {  	_ =	shalt  }
0x45: {  	_ =	shalt  }
0x46: {  	_ =	shalt  }
0x47: {  	_ =	shalt  }
0x48: {  	_ =	shalt  }
0x49: {  	_ =	shalt  }
0x4a: {  	_ =	shalt  }
0x4b: {  	_ =	shalt  }
0x4c: {  	_ =	shalt  }
0x4d: {  	_ =	shalt  }
0x4e: {  	_ =	shalt  }
0x4f: {  	_ =	shalt  }
0x50: {  	_ =	shalt  }
0x51: {  	_ =	shalt  }
0x52: {  	_ =	shalt  }
0x53: {  	_ =	shalt  }
0x54: {  	_ =	shalt  }
0x55: {  	_ =	shalt  }
0x56: {  	_ =	shalt  }
0x57: {  	_ =	shalt  }
0x58: {  	_ =	shalt  }
0x59: {  	_ =	shalt  }
0x5a: {  	_ =	shalt  }
0x5b: {  	_ =	shalt  }
0x5c: {  	_ =	shalt  }
0x5d: {  	_ =	shalt  }
0x5e: {  	_ =	shalt  }
0x5f: {  	_ =	shalt  }
0x60: {  	_ =	shalt  }
0x61: {  	_ =	shalt  }
0x62: {  	_ =	shalt  }
0x63: {  	_ =	shalt  }
0x64: {  	_ =	shalt  }
0x65: {  	_ =	shalt  }
0x66: {  	_ =	shalt  }
0x67: {  	_ =	shalt  }
0x68: {  	_ =	shalt  }
0x69: {  	_ =	shalt  }
0x6a: {  	_ =	shalt  }
0x6b: {  	_ =	shalt  }
0x6c: {  	_ =	shalt  }
0x6d: {  	_ =	shalt  }
0x6e: {  	_ =	shalt  }
0x6f: {  	_ =	shalt  }
0x70: {  	_ =	shalt  }
0x71: {  	_ =	shalt  }
0x72: {  	_ =	shalt  }
0x73: {  	_ =	shalt  }
0x74: {  	_ =	shalt  }
0x75: {  	_ =	shalt  }
0x76: {  	_ =	shalt  }
0x77: {  	_ =	shalt  }
0x78: {  	_ =	shalt  }
0x79: {  	_ =	shalt  }
0x7a: {  	_ =	shalt  }
0x7b: {  	_ =	shalt  }
0x7c: {  	_ =	shalt  }
0x7d: {  	_ =	shalt  }
0x7e: {  	_ =	shalt  }
0x7f: {  	_ =	shalt  }
0x80: {  	_ =	shalt  }
0x81: {  	_ =	shalt  }
0x82: {  	_ =	shalt  }
0x83: {  	_ =	shalt  }
0x84: {  	_ =	shalt  }
0x85: {  	_ =	shalt  }
0x86: {  	_ =	shalt  }
0x87: {  	_ =	shalt  }
.Lfunc_end0:
.L_simem_size_0:
called_computation_lowered:
.L_overlay_start_0:
0x88: {  	s2 =	sld [smem:$0x3FD9]  }
0x89: {  	s3 =	sld [smem:$0x3FFE];
	_ =	sdelay $0x1  }
0x8a: {  	s1 =	srdreg.scid  }
0x8b: {  	s0 =	sand.u32 $0x1, s1  }
0x8c: {  	s17 =	sshll.u32 s0, $0xA;
	s2 =	sadd.s32 s3, s2  }
0x8d: {  	s2 =	sadd.s32 s2, s17  }
0x8e: {  	[smem:$0x3FC3] =	sst s2  }
0x8f: {  	_ = 	snop  }
0x90: {  	s2 =	sld [smem:$0x3FD0];
	(tm) =	ssettm $0x1  }
0x91: {  	s18 =	sld [smem:$0x3FFB];
	_ =	sdelay $0x3  }
0x92: {  	_ =	strace s18  }
0x93: {  	s3 =	sld [smem:$0x3FFC];
	_ =	sdelay $0x3  }
0x94: {  	_ =	strace s3  }
0x95: {  	s3 =	sld [smem:$0x3FFD];
	_ =	sdelay $0x3  }
0x96: {  	_ =	strace s3  }
0x97: {  	_ =	strace $0x8FFFFFFF  }
0x98: {  	s19 =	sld [smem:$0x3FDB];
	_ =	sdelay $0x1  }
0x99: {  	s4 =	simm.s32 $_scs_section_size  }
0x9a: {  	s5 =	simm.s32 $_size__tile_overlayer_lowered;
	s6 =	simm.s32 $_tile_overlayer_lowered  }
0x9b: {  	s22 =	simm.s32 $0x1BFF;
	s21 =	sshll.u32 s6, $0x1;
	s3 =	sadd.s32 s4, s19  }
0x9c: {  	s7 =	simm.s32 $0x0;
	s20 =	sshll.u32 s5, $0x1;
	s5 =	sadd.s32 s21, s3  }
0x9d: {  	[timem:s7], [sflag:s22] =	dma.local [hbm:s5], s20  }
0x9e: {  	_ =	swait.ge [sflag:s22], s20  }
0x9f: {  	s4 =	ssub.s32 $0x0, s20;
	[sflag:s22] =	ssyncset.done $0x0  }
0xa0: {  	[sflag:s22] =	ssyncadd.s32 s4;
	_ =	sdelay $0x1  }
0xa1: {  	s23 =	simm.s32 $0x1B8B  }
0xa2: {  	_ =	swait.ge [sflag:s23], $0x1  }
0xa3: {  	[sflag:s23] =	ssyncset.done $0x0  }
0xa4: {  	s25 =	simm.s32 $0x1B8E;
	s24 =	sld [smem:$0x3FFE];
	[sflag:s23] =	ssyncadd.s32 $0xFFFFFFFF  }
0xa5: {  	s26 =	simm.s32 $execute0_lowered;
	[smem:$0x3FD2] =	sst s25  }
0xa6: {  	s5 =	sshll.u32 s26, $0x1;
	_ =	strace $0x80000046;
	[dreg:$0x1] =	wrdreg $0xFFFFFFFF  }
0xa7: {  	s28 =	simm.s32 $_size_execute0_lowered;
	s3 =	sadd.s32 s3, s5;
	[dreg:$0x0] =	wrdreg $0x0  }
0xa8: {  	s5 =	sshll.u32 s28, $0x1;
	[dreg:$0x2] =	wrdreg s3  }
0xa9: {  	[dreg:$0x3] =	wrdreg s5  }
0xaa: {  	[dreg:$0x4] =	wrdreg $0xC0  }
0xab: {  	_ =	task [dreg:s7], $0x5FFFF  }
0xac: {  	[dreg:$0x1] =	wrdreg $0xFFFFFFFF  }
0xad: {  	[dreg:$0x0] =	wrdreg $0x60  }
0xae: {  	[dreg:$0x2] =	wrdreg s2  }
0xaf: {  	[dreg:$0x3] =	wrdreg s24  }
0xb0: {  	[dreg:$0x4] =	wrdreg $0xA8000  }
0xb1: {  	[dreg:$0x5] =	wrdreg $0x9  }
0xb2: {  	_ =	task.clear_ibuf [dreg:s7], $0x6FFFF;
	_ =	strace $0x90000046  }
0xb3: {  	s29 =	simm.s32 $0x9;
	_ =	strace $0x80000048  }
0xb4: {  	_ =	swait.ge [sflag:s29], $0x1  }
0xb5: {  	[sflag:s29] =	ssyncadd.s32 $0xFFFFFFFF  }
0xb6: {  	_ =	strace $0x90000048  }
0xb7: {  	_ =	sfence  }
0xb8: {  	s30 =	sld [smem:$0x0];
	_ =	sdelay $0x2  }
0xb9: {  	s31 =	sshll.u32 s1, $0xD;
	s1 =	sshrl.u32 s1, $0x2  }
0xba: {  	s3 =	sand.u32 $0x4000, s31;
	s1 =	sadd.s32 s1, s30  }
0xbb: {  	s0 =	sor.u32 s3, s0;
	s1 =	sshll.u32 s1, $0x11  }
0xbc: {  	s0 =	sor.u32 s1, s0  }
0xbd: {  	s0 =	sadd.s32 $0x8F2B, s0  }
0xbe: {  	[sflag:s0] =	ssyncadd.remote.s32 $0x1  }
0xbf: {  	_ =	sfence.sel $0xFFFF  }
0xc0: {  	[dreg:$0x0] =	wrdreg $0xFFFFFFFF;
	(pc) =	sbr.abs _section_cstart, $3  }
0xc1: {  	[dreg:$0x1] =	wrdreg $0xFFFFFFFF  }
0xc2: {  	_ =	task.clear_ibuf [dreg:s7], $0x2FFFF;
	_ =	strace $0x9FFFFFFF  }
0xc3: {  	(tm) =	ssettm $0x7FFFFFFF  }
tec
execute0_lowered:
.L_overlay_start_1:
0x0: {  	(tag) =	ssettag $0x1  }
0x1: {  	s1 =	rddreg [dreg:$0x0]  }
0x2: {  	s0 =	rddreg [dreg:$0x1]  }
0x3: {  	s2 =	rddreg [dreg:$0x2]  }
0x4: {  	s4 =	simm.s32 $0x0;
	s3 =	srdreg.scid;
	s13 =	stileid.u32  }
0x5: {  	s28 =	simm.s32 $0x1;
	s29 =	simm.s32 $0x2;
	s30 =	simm.s32 $0x50  }
0x6: {  	s31 =	simm.s32 $0x3;
	[smem:$0x7FF] =	sst s4;
	s5 =	sadd.s32 $0x14C00, s0  }
0x7: {  	s3 =	sand.u32 $0x1, s3;
	s8 =	smul.u32 $0x4E000, s13;
	s6 =	sadd.s32 $0xC00, s0  }
0x8: {  	s7 =	sadd.s32 $0x28C00, s0;
	s0 =	sadd.s32 $0x3CC00, s0;
	s11 =	smul.u32 $0x2700, s13  }
0x9: {  	s16 =	sadd.s32 $0x138000, s2;
	p0 =	sne.s32 s13, $0xF;
	s8 =	sshrl.u32 s8, $0x2  }
0xa: {  	_ =	strace $0x80000047;
	s9 =	ssub.s32 $0x2, s3;
	s8 =	sadd.s32 s8, s2  }
0xb: {  	s19 =	sshll.u32 s3, $0x4;
	s22 =	smul.u32 $0x138800, s3;
	s12 =	sadd.s32 $0x2800, s8  }
0xc: {  	s3 =	smul.u32 $0x27100, s3;
	s20 =	sadd.s32 $0x5000, s8;
	[dreg:$0x4] =	wrdreg s12  }
0xd: {  	s10 =	sshrl.u32 s9, $0x1;
	s21 =	sadd.s32 $0x7800, s8;
	[dreg:$0x5] =	wrdreg s20  }
0xe: {  	s9 =	ssub.s32 s9, s10;
	s14 =	sadd.s32 $0xA000, s8;
	[dreg:$0x6] =	wrdreg s21  }
0xf: {  	s10 =	sor.u32 s13, s19;
	s23 =	sadd.s32 $0xC800, s8;
	[dreg:$0x7] =	wrdreg s14  }
0x10: {  	s3 =	sadd.s32 s11, s3;
	s24 =	sadd.s32 $0xF000, s8;
	[dreg:$0x8] =	wrdreg s23  }
0x11: {  	s25 =	sadd.s32 $0x11800, s8;
	s17 =	smul.u32 $0x5000, s10;
	[dreg:$0x9] =	wrdreg s24  }
0x12: {  	s18 =	sadd.s32 s0, s3;
	[dreg:$0xa] =	wrdreg s25;
	s12 =	sshrl.u32 s22, $0x3  }
0x13: {  	s20 =	smax.u32 s9, $0x1;
	s21 =	simm.s32 $0x3000;
	s22 =	simm.s32 $0x4  }
0x14: {  	s23 =	simm.s32 $0x1000;
	s24 =	simm.s32 $0x2000;
	s26 =	sadd.s32 s0, s12  }
0x15: {  	v0 =	vimm.f32 $0.0e+00;
	s25 =	simm.s32 $0x28;
	s19 =	sadd.s32 $0x27000, s26;
	s26 =	simm.s32 $0x4400  }
.LBB2_1:
0x16: {  	s0 =	simm.s32 $0x0;
	s3 =	simm.s32 $0x200  }
.LBB2_2:
0x17: {  	p1 =	sne.s32 s3, $0x9E00;
	[tilespmem:s0+$0x3070] =	vst v0  }
0x18: {  	[tilespmem:s0+$0x3000] =	vst v0  }
0x19: {  	[tilespmem:s0+$0x3010] =	vst v0  }
.Ltmp0:
0x1a: {  	[tilespmem:s0+$0x3020] =	vst v0;
	(pc) =	sbr.rel @p1 .LBB2_2-.Ltmp0, $4  }
0x1b: {  	[tilespmem:s0+$0x3030] =	vst v0  }
0x1c: {  	[tilespmem:s0+$0x3040] =	vst v0  }
0x1d: {  	[tilespmem:s0+$0x3050] =	vst v0  }
0x1e: {  	[tilespmem:s0+$0x3060] =	vst v0;
	s0 =	sshra.s32 s3, $0x2;
	s3 =	sadd.s32 $0x200, s3  }
0x1f: {  	[tilespmem:s0+$0x3070] =	vst v0  }
0x20: {  	[tilespmem:s0+$0x3000] =	vst v0  }
0x21: {  	[tilespmem:s0+$0x3010] =	vst v0  }
0x22: {  	[tilespmem:s0+$0x3020] =	vst v0  }
0x23: {  	[tilespmem:s0+$0x3030] =	vst v0  }
0x24: {  	[tilespmem:s0+$0x3040] =	vst v0  }
0x25: {  	[tilespmem:s0+$0x3050] =	vst v0  }
0x26: {  	[tilespmem:s0+$0x3060] =	vst v0  }
0x27: {  	[spmem:s8] =	stream.linear.scatter [tilespmem:s21], [sflag:$0x4], $0x2800, $0x38;
	[tilespmem:$0x1E080] =	vst v63  }
0x28: {  	_ =	swait.ge [sflag:s22], $0x2800  }
0x29: {  	[sflag:s22] =	ssyncset.done $0x0  }
0x2a: {  	s9 =	rddreg [dreg:$0x4];
	[sflag:s22] =	ssyncadd.s32 $0xFFFFD800  }
0x2b: {  	[spmem:s9] =	stream.linear.scatter [tilespmem:s21], [sflag:$0x4], $0x2800, $0x38;
	[tilespmem:$0x1E080] =	vst v63  }
0x2c: {  	_ =	swait.ge [sflag:s22], $0x2800  }
0x2d: {  	[sflag:s22] =	ssyncset.done $0x0  }
0x2e: {  	s10 =	rddreg [dreg:$0x5];
	[sflag:s22] =	ssyncadd.s32 $0xFFFFD800  }
0x2f: {  	[spmem:s10] =	stream.linear.scatter [tilespmem:s21], [sflag:$0x4], $0x2800, $0x38;
	[tilespmem:$0x1E080] =	vst v63  }
0x30: {  	_ =	swait.ge [sflag:s22], $0x2800  }
0x31: {  	[sflag:s22] =	ssyncset.done $0x0  }
0x32: {  	s11 =	rddreg [dreg:$0x6];
	[sflag:s22] =	ssyncadd.s32 $0xFFFFD800  }
0x33: {  	[spmem:s11] =	stream.linear.scatter [tilespmem:s21], [sflag:$0x4], $0x2800, $0x38;
	[tilespmem:$0x1E080] =	vst v63  }
0x34: {  	_ =	swait.ge [sflag:s22], $0x2800  }
0x35: {  	[sflag:s22] =	ssyncset.done $0x0  }
0x36: {  	s12 =	rddreg [dreg:$0x7];
	[sflag:s22] =	ssyncadd.s32 $0xFFFFD800  }
0x37: {  	[spmem:s12] =	stream.linear.scatter [tilespmem:s21], [sflag:$0x4], $0x2800, $0x38;
	[tilespmem:$0x1E080] =	vst v63  }
0x38: {  	_ =	swait.ge [sflag:s22], $0x2800  }
0x39: {  	[sflag:s22] =	ssyncset.done $0x0  }
0x3a: {  	s13 =	rddreg [dreg:$0x8];
	[sflag:s22] =	ssyncadd.s32 $0xFFFFD800  }
0x3b: {  	[spmem:s13] =	stream.linear.scatter [tilespmem:s21], [sflag:$0x4], $0x2800, $0x38;
	[tilespmem:$0x1E080] =	vst v63  }
0x3c: {  	_ =	swait.ge [sflag:s22], $0x2800  }
0x3d: {  	[sflag:s22] =	ssyncset.done $0x0  }
0x3e: {  	s14 =	rddreg [dreg:$0x9];
	[sflag:s22] =	ssyncadd.s32 $0xFFFFD800  }
0x3f: {  	[spmem:s14] =	stream.linear.scatter [tilespmem:s21], [sflag:$0x4], $0x2800, $0x38;
	[tilespmem:$0x1E080] =	vst v63  }
0x40: {  	_ =	swait.ge [sflag:s22], $0x2800  }
0x41: {  	[sflag:s22] =	ssyncset.done $0x0  }
0x42: {  	s15 =	rddreg [dreg:$0xa];
	[sflag:s22] =	ssyncadd.s32 $0xFFFFD800  }
0x43: {  	[spmem:s15] =	stream.linear.scatter [tilespmem:s21], [sflag:$0x4], $0x2000, $0x38;
	[tilespmem:$0x1E080] =	vst v63  }
0x44: {  	_ =	swait.ge [sflag:s22], $0x2000  }
0x45: {  	[sflag:s22] =	ssyncset.done $0x0  }
0x46: {  	s0 =	simm.s32 @!p0 $0x3000;
	[sflag:s22] =	ssyncadd.s32 $0xFFFFE000  }
0x47: {  	[spmem:s16] =	stream.linear.scatter @!p0 [tilespmem:s0], [sflag:$0x4], $0x800, $0x38;
	[tilespmem:$0x1E080] =	vst v63  }
0x48: {  	s0 =	simm.s32 @!p0 $0x4  }
0x49: {  	_ =	swait.ge @!p0 [sflag:s0], $0x800  }
0x4a: {  	[sflag:s0] =	ssyncset.done @!p0 $0x0  }
0x4b: {  	[sflag:s0] =	ssyncadd.s32 @!p0 $0xFFFFF800  }
0x4c: {  	s3 =	simm.s32 $0x0;
	s0 =	simm.s32 $0x0;
	[bflag:$0x0] =	sbarrier.arrive $0xFFFF  }
.LBB2_4:
0x4d: {  	s9 =	sshll.u32 s3, $0xC  }
0x4e: {  	s9 =	sadd.s32 s17, s9  }
0x4f: {  	s9 =	sshrl.u32 s9, $0x3  }
0x50: {  	s10 =	sadd.s32 s5, s9  }
0x51: {  	[tilespmem:s0], [sflag:$0x4] =	stream.linear.gather [hbm4b:s10+s0], $0xC80, $0x38;
	[tilespmem:$0x1E080] =	vst v63  }
0x52: {  	_ =	swait.ge [sflag:s22], $0xC80  }
0x53: {  	[sflag:s22] =	ssyncset.done $0x0  }
0x54: {  	s15 =	sadd.s32 s6, s9;
	[sflag:s22] =	ssyncadd.s32 $0xFFFFF380  }
0x55: {  	[tilespmem:s23], [sflag:$0x4] =	stream.linear.gather [hbm4b:s15+s0], $0xC80, $0x38;
	[tilespmem:$0x1E080] =	vst v63  }
0x56: {  	_ =	swait.ge [sflag:s22], $0xC80  }
0x57: {  	[sflag:s22] =	ssyncset.done $0x0  }
0x58: {  	s9 =	sadd.s32 s7, s9;
	[sflag:s22] =	ssyncadd.s32 $0xFFFFF380  }
0x59: {  	[tilespmem:s24], [sflag:$0x4] =	stream.linear.gather [hbm4b:s9+s0], $0xC80, $0x38;
	[tilespmem:$0x1E080] =	vst v63  }
0x5a: {  	_ =	swait.ge [sflag:s22], $0xC80  }
0x5b: {  	[sflag:s22] =	ssyncset.done $0x0  }
0x5c: {  	[sflag:s22] =	ssyncadd.s32 $0xFFFFF380  }
0x5d: {  	[tilespmem:s21], [sflag:$0x1] =	stream.indirect.gather [hbm4b:s1+s25], $0x80, s0, s25, $0xb8;
	[tilespmem:$0x1E080] =	vst v63  }
0x5e: {  	s9 =	simm.s32 $0x0  }
0x5f: {  	[tilespmem:s26], [sflag:$0x2] =	stream.indirect.gather [hbm4b:s1+s25], $0x80, s25, s25, $0xb8;
	[tilespmem:$0x1E080] =	vst v63  }
.LBB2_5:
0x60: {  	s10 =	smul.u32 $0xAB, s9;
	_ =	sdelay $0x1  }
0x61: {  	s11 =	smov.u32 s9;
	s9 =	sadd.s32 $0xAB, s10  }
0x62: {  	s9 =	sshrl.u32 s9, $0x9  }
0x63: {  	s9 =	sand.u32 $0x7F, s9  }
0x64: {  	p1 =	seq.s32 s11, $0x18;
	s12 =	smul.u32 $0x3, s9  }
0x65: {  	p2 =	slt.u32 @!p1 s11, $0x2;
	s9 =	sadd.s32 $0x1, s11  }
0x66: {  	p2 =	por p2, p1;
	s12 =	ssub.s32 s9, s12  }
0x67: {  	s13 =	simm.s32 @!p2 $0x3;
	s12 =	sand.u32 $0xFF, s12  }
0x68: {  	_ =	swait.ge @!p2 [sflag:s13], $0x2800;
	s12 =	smul.u32 @!p1 $0xA000, s12  }
0x69: {  	s15 =	simm.s32 @!p1 $0x28;
	s10 =	sshrl.u32 s10, $0x9;
	[sflag:s13] =	ssyncset.done @!p2 $0x0  }
0x6a: {  	[sflag:s13] =	ssyncadd.s32 @!p2 $0xFFFFD800;
	s13 =	sshll.u32 @!p1 s9, $0x7;
	s12 =	sshrl.u32 @!p1 s12, $0x2  }
0x6b: {  	s10 =	sand.u32 $0x7F, s10;
	s13 =	sand.u32 @!p1 $0x3FFFFF80, s13;
	s14 =	sadd.s32 @!p1 $0x3000, s12  }
0x6c: {  	[tilespmem:s14], [sflag:$0x1] =	stream.indirect.gather @!p1 [hbm4b:s1+s15], $0x80, s13, s15, $0xb8;
	[tilespmem:$0x1E080] =	vst v63  }
0x6d: {  	s12 =	sadd.s32 @!p1 $0x4400, s12;
	s13 =	sor.u32 @!p1 $0x28, s13;
	s14 =	sshll.u32 s11, $0x9  }
0x6e: {  	[tilespmem:s12], [sflag:$0x2] =	stream.indirect.gather @!p1 [hbm4b:s1+s15], $0x80, s13, s15, $0xb8;
	[tilespmem:$0x1E080] =	vst v63  }
0x6f: {  	s15 =	smul.u32 $0x3, s10;
	s10 =	sshrl.u32 s14, $0x2  }
0x70: {  	_ =	swait.ge [sflag:s28], $0x1400;
	s12 =	sadd.s32 $0x2000, s10  }
0x71: {  	s11 =	ssub.s32 s11, s15;
	[sflag:s28] =	ssyncset.done $0x0;
	v1 =	vmov s12  }
0x72: {  	s11 =	sand.u32 $0xFF, s11;
	[sflag:s28] =	ssyncadd.s32 $0xFFFFEC00  }
0x73: {  	s12 =	smul.u32 $0x50, s11;
	_ =	swait.ge [sflag:s29], $0x1400  }
0x74: {  	[sflag:s29] =	ssyncset.done $0x0  }
0x75: {  	s14 =	simm.s32 $0x0;
	[sflag:s29] =	ssyncadd.s32 $0xFFFFEC00;
	s15 =	sadd.s32 $0x0, s12  }
0x76: {  	v2 =	vld.idx.msk [tilespmem:v1+s14+$0x0 ss:$0x1], $0xffff;
	s15 =	sshll.u32 s15, $0x7  }
0x77: {  	s13 =	sand.u32 $0x3FFFFF80, s15  }
0x78: {  	v3 =	vld [tilespmem:s13+$0x3000]  }
0x79: {  	v4 =	vld [tilespmem:s13+$0x3010]  }
0x7a: {  	v5 =	vld [tilespmem:s13+$0x3020]  }
0x7b: {  	v7 =	vld [tilespmem:s13+$0x3030];
	v6 =	vbroadcast v2, $0x0  }
0x7c: {  	v8 =	vld [tilespmem:s13+$0x3040]  }
0x7d: {  	v9 =	vld [tilespmem:s13+$0x3050];
	v3 =	vmul.f32 v6, v3  }
0x7e: {  	v10 =	vld [tilespmem:s13+$0x3060];
	v4 =	vmul.f32 v4, v6  }
0x7f: {  	v5 =	vmul.f32 v5, v6;
	[tilespmem:s13+$0x3000] =	vst v3;
	v3 =	vld [tilespmem:s13+$0x3070]  }
0x80: {  	v48 =	vld [tilespmem:s13+$0x3080];
	v7 =	vmul.f32 v7, v6;
	[tilespmem:s13+$0x3010] =	vst v4  }
0x81: {  	v49 =	vld [tilespmem:s13+$0x3090];
	v8 =	vmul.f32 v8, v6;
	[tilespmem:s13+$0x3020] =	vst v5  }
0x82: {  	v50 =	vld [tilespmem:s13+$0x30A0];
	v9 =	vmul.f32 v9, v6;
	[tilespmem:s13+$0x3030] =	vst v7  }
0x83: {  	v51 =	vld [tilespmem:s13+$0x30B0];
	v11 =	vbroadcast v2, $0x1;
	v10 =	vmul.f32 v10, v6;
	[tilespmem:s13+$0x3040] =	vst v8  }
0x84: {  	v52 =	vld [tilespmem:s13+$0x30C0];
	[tilespmem:s13+$0x3050] =	vst v9;
	v3 =	vmul.f32 v3, v6  }
0x85: {  	v54 =	vld [tilespmem:s13+$0x30F0];
	[tilespmem:s13+$0x3060] =	vst v10;
	v4 =	vmul.f32 v48, v11  }
0x86: {  	v5 =	vmul.f32 v49, v11;
	[tilespmem:s13+$0x3070] =	vst v3;
	v3 =	vld [tilespmem:s13+$0x30E0]  }
0x87: {  	v55 =	vld [tilespmem:s13+$0x3100];
	v7 =	vmul.f32 v50, v11;
	[tilespmem:s13+$0x3080] =	vst v4  }
0x88: {  	v56 =	vld [tilespmem:s13+$0x3110];
	v8 =	vmul.f32 v51, v11;
	[tilespmem:s13+$0x3090] =	vst v5  }
0x89: {  	v57 =	vld [tilespmem:s13+$0x3120];
	v9 =	vmul.f32 v52, v11;
	[tilespmem:s13+$0x30A0] =	vst v7  }
0x8a: {  	v58 =	vld [tilespmem:s13+$0x3130];
	v60 =	vbroadcast v2, $0x2;
	[tilespmem:s13+$0x30B0] =	vst v8;
	v4 =	vmul.f32 v54, v11  }
0x8b: {  	v61 =	vld [tilespmem:s13+$0x3160];
	[tilespmem:s13+$0x30C0] =	vst v9;
	v3 =	vmul.f32 v3, v11  }
0x8c: {  	v62 =	vld [tilespmem:s13+$0x3170];
	v5 =	vmul.f32 v55, v60;
	[tilespmem:s13+$0x30F0] =	vst v4  }
0x8d: {  	v7 =	vmul.f32 v56, v60;
	[tilespmem:s13+$0x30E0] =	vst v3;
	v3 =	vld [tilespmem:s13+$0x3150]  }
0x8e: {  	v63 =	vld [tilespmem:s13+$0x3180];
	v8 =	vmul.f32 v57, v60;
	[tilespmem:s13+$0x3100] =	vst v5  }
0x8f: {  	v12 =	vld [tilespmem:s13+$0x3190];
	v9 =	vmul.f32 v58, v60;
	[tilespmem:s13+$0x3110] =	vst v7  }
0x90: {  	v13 =	vld [tilespmem:s13+$0x31A0];
	[tilespmem:s13+$0x3120] =	vst v8;
	v4 =	vmul.f32 v61, v60  }
0x91: {  	v53 =	vld [tilespmem:s13+$0x30D0];
	v15 =	vbroadcast v2, $0x3;
	[tilespmem:s13+$0x3130] =	vst v9;
	v5 =	vmul.f32 v62, v60  }
0x92: {  	v16 =	vld [tilespmem:s13+$0x31D0];
	[tilespmem:s13+$0x3160] =	vst v4;
	v3 =	vmul.f32 v3, v60  }
0x93: {  	v17 =	vld [tilespmem:s13+$0x31E0];
	v7 =	vmul.f32 v63, v15;
	[tilespmem:s13+$0x3170] =	vst v5  }
0x94: {  	v8 =	vmul.f32 v12, v15;
	[tilespmem:s13+$0x3150] =	vst v3;
	v3 =	vld [tilespmem:s13+$0x31C0]  }
0x95: {  	v18 =	vld [tilespmem:s13+$0x31F0];
	v9 =	vmul.f32 v13, v15;
	[tilespmem:s13+$0x3180] =	vst v7  }
0x96: {  	v19 =	vld [tilespmem:s13+$0x3200];
	v6 =	vmul.f32 v53, v11;
	[tilespmem:s13+$0x3190] =	vst v8  }
0x97: {  	v20 =	vld [tilespmem:s13+$0x3210];
	[tilespmem:s13+$0x31A0] =	vst v9;
	v4 =	vmul.f32 v16, v15  }
0x98: {  	v59 =	vld [tilespmem:s13+$0x3140];
	v5 =	vmul.f32 v17, v15;
	[tilespmem:s13+$0x30D0] =	vst v6  }
0x99: {  	v22 =	vld [tilespmem:s13+$0x3240];
	v23 =	vbroadcast v2, $0x4;
	[tilespmem:s13+$0x31D0] =	vst v4;
	v3 =	vmul.f32 v3, v15  }
0x9a: {  	v24 =	vld [tilespmem:s13+$0x3250];
	v7 =	vmul.f32 v18, v15;
	[tilespmem:s13+$0x31E0] =	vst v5  }
0x9b: {  	v8 =	vmul.f32 v19, v23;
	[tilespmem:s13+$0x31C0] =	vst v3;
	v3 =	vld [tilespmem:s13+$0x3230]  }
0x9c: {  	v25 =	vld [tilespmem:s13+$0x3260];
	v9 =	vmul.f32 v20, v23;
	[tilespmem:s13+$0x31F0] =	vst v7  }
0x9d: {  	v26 =	vld [tilespmem:s13+$0x3270];
	v6 =	vmul.f32 v59, v60;
	[tilespmem:s13+$0x3200] =	vst v8  }
0x9e: {  	v27 =	vld [tilespmem:s13+$0x3280];
	[tilespmem:s13+$0x3210] =	vst v9;
	v4 =	vmul.f32 v22, v23  }
0x9f: {  	v14 =	vld [tilespmem:s13+$0x31B0];
	v5 =	vmul.f32 v24, v23;
	[tilespmem:s13+$0x3140] =	vst v6  }
0xa0: {  	v29 =	vld [tilespmem:s13+$0x32B0];
	[tilespmem:s13+$0x3240] =	vst v4;
	v3 =	vmul.f32 v3, v23  }
0xa1: {  	v30 =	vld [tilespmem:s13+$0x32C0];
	v31 =	vbroadcast v2, $0x5;
	v7 =	vmul.f32 v25, v23;
	[tilespmem:s13+$0x3250] =	vst v5  }
0xa2: {  	v8 =	vmul.f32 v26, v23;
	[tilespmem:s13+$0x3230] =	vst v3;
	v3 =	vld [tilespmem:s13+$0x32A0]  }
0xa3: {  	v32 =	vld [tilespmem:s13+$0x32D0];
	v9 =	vmul.f32 v27, v31;
	[tilespmem:s13+$0x3260] =	vst v7  }
0xa4: {  	v33 =	vld [tilespmem:s13+$0x32E0];
	v6 =	vmul.f32 v14, v15;
	[tilespmem:s13+$0x3270] =	vst v8  }
0xa5: {  	v34 =	vld [tilespmem:s13+$0x32F0];
	[tilespmem:s13+$0x3280] =	vst v9;
	v4 =	vmul.f32 v29, v31  }
0xa6: {  	v21 =	vld [tilespmem:s13+$0x3220];
	v5 =	vmul.f32 v30, v31;
	[tilespmem:s13+$0x31B0] =	vst v6  }
0xa7: {  	v36 =	vld [tilespmem:s13+$0x3320];
	[tilespmem:s13+$0x32B0] =	vst v4;
	v3 =	vmul.f32 v3, v31  }
0xa8: {  	v37 =	vld [tilespmem:s13+$0x3330];
	v7 =	vmul.f32 v32, v31;
	[tilespmem:s13+$0x32C0] =	vst v5  }
0xa9: {  	v8 =	vmul.f32 v33, v31;
	[tilespmem:s13+$0x32A0] =	vst v3;
	v3 =	vld [tilespmem:s13+$0x3310]  }
0xaa: {  	v38 =	vld [tilespmem:s13+$0x3340];
	v39 =	vbroadcast v2, $0x6;
	v9 =	vmul.f32 v34, v31;
	[tilespmem:s13+$0x32D0] =	vst v7  }
0xab: {  	v40 =	vld [tilespmem:s13+$0x3350];
	v6 =	vmul.f32 v21, v23;
	[tilespmem:s13+$0x32E0] =	vst v8  }
0xac: {  	v41 =	vld [tilespmem:s13+$0x3360];
	[tilespmem:s13+$0x32F0] =	vst v9;
	v4 =	vmul.f32 v36, v39  }
0xad: {  	v28 =	vld [tilespmem:s13+$0x3290];
	v5 =	vmul.f32 v37, v39;
	[tilespmem:s13+$0x3220] =	vst v6  }
0xae: {  	v43 =	vld [tilespmem:s13+$0x3390];
	[tilespmem:s13+$0x3320] =	vst v4;
	v3 =	vmul.f32 v3, v39  }
0xaf: {  	v44 =	vld [tilespmem:s13+$0x33A0];
	v7 =	vmul.f32 v38, v39;
	[tilespmem:s13+$0x3330] =	vst v5  }
0xb0: {  	v8 =	vmul.f32 v40, v39;
	[tilespmem:s13+$0x3310] =	vst v3;
	v3 =	vld [tilespmem:s13+$0x3380]  }
0xb1: {  	v45 =	vld [tilespmem:s13+$0x33B0];
	v47 =	vbroadcast v2, $0x7;
	v9 =	vmul.f32 v41, v39;
	[tilespmem:s13+$0x3340] =	vst v7  }
0xb2: {  	v46 =	vld [tilespmem:s13+$0x33C0];
	v6 =	vmul.f32 v28, v31;
	[tilespmem:s13+$0x3350] =	vst v8  }
0xb3: {  	v48 =	vld [tilespmem:s13+$0x33D0];
	[tilespmem:s13+$0x3360] =	vst v9;
	v4 =	vmul.f32 v43, v47  }
0xb4: {  	v35 =	vld [tilespmem:s13+$0x3300];
	v5 =	vmul.f32 v44, v47;
	[tilespmem:s13+$0x3290] =	vst v6  }
0xb5: {  	v50 =	vld [tilespmem:s13+$0x3400];
	[tilespmem:s13+$0x3390] =	vst v4;
	v3 =	vmul.f32 v3, v47  }
0xb6: {  	v51 =	vld [tilespmem:s13+$0x3410];
	v7 =	vmul.f32 v45, v47;
	[tilespmem:s13+$0x33A0] =	vst v5  }
0xb7: {  	v8 =	vmul.f32 v46, v47;
	[tilespmem:s13+$0x3380] =	vst v3;
	v3 =	vld [tilespmem:s13+$0x33F0]  }
0xb8: {  	v52 =	vld [tilespmem:s13+$0x3420];
	v55 =	vbroadcast v2, $0x8;
	v9 =	vmul.f32 v48, v47;
	[tilespmem:s13+$0x33B0] =	vst v7  }
0xb9: {  	v53 =	vld [tilespmem:s13+$0x3430];
	v6 =	vmul.f32 v35, v39;
	[tilespmem:s13+$0x33C0] =	vst v8  }
0xba: {  	v54 =	vld [tilespmem:s13+$0x3440];
	[tilespmem:s13+$0x33D0] =	vst v9;
	v4 =	vmul.f32 v50, v55  }
0xbb: {  	v42 =	vld [tilespmem:s13+$0x3370];
	v5 =	vmul.f32 v51, v55;
	[tilespmem:s13+$0x3300] =	vst v6  }
0xbc: {  	v57 =	vld [tilespmem:s13+$0x3470];
	[tilespmem:s13+$0x3400] =	vst v4;
	v3 =	vmul.f32 v3, v47  }
0xbd: {  	v58 =	vld [tilespmem:s13+$0x3480];
	v7 =	vmul.f32 v52, v55;
	[tilespmem:s13+$0x3410] =	vst v5  }
0xbe: {  	v8 =	vmul.f32 v53, v55;
	[tilespmem:s13+$0x33F0] =	vst v3;
	v3 =	vld [tilespmem:s13+$0x3460]  }
0xbf: {  	v59 =	vld [tilespmem:s13+$0x3490];
	v9 =	vmul.f32 v54, v55;
	[tilespmem:s13+$0x3420] =	vst v7  }
0xc0: {  	v61 =	vld [tilespmem:s13+$0x34B0];
	v63 =	vbroadcast v2, $0x9;
	v6 =	vmul.f32 v42, v39;
	[tilespmem:s13+$0x3430] =	vst v8  }
0xc1: {  	v49 =	vld [tilespmem:s13+$0x33E0];
	[tilespmem:s13+$0x3440] =	vst v9;
	v4 =	vmul.f32 v57, v55  }
0xc2: {  	v12 =	vld [tilespmem:s13+$0x34E0];
	v5 =	vmul.f32 v58, v63;
	[tilespmem:s13+$0x3370] =	vst v6  }
0xc3: {  	v13 =	vld [tilespmem:s13+$0x34F0];
	[tilespmem:s13+$0x3470] =	vst v4;
	v3 =	vmul.f32 v3, v55  }
0xc4: {  	v14 =	vld [tilespmem:s13+$0x3500];
	v7 =	vmul.f32 v59, v63;
	[tilespmem:s13+$0x3480] =	vst v5  }
0xc5: {  	v9 =	vmul.f32 v61, v63;
	[tilespmem:s13+$0x3460] =	vst v3;
	v3 =	vld [tilespmem:s13+$0x34D0]  }
0xc6: {  	v16 =	vld [tilespmem:s13+$0x3520];
	v6 =	vmul.f32 v49, v47;
	[tilespmem:s13+$0x3490] =	vst v7  }
0xc7: {  	v56 =	vld [tilespmem:s13+$0x3450];
	v18 =	vbroadcast v2, $0xA;
	[tilespmem:s13+$0x34B0] =	vst v9;
	v4 =	vmul.f32 v12, v63  }
0xc8: {  	v19 =	vld [tilespmem:s13+$0x3550];
	v5 =	vmul.f32 v13, v63;
	[tilespmem:s13+$0x33E0] =	vst v6  }
0xc9: {  	v20 =	vld [tilespmem:s13+$0x3560];
	v7 =	vmul.f32 v14, v18;
	[tilespmem:s13+$0x34E0] =	vst v4  }
0xca: {  	v21 =	vld [tilespmem:s13+$0x3570];
	[tilespmem:s13+$0x34F0] =	vst v5;
	v3 =	vmul.f32 v3, v63  }
0xcb: {  	v62 =	vld [tilespmem:s13+$0x34C0];
	v9 =	vmul.f32 v16, v18;
	[tilespmem:s13+$0x3500] =	vst v7  }
0xcc: {  	v6 =	vmul.f32 v56, v55;
	[tilespmem:s13+$0x34D0] =	vst v3;
	v3 =	vld [tilespmem:s13+$0x3540]  }
0xcd: {  	v60 =	vld [tilespmem:s13+$0x34A0];
	[tilespmem:s13+$0x3520] =	vst v9;
	v4 =	vmul.f32 v19, v18  }
0xce: {  	v25 =	vld [tilespmem:s13+$0x35C0];
	v5 =	vmul.f32 v20, v18;
	[tilespmem:s13+$0x3450] =	vst v6  }
0xcf: {  	v27 =	vld [tilespmem:s13+$0x35D0];
	v7 =	vmul.f32 v21, v18;
	[tilespmem:s13+$0x3550] =	vst v4  }
0xd0: {  	v28 =	vld [tilespmem:s13+$0x35E0];
	v6 =	vmul.f32 v62, v63;
	[tilespmem:s13+$0x3560] =	vst v5  }
0xd1: {  	v17 =	vld [tilespmem:s13+$0x3530];
	v26 =	vbroadcast v2, $0xB;
	[tilespmem:s13+$0x3570] =	vst v7;
	v3 =	vmul.f32 v3, v18  }
0xd2: {  	v32 =	vld [tilespmem:s13+$0x3630];
	v8 =	vmul.f32 v60, v63;
	[tilespmem:s13+$0x34C0] =	vst v6  }
0xd3: {  	v4 =	vmul.f32 v25, v26;
	[tilespmem:s13+$0x3540] =	vst v3;
	v3 =	vld [tilespmem:s13+$0x35B0]  }
0xd4: {  	v33 =	vld [tilespmem:s13+$0x3640];
	v5 =	vmul.f32 v27, v26;
	[tilespmem:s13+$0x34A0] =	vst v8  }
0xd5: {  	v34 =	vbroadcast v2, $0xC;
	v35 =	vld [tilespmem:s13+$0x3650];
	v7 =	vmul.f32 v28, v26;
	[tilespmem:s13+$0x35C0] =	vst v4  }
0xd6: {  	v24 =	vld [tilespmem:s13+$0x35A0];
	v6 =	vmul.f32 v17, v18;
	[tilespmem:s13+$0x35D0] =	vst v5  }
0xd7: {  	v40 =	vld [tilespmem:s13+$0x36B0];
	[tilespmem:s13+$0x35E0] =	vst v7;
	v4 =	vmul.f32 v32, v34  }
0xd8: {  	v41 =	vld [tilespmem:s13+$0x36C0];
	[tilespmem:s13+$0x3530] =	vst v6;
	v3 =	vmul.f32 v3, v26  }
0xd9: {  	v15 =	vld [tilespmem:s13+$0x3510];
	v5 =	vmul.f32 v33, v34;
	[tilespmem:s13+$0x3630] =	vst v4  }
0xda: {  	v42 =	vbroadcast v2, $0xD;
	v7 =	vmul.f32 v35, v34;
	[tilespmem:s13+$0x35B0] =	vst v3;
	v3 =	vld [tilespmem:s13+$0x3620]  }
0xdb: {  	v22 =	vld [tilespmem:s13+$0x3580];
	v6 =	vmul.f32 v24, v26;
	[tilespmem:s13+$0x3640] =	vst v5  }
0xdc: {  	v48 =	vld [tilespmem:s13+$0x3730];
	[tilespmem:s13+$0x3650] =	vst v7;
	v5 =	vmul.f32 v40, v42  }
0xdd: {  	v29 =	vld [tilespmem:s13+$0x35F0];
	v7 =	vmul.f32 v41, v42;
	[tilespmem:s13+$0x35A0] =	vst v6  }
0xde: {  	v56 =	vld [tilespmem:s13+$0x37B0];
	[tilespmem:s13+$0x36B0] =	vst v5;
	v8 =	vmul.f32 v15, v18  }
0xdf: {  	v36 =	vld [tilespmem:s13+$0x3660];
	v50 =	vbroadcast v2, $0xE;
	[tilespmem:s13+$0x36C0] =	vst v7;
	v3 =	vmul.f32 v3, v34  }
0xe0: {  	[tilespmem:s13+$0x3510] =	vst v8;
	v23 =	vld [tilespmem:s13+$0x3590];
	v8 =	vmul.f32 v22, v26  }
0xe1: {  	v2 =	vbroadcast v2, $0xF;
	v7 =	vmul.f32 v48, v50;
	[tilespmem:s13+$0x3620] =	vst v3;
	v3 =	vld [tilespmem:s13+$0x3690]  }
0xe2: {  	v43 =	vld [tilespmem:s13+$0x36D0];
	[tilespmem:s13+$0x3580] =	vst v8;
	v8 =	vmul.f32 v29, v26  }
0xe3: {  	v30 =	vld [tilespmem:s13+$0x3600];
	[tilespmem:s13+$0x3730] =	vst v7;
	v61 =	vmul.f32 v56, v2  }
0xe4: {  	v49 =	vld [tilespmem:s13+$0x3740];
	[tilespmem:s13+$0x35F0] =	vst v8;
	v8 =	vmul.f32 v36, v34  }
0xe5: {  	v57 =	vld [tilespmem:s13+$0x37C0];
	[tilespmem:s13+$0x37B0] =	vst v61;
	v9 =	vmul.f32 v23, v26  }
0xe6: {  	v37 =	vld [tilespmem:s13+$0x3670];
	[tilespmem:s13+$0x3660] =	vst v8;
	v3 =	vmul.f32 v3, v42  }
0xe7: {  	v8 =	vmul.f32 v43, v42;
	[tilespmem:s13+$0x3590] =	vst v9;
	v31 =	vld [tilespmem:s13+$0x3610]  }
0xe8: {  	v9 =	vmul.f32 v30, v34;
	[tilespmem:s13+$0x3690] =	vst v3;
	v3 =	vld [tilespmem:s13+$0x3700]  }
0xe9: {  	v38 =	vld [tilespmem:s13+$0x3680];
	[tilespmem:s13+$0x36D0] =	vst v8;
	v8 =	vmul.f32 v49, v50  }
0xea: {  	v44 =	vld [tilespmem:s13+$0x36E0];
	v62 =	vmul.f32 v57, v2;
	[tilespmem:s13+$0x3600] =	vst v9  }
0xeb: {  	v45 =	vld [tilespmem:s13+$0x36F0];
	v9 =	vmul.f32 v37, v34;
	[tilespmem:s13+$0x3740] =	vst v8  }
0xec: {  	v51 =	vld [tilespmem:s13+$0x3750];
	[tilespmem:s13+$0x37C0] =	vst v62;
	v6 =	vmul.f32 v31, v34  }
0xed: {  	v52 =	vld [tilespmem:s13+$0x3760];
	[tilespmem:s13+$0x3670] =	vst v9;
	v3 =	vmul.f32 v3, v50  }
0xee: {  	[tilespmem:s13+$0x3610] =	vst v6;
	v39 =	vld [tilespmem:s13+$0x36A0];
	v6 =	vmul.f32 v38, v42  }
0xef: {  	v9 =	vmul.f32 v44, v42;
	[tilespmem:s13+$0x3700] =	vst v3;
	v3 =	vld [tilespmem:s13+$0x3770]  }
0xf0: {  	v46 =	vld [tilespmem:s13+$0x3710];
	[tilespmem:s13+$0x3680] =	vst v6;
	v6 =	vmul.f32 v45, v42  }
0xf1: {  	[tilespmem:s13+$0x36E0] =	vst v9;
	v9 =	vmul.f32 v51, v50;
	v47 =	vld [tilespmem:s13+$0x3720]  }
0xf2: {  	v53 =	vld [tilespmem:s13+$0x3780];
	[tilespmem:s13+$0x36F0] =	vst v6;
	v6 =	vmul.f32 v52, v50  }
0xf3: {  	v54 =	vld [tilespmem:s13+$0x3790];
	[tilespmem:s13+$0x3750] =	vst v9;
	v4 =	vmul.f32 v39, v42  }
0xf4: {  	[tilespmem:s13+$0x3760] =	vst v6;
	v55 =	vld [tilespmem:s13+$0x37A0];
	v3 =	vmul.f32 v3, v50  }
0xf5: {  	v58 =	vld [tilespmem:s13+$0x37D0];
	[tilespmem:s13+$0x36A0] =	vst v4;
	v4 =	vmul.f32 v46, v50  }
0xf6: {  	v5 =	vmul.f32 v47, v50;
	[tilespmem:s13+$0x3770] =	vst v3;
	v3 =	vld [tilespmem:s13+$0x37E0]  }
0xf7: {  	v60 =	vld [tilespmem:s13+$0x37F0];
	[tilespmem:s13+$0x3710] =	vst v4;
	v4 =	vmul.f32 v53, v2  }
0xf8: {  	[tilespmem:s13+$0x3720] =	vst v5;
	v5 =	vmul.f32 v54, v2  }
0xf9: {  	[tilespmem:s13+$0x3780] =	vst v4;
	v59 =	vmul.f32 v55, v2  }
0xfa: {  	[tilespmem:s13+$0x3790] =	vst v5;
	v63 =	vmul.f32 v58, v2  }
0xfb: {  	[tilespmem:s13+$0x37A0] =	vst v59;
	v3 =	vmul.f32 v3, v2  }
0xfc: {  	[tilespmem:s13+$0x37D0] =	vst v63;
	v2 =	vmul.f32 v60, v2  }
0xfd: {  	s14 =	simm.s32 $0x1;
	[tilespmem:s13+$0x37E0] =	vst v3  }
.LBB2_6:
0xfe: {  	s15 =	sshll.u32 s14, $0x4;
	p1 =	sne.s32 s14, $0x4;
	s14 =	sadd.s32 $0x1, s14;
	[tilespmem:s13+$0x37F0] =	vst v2  }
0xff: {  	v2 =	vld.idx.msk [tilespmem:v1+s15+$0x0 ss:$0x1], $0xffff;
	s13 =	sadd.s32 s12, s15  }
0x100: {  	s13 =	sshll.u32 s13, $0x7  }
0x101: {  	s13 =	sand.u32 $0x3FFFFF80, s13  }
0x102: {  	v5 =	vld [tilespmem:s13+$0x3000]  }
0x103: {  	v6 =	vld [tilespmem:s13+$0x3010]  }
0x104: {  	v7 =	vld [tilespmem:s13+$0x3020]  }
0x105: {  	v8 =	vbroadcast v2, $0x0;
	v4 =	vbroadcast v2, $0x3;
	v9 =	vld [tilespmem:s13+$0x3030]  }
0x106: {  	v3 =	vbroadcast v2, $0x5;
	v10 =	vld [tilespmem:s13+$0x3040]  }
0x107: {  	v5 =	vmul.f32 v8, v5;
	v11 =	vld [tilespmem:s13+$0x3050]  }
0x108: {  	v6 =	vmul.f32 v6, v8;
	v12 =	vld [tilespmem:s13+$0x3060]  }
0x109: {  	[tilespmem:s13+$0x3000] =	vst v5;
	v5 =	vmul.f32 v7, v8;
	v7 =	vld [tilespmem:s13+$0x3070]  }
0x10a: {  	[tilespmem:s13+$0x3010] =	vst v6;
	v6 =	vmul.f32 v9, v8;
	v9 =	vld [tilespmem:s13+$0x3080]  }
0x10b: {  	[tilespmem:s13+$0x3020] =	vst v5;
	v5 =	vmul.f32 v10, v8;
	v10 =	vld [tilespmem:s13+$0x3090]  }
0x10c: {  	[tilespmem:s13+$0x3030] =	vst v6;
	v6 =	vmul.f32 v11, v8;
	v11 =	vld [tilespmem:s13+$0x30A0]  }
0x10d: {  	[tilespmem:s13+$0x3040] =	vst v5;
	v5 =	vmul.f32 v12, v8;
	v12 =	vbroadcast v2, $0x1;
	v13 =	vld [tilespmem:s13+$0x30B0]  }
0x10e: {  	[tilespmem:s13+$0x3050] =	vst v6;
	v6 =	vmul.f32 v7, v8;
	v7 =	vld [tilespmem:s13+$0x30C0]  }
0x10f: {  	[tilespmem:s13+$0x3060] =	vst v5;
	v5 =	vmul.f32 v9, v12;
	v8 =	vld [tilespmem:s13+$0x30D0]  }
0x110: {  	[tilespmem:s13+$0x3070] =	vst v6;
	v6 =	vmul.f32 v10, v12;
	v9 =	vld [tilespmem:s13+$0x30E0]  }
0x111: {  	[tilespmem:s13+$0x3080] =	vst v5;
	v5 =	vmul.f32 v11, v12;
	v10 =	vld [tilespmem:s13+$0x30F0]  }
0x112: {  	[tilespmem:s13+$0x3090] =	vst v6;
	v6 =	vmul.f32 v13, v12;
	v11 =	vld [tilespmem:s13+$0x3100]  }
0x113: {  	[tilespmem:s13+$0x30A0] =	vst v5;
	v5 =	vmul.f32 v7, v12;
	v7 =	vld [tilespmem:s13+$0x3110]  }
0x114: {  	[tilespmem:s13+$0x30B0] =	vst v6;
	v6 =	vmul.f32 v8, v12;
	v8 =	vld [tilespmem:s13+$0x3120]  }
0x115: {  	[tilespmem:s13+$0x30C0] =	vst v5;
	v5 =	vmul.f32 v9, v12;
	v9 =	vbroadcast v2, $0x2;
	v13 =	vld [tilespmem:s13+$0x3130]  }
0x116: {  	[tilespmem:s13+$0x30D0] =	vst v6;
	v6 =	vmul.f32 v10, v12;
	v10 =	vld [tilespmem:s13+$0x3140]  }
0x117: {  	[tilespmem:s13+$0x30E0] =	vst v5;
	v5 =	vmul.f32 v11, v9;
	v11 =	vld [tilespmem:s13+$0x3150]  }
0x118: {  	[tilespmem:s13+$0x30F0] =	vst v6;
	v6 =	vmul.f32 v7, v9;
	v7 =	vld [tilespmem:s13+$0x3160]  }
0x119: {  	[tilespmem:s13+$0x3100] =	vst v5;
	v5 =	vmul.f32 v8, v9;
	v8 =	vld [tilespmem:s13+$0x3170]  }
0x11a: {  	[tilespmem:s13+$0x3110] =	vst v6;
	v6 =	vmul.f32 v13, v9;
	v12 =	vld [tilespmem:s13+$0x3180]  }
0x11b: {  	[tilespmem:s13+$0x3120] =	vst v5;
	v5 =	vmul.f32 v10, v9;
	v10 =	vld [tilespmem:s13+$0x3190]  }
0x11c: {  	[tilespmem:s13+$0x3130] =	vst v6;
	v6 =	vmul.f32 v11, v9;
	v11 =	vld [tilespmem:s13+$0x31A0]  }
0x11d: {  	[tilespmem:s13+$0x3140] =	vst v5;
	v5 =	vmul.f32 v7, v9;
	v7 =	vld [tilespmem:s13+$0x31B0]  }
0x11e: {  	[tilespmem:s13+$0x3150] =	vst v6;
	v6 =	vmul.f32 v8, v9;
	v8 =	vld [tilespmem:s13+$0x31C0]  }
0x11f: {  	[tilespmem:s13+$0x3160] =	vst v5;
	v5 =	vmul.f32 v12, v4;
	v9 =	vld [tilespmem:s13+$0x31D0]  }
0x120: {  	[tilespmem:s13+$0x3170] =	vst v6;
	v6 =	vmul.f32 v10, v4;
	v10 =	vld [tilespmem:s13+$0x31E0]  }
0x121: {  	[tilespmem:s13+$0x3180] =	vst v5;
	v5 =	vmul.f32 v11, v4;
	v11 =	vld [tilespmem:s13+$0x31F0]  }
0x122: {  	[tilespmem:s13+$0x3190] =	vst v6;
	v6 =	vmul.f32 v7, v4;
	v7 =	vld [tilespmem:s13+$0x3200]  }
0x123: {  	[tilespmem:s13+$0x31A0] =	vst v5;
	v5 =	vmul.f32 v8, v4;
	v8 =	vld [tilespmem:s13+$0x3210]  }
0x124: {  	[tilespmem:s13+$0x31B0] =	vst v6;
	v6 =	vmul.f32 v9, v4;
	v9 =	vld [tilespmem:s13+$0x3220]  }
0x125: {  	[tilespmem:s13+$0x31C0] =	vst v5;
	v5 =	vmul.f32 v10, v4;
	v10 =	vbroadcast v2, $0x4;
	v12 =	vld [tilespmem:s13+$0x3230]  }
0x126: {  	[tilespmem:s13+$0x31D0] =	vst v6;
	v4 =	vmul.f32 v11, v4;
	v6 =	vld [tilespmem:s13+$0x3240]  }
0x127: {  	[tilespmem:s13+$0x31E0] =	vst v5;
	v5 =	vmul.f32 v7, v10;
	v7 =	vld [tilespmem:s13+$0x3250]  }
0x128: {  	[tilespmem:s13+$0x31F0] =	vst v4;
	v4 =	vmul.f32 v8, v10;
	v8 =	vld [tilespmem:s13+$0x3260]  }
0x129: {  	[tilespmem:s13+$0x3200] =	vst v5;
	v5 =	vmul.f32 v9, v10;
	v9 =	vld [tilespmem:s13+$0x3270]  }
0x12a: {  	[tilespmem:s13+$0x3210] =	vst v4;
	v4 =	vmul.f32 v12, v10;
	v11 =	vld [tilespmem:s13+$0x3280]  }
0x12b: {  	[tilespmem:s13+$0x3220] =	vst v5;
	v5 =	vmul.f32 v6, v10;
	v6 =	vld [tilespmem:s13+$0x3290]  }
0x12c: {  	[tilespmem:s13+$0x3230] =	vst v4;
	v4 =	vmul.f32 v7, v10;
	v7 =	vld [tilespmem:s13+$0x32A0]  }
0x12d: {  	[tilespmem:s13+$0x3240] =	vst v5;
	v5 =	vmul.f32 v8, v10;
	v8 =	vld [tilespmem:s13+$0x32B0]  }
0x12e: {  	[tilespmem:s13+$0x3250] =	vst v4;
	v4 =	vmul.f32 v9, v10;
	v9 =	vld [tilespmem:s13+$0x32C0]  }
0x12f: {  	[tilespmem:s13+$0x3260] =	vst v5;
	v5 =	vmul.f32 v11, v3;
	v10 =	vld [tilespmem:s13+$0x32D0]  }
0x130: {  	[tilespmem:s13+$0x3270] =	vst v4;
	v4 =	vmul.f32 v6, v3;
	v6 =	vld [tilespmem:s13+$0x32E0]  }
0x131: {  	[tilespmem:s13+$0x3280] =	vst v5;
	v5 =	vmul.f32 v7, v3;
	v7 =	vld [tilespmem:s13+$0x32F0]  }
0x132: {  	[tilespmem:s13+$0x3290] =	vst v4;
	v4 =	vmul.f32 v8, v3;
	v8 =	vld [tilespmem:s13+$0x3300]  }
0x133: {  	[tilespmem:s13+$0x32A0] =	vst v5;
	v5 =	vmul.f32 v9, v3;
	v9 =	vld [tilespmem:s13+$0x3310]  }
0x134: {  	[tilespmem:s13+$0x32B0] =	vst v4;
	v4 =	vmul.f32 v10, v3;
	v10 =	vld [tilespmem:s13+$0x3320]  }
0x135: {  	[tilespmem:s13+$0x32C0] =	vst v5;
	v5 =	vmul.f32 v6, v3;
	v6 =	vbroadcast v2, $0x6;
	v11 =	vld [tilespmem:s13+$0x3330]  }
0x136: {  	[tilespmem:s13+$0x32D0] =	vst v4;
	v3 =	vmul.f32 v7, v3;
	v4 =	vld [tilespmem:s13+$0x3340]  }
0x137: {  	[tilespmem:s13+$0x32E0] =	vst v5;
	v5 =	vmul.f32 v8, v6;
	v7 =	vld [tilespmem:s13+$0x3350]  }
0x138: {  	[tilespmem:s13+$0x32F0] =	vst v3;
	v3 =	vmul.f32 v9, v6;
	v8 =	vld [tilespmem:s13+$0x3360]  }
0x139: {  	[tilespmem:s13+$0x3300] =	vst v5;
	v5 =	vmul.f32 v10, v6;
	v9 =	vld [tilespmem:s13+$0x3370]  }
0x13a: {  	[tilespmem:s13+$0x3310] =	vst v3;
	v3 =	vmul.f32 v11, v6;
	v10 =	vld [tilespmem:s13+$0x3380]  }
0x13b: {  	[tilespmem:s13+$0x3320] =	vst v5;
	v4 =	vmul.f32 v4, v6;
	v5 =	vld [tilespmem:s13+$0x3390]  }
0x13c: {  	[tilespmem:s13+$0x3330] =	vst v3;
	v3 =	vmul.f32 v7, v6;
	v7 =	vld [tilespmem:s13+$0x33A0]  }
0x13d: {  	[tilespmem:s13+$0x3340] =	vst v4;
	v4 =	vmul.f32 v8, v6;
	v8 =	vbroadcast v2, $0x7;
	v11 =	vld [tilespmem:s13+$0x33B0]  }
0x13e: {  	[tilespmem:s13+$0x3350] =	vst v3;
	v3 =	vmul.f32 v9, v6;
	v6 =	vld [tilespmem:s13+$0x33C0]  }
0x13f: {  	[tilespmem:s13+$0x3360] =	vst v4;
	v4 =	vmul.f32 v10, v8;
	v9 =	vld [tilespmem:s13+$0x33D0]  }
0x140: {  	[tilespmem:s13+$0x3370] =	vst v3;
	v3 =	vmul.f32 v5, v8;
	v5 =	vld [tilespmem:s13+$0x33E0]  }
0x141: {  	[tilespmem:s13+$0x3380] =	vst v4;
	v4 =	vmul.f32 v7, v8;
	v7 =	vld [tilespmem:s13+$0x33F0]  }
0x142: {  	[tilespmem:s13+$0x3390] =	vst v3;
	v3 =	vmul.f32 v11, v8;
	v10 =	vld [tilespmem:s13+$0x3400]  }
0x143: {  	[tilespmem:s13+$0x33A0] =	vst v4;
	v4 =	vmul.f32 v6, v8;
	v6 =	vld [tilespmem:s13+$0x3410]  }
0x144: {  	[tilespmem:s13+$0x33B0] =	vst v3;
	v3 =	vmul.f32 v9, v8;
	v9 =	vld [tilespmem:s13+$0x3420]  }
0x145: {  	[tilespmem:s13+$0x33C0] =	vst v4;
	v4 =	vmul.f32 v5, v8;
	v5 =	vbroadcast v2, $0x8;
	v11 =	vld [tilespmem:s13+$0x3430]  }
0x146: {  	[tilespmem:s13+$0x33D0] =	vst v3;
	v3 =	vmul.f32 v7, v8;
	v7 =	vld [tilespmem:s13+$0x3440]  }
0x147: {  	[tilespmem:s13+$0x33E0] =	vst v4;
	v4 =	vmul.f32 v10, v5;
	v8 =	vld [tilespmem:s13+$0x3450]  }
0x148: {  	[tilespmem:s13+$0x33F0] =	vst v3;
	v3 =	vmul.f32 v6, v5;
	v6 =	vld [tilespmem:s13+$0x3460]  }
0x149: {  	[tilespmem:s13+$0x3400] =	vst v4;
	v4 =	vmul.f32 v9, v5;
	v9 =	vld [tilespmem:s13+$0x3470]  }
0x14a: {  	[tilespmem:s13+$0x3410] =	vst v3;
	v3 =	vmul.f32 v11, v5;
	v10 =	vld [tilespmem:s13+$0x3480]  }
0x14b: {  	[tilespmem:s13+$0x3420] =	vst v4;
	v4 =	vmul.f32 v7, v5;
	v7 =	vld [tilespmem:s13+$0x3490]  }
0x14c: {  	[tilespmem:s13+$0x3430] =	vst v3;
	v3 =	vmul.f32 v8, v5;
	v8 =	vld [tilespmem:s13+$0x34A0]  }
0x14d: {  	[tilespmem:s13+$0x3440] =	vst v4;
	v4 =	vmul.f32 v6, v5;
	v6 =	vbroadcast v2, $0x9;
	v11 =	vld [tilespmem:s13+$0x34B0]  }
0x14e: {  	[tilespmem:s13+$0x3450] =	vst v3;
	v3 =	vmul.f32 v9, v5;
	v5 =	vld [tilespmem:s13+$0x34C0]  }
0x14f: {  	[tilespmem:s13+$0x3460] =	vst v4;
	v4 =	vmul.f32 v10, v6;
	v9 =	vld [tilespmem:s13+$0x34D0]  }
0x150: {  	[tilespmem:s13+$0x3470] =	vst v3;
	v3 =	vmul.f32 v7, v6;
	v7 =	vld [tilespmem:s13+$0x34E0]  }
0x151: {  	[tilespmem:s13+$0x3480] =	vst v4;
	v4 =	vmul.f32 v8, v6;
	v8 =	vld [tilespmem:s13+$0x34F0]  }
0x152: {  	[tilespmem:s13+$0x3490] =	vst v3;
	v3 =	vmul.f32 v11, v6;
	v10 =	vld [tilespmem:s13+$0x3500]  }
0x153: {  	[tilespmem:s13+$0x34A0] =	vst v4;
	v4 =	vmul.f32 v5, v6;
	v5 =	vld [tilespmem:s13+$0x3510]  }
0x154: {  	[tilespmem:s13+$0x34B0] =	vst v3;
	v3 =	vmul.f32 v9, v6;
	v9 =	vld [tilespmem:s13+$0x3520]  }
0x155: {  	[tilespmem:s13+$0x34C0] =	vst v4;
	v4 =	vmul.f32 v7, v6;
	v7 =	vbroadcast v2, $0xA;
	v11 =	vld [tilespmem:s13+$0x3530]  }
0x156: {  	[tilespmem:s13+$0x34D0] =	vst v3;
	v3 =	vmul.f32 v8, v6;
	v6 =	vld [tilespmem:s13+$0x3540]  }
0x157: {  	[tilespmem:s13+$0x34E0] =	vst v4;
	v4 =	vmul.f32 v10, v7;
	v8 =	vld [tilespmem:s13+$0x3550]  }
0x158: {  	[tilespmem:s13+$0x34F0] =	vst v3;
	v3 =	vmul.f32 v5, v7;
	v5 =	vld [tilespmem:s13+$0x3560]  }
0x159: {  	[tilespmem:s13+$0x3500] =	vst v4;
	v4 =	vmul.f32 v9, v7;
	v9 =	vld [tilespmem:s13+$0x3570]  }
0x15a: {  	[tilespmem:s13+$0x3510] =	vst v3;
	v3 =	vmul.f32 v11, v7;
	v10 =	vld [tilespmem:s13+$0x3580]  }
0x15b: {  	[tilespmem:s13+$0x3520] =	vst v4;
	v4 =	vmul.f32 v6, v7;
	v6 =	vld [tilespmem:s13+$0x3590]  }
0x15c: {  	[tilespmem:s13+$0x3530] =	vst v3;
	v3 =	vmul.f32 v8, v7;
	v8 =	vld [tilespmem:s13+$0x35A0]  }
0x15d: {  	[tilespmem:s13+$0x3540] =	vst v4;
	v4 =	vmul.f32 v5, v7;
	v5 =	vbroadcast v2, $0xB;
	v11 =	vld [tilespmem:s13+$0x35B0]  }
0x15e: {  	[tilespmem:s13+$0x3550] =	vst v3;
	v3 =	vmul.f32 v9, v7;
	v7 =	vld [tilespmem:s13+$0x35C0]  }
0x15f: {  	[tilespmem:s13+$0x3560] =	vst v4;
	v4 =	vmul.f32 v10, v5;
	v9 =	vld [tilespmem:s13+$0x35D0]  }
0x160: {  	[tilespmem:s13+$0x3570] =	vst v3;
	v3 =	vmul.f32 v6, v5;
	v6 =	vld [tilespmem:s13+$0x35E0]  }
0x161: {  	[tilespmem:s13+$0x3580] =	vst v4;
	v4 =	vmul.f32 v8, v5;
	v8 =	vld [tilespmem:s13+$0x35F0]  }
0x162: {  	[tilespmem:s13+$0x3590] =	vst v3;
	v3 =	vmul.f32 v11, v5;
	v10 =	vld [tilespmem:s13+$0x3600]  }
0x163: {  	[tilespmem:s13+$0x35A0] =	vst v4;
	v4 =	vmul.f32 v7, v5;
	v7 =	vld [tilespmem:s13+$0x3610]  }
0x164: {  	[tilespmem:s13+$0x35B0] =	vst v3;
	v3 =	vmul.f32 v9, v5;
	v9 =	vld [tilespmem:s13+$0x3620]  }
0x165: {  	[tilespmem:s13+$0x35C0] =	vst v4;
	v4 =	vmul.f32 v6, v5;
	v6 =	vbroadcast v2, $0xC;
	v11 =	vld [tilespmem:s13+$0x3630]  }
0x166: {  	[tilespmem:s13+$0x35D0] =	vst v3;
	v3 =	vmul.f32 v8, v5;
	v5 =	vld [tilespmem:s13+$0x3640]  }
0x167: {  	[tilespmem:s13+$0x35E0] =	vst v4;
	v4 =	vmul.f32 v10, v6;
	v8 =	vld [tilespmem:s13+$0x3650]  }
0x168: {  	[tilespmem:s13+$0x35F0] =	vst v3;
	v3 =	vmul.f32 v7, v6;
	v7 =	vld [tilespmem:s13+$0x3660]  }
0x169: {  	[tilespmem:s13+$0x3600] =	vst v4;
	v4 =	vmul.f32 v9, v6;
	v9 =	vld [tilespmem:s13+$0x3670]  }
0x16a: {  	[tilespmem:s13+$0x3610] =	vst v3;
	v3 =	vmul.f32 v11, v6;
	v10 =	vld [tilespmem:s13+$0x3680]  }
0x16b: {  	[tilespmem:s13+$0x3620] =	vst v4;
	v4 =	vmul.f32 v5, v6;
	v5 =	vld [tilespmem:s13+$0x3690]  }
0x16c: {  	[tilespmem:s13+$0x3630] =	vst v3;
	v3 =	vmul.f32 v8, v6;
	v8 =	vld [tilespmem:s13+$0x36A0]  }
0x16d: {  	[tilespmem:s13+$0x3640] =	vst v4;
	v4 =	vmul.f32 v7, v6;
	v7 =	vbroadcast v2, $0xD;
	v11 =	vld [tilespmem:s13+$0x36B0]  }
0x16e: {  	[tilespmem:s13+$0x3650] =	vst v3;
	v3 =	vmul.f32 v9, v6;
	v6 =	vld [tilespmem:s13+$0x36C0]  }
0x16f: {  	[tilespmem:s13+$0x3660] =	vst v4;
	v4 =	vmul.f32 v10, v7;
	v9 =	vld [tilespmem:s13+$0x36D0]  }
0x170: {  	[tilespmem:s13+$0x3670] =	vst v3;
	v3 =	vmul.f32 v5, v7;
	v5 =	vld [tilespmem:s13+$0x36E0]  }
0x171: {  	[tilespmem:s13+$0x3680] =	vst v4;
	v4 =	vmul.f32 v8, v7;
	v8 =	vld [tilespmem:s13+$0x36F0]  }
0x172: {  	[tilespmem:s13+$0x3690] =	vst v3;
	v3 =	vmul.f32 v11, v7;
	v10 =	vld [tilespmem:s13+$0x3700]  }
0x173: {  	[tilespmem:s13+$0x36A0] =	vst v4;
	v4 =	vmul.f32 v6, v7;
	v6 =	vld [tilespmem:s13+$0x3710]  }
0x174: {  	[tilespmem:s13+$0x36B0] =	vst v3;
	v3 =	vmul.f32 v9, v7;
	v9 =	vld [tilespmem:s13+$0x3720]  }
0x175: {  	[tilespmem:s13+$0x36C0] =	vst v4;
	v4 =	vmul.f32 v5, v7;
	v5 =	vbroadcast v2, $0xE;
	v11 =	vld [tilespmem:s13+$0x3730]  }
0x176: {  	[tilespmem:s13+$0x36D0] =	vst v3;
	v3 =	vmul.f32 v8, v7;
	v7 =	vld [tilespmem:s13+$0x3740]  }
0x177: {  	[tilespmem:s13+$0x36E0] =	vst v4;
	v4 =	vmul.f32 v10, v5;
	v8 =	vld [tilespmem:s13+$0x3750]  }
0x178: {  	[tilespmem:s13+$0x36F0] =	vst v3;
	v3 =	vmul.f32 v6, v5;
	v6 =	vld [tilespmem:s13+$0x3760]  }
0x179: {  	[tilespmem:s13+$0x3700] =	vst v4;
	v4 =	vmul.f32 v9, v5;
	v9 =	vld [tilespmem:s13+$0x3770]  }
0x17a: {  	[tilespmem:s13+$0x3710] =	vst v3;
	v3 =	vmul.f32 v11, v5;
	v10 =	vld [tilespmem:s13+$0x3780]  }
0x17b: {  	[tilespmem:s13+$0x3720] =	vst v4;
	v4 =	vmul.f32 v7, v5;
	v7 =	vld [tilespmem:s13+$0x3790]  }
0x17c: {  	[tilespmem:s13+$0x3730] =	vst v3;
	v3 =	vmul.f32 v8, v5;
	v8 =	vld [tilespmem:s13+$0x37A0]  }
0x17d: {  	v2 =	vbroadcast v2, $0xF;
	[tilespmem:s13+$0x3740] =	vst v4;
	v4 =	vmul.f32 v6, v5;
	v6 =	vld [tilespmem:s13+$0x37B0]  }
0x17e: {  	[tilespmem:s13+$0x3750] =	vst v3;
	v3 =	vmul.f32 v9, v5;
	v5 =	vld [tilespmem:s13+$0x37C0]  }
0x17f: {  	[tilespmem:s13+$0x3760] =	vst v4;
	v4 =	vmul.f32 v10, v2;
	v9 =	vld [tilespmem:s13+$0x37D0]  }
0x180: {  	[tilespmem:s13+$0x3770] =	vst v3;
	v3 =	vmul.f32 v7, v2;
	v7 =	vld [tilespmem:s13+$0x37E0]  }
0x181: {  	[tilespmem:s13+$0x3780] =	vst v4;
	v4 =	vmul.f32 v8, v2;
	v8 =	vld [tilespmem:s13+$0x37F0]  }
0x182: {  	[tilespmem:s13+$0x3790] =	vst v3;
	v3 =	vmul.f32 v6, v2  }
.Ltmp1:
0x183: {  	[tilespmem:s13+$0x37A0] =	vst v4;
	v4 =	vmul.f32 v5, v2;
	(pc) =	sbr.rel @p1 .LBB2_6-.Ltmp1, $4  }
0x184: {  	[tilespmem:s13+$0x37B0] =	vst v3;
	v3 =	vmul.f32 v9, v2  }
0x185: {  	[tilespmem:s13+$0x37C0] =	vst v4;
	v4 =	vmul.f32 v7, v2  }
0x186: {  	[tilespmem:s13+$0x37D0] =	vst v3;
	v2 =	vmul.f32 v8, v2  }
0x187: {  	[tilespmem:s13+$0x37E0] =	vst v4  }
0x188: {  	s11 =	smul.u32 $0xA000, s11;
	p1 =	sne.s32 s9, $0x19  }
.Ltmp2:
0x189: {  	_ = 	snop;
	(pc) =	sbr.rel @p1 .LBB2_5-.Ltmp2, $4  }
0x18a: {  	_ = 	snop  }
0x18b: {  	s11 =	sshrl.u32 s11, $0x2  }
0x18c: {  	[tilespmem:s13+$0x37F0] =	vst v2;
	s10 =	sadd.s32 $0x1000, s10;
	s11 =	sadd.s32 $0x3000, s11  }
0x18d: {  	[spmem:s2] =	stream.indirect.scatter.add.f32 [tilespmem:s11], [sflag:$0x3], $0x80, s10, s30, $0xb8;
	[tilespmem:$0x1E080] =	vst v63  }
0x18e: {  	_ =	swait.ge [sflag:s31], $0x2800  }
0x18f: {  	[sflag:s31] =	ssyncset.done $0x0  }
0x190: {  	s3 =	sadd.s32 $0x1, s3;
	[sflag:s31] =	ssyncadd.s32 $0xFFFFD800  }
0x191: {  	p1 =	sne.s32 s3, $0x5;
	_ =	swait.ge [sflag:s31], $0x2800  }
.Ltmp3:
0x192: {  	[sflag:s31] =	ssyncset.done $0x0;
	(pc) =	sbr.rel @p1 .LBB2_4-.Ltmp3, $4  }
0x193: {  	[sflag:s31] =	ssyncadd.s32 $0xFFFFD800  }
0x194: {  	_ =	swait.ge [sflag:s31], $0x2800  }
0x195: {  	[sflag:s31] =	ssyncset.done $0x0  }
0x196: {  	[sflag:s31] =	ssyncadd.s32 $0xFFFFD800  }
0x197: {  	s0 =	stileid.u32  }
0x198: {  	s0 =	sshll.u32 s0, $0x6  }
0x199: {  	[bflag:$0x0] =	sbarrier.arrive $0xFFFF;
	s3 =	sshrl.u32 s8, $0x3;
	s0 =	sor.u32 $0x1C04, s0  }
0x19a: {  	[hbm:s18], [sflag:s0] =	dma.local [spmem:s3], $0x2700  }
0x19b: {  	_ =	swait.ge [sflag:s22], $0x2700  }
0x19c: {  	s4 =	sadd.s32 $0x1, s4;
	[sflag:s22] =	ssyncset.done $0x0  }
0x19d: {  	p1 =	sne.s32 s4, s20;
	s3 =	sshrl.u32 @!p0 s16, $0x3;
	[sflag:s22] =	ssyncadd.s32 $0xFFFFD900  }
0x19e: {  	[hbm:s19], [sflag:s0] =	dma.local @!p0 [spmem:s3], $0x100  }
.Ltmp4:
0x19f: {  	_ = 	snop;
	(pc) =	sbr.rel @p1 .LBB2_1-.Ltmp4, $4  }
0x1a0: {  	s0 =	simm.s32 @!p0 $0x4  }
0x1a1: {  	_ =	swait.ge @!p0 [sflag:s0], $0x100  }
0x1a2: {  	[sflag:s0] =	ssyncset.done @!p0 $0x0  }
0x1a3: {  	[sflag:s0] =	ssyncadd.s32 @!p0 $0xFFFFFF00  }
0x1a4: {  	_ =	sfence.sel $0x180000  }
0x1a5: {  	[bflag:$0x0] =	sbarrier.arrive $0xFFFF  }
0x1a6: {  	_ =	strace $0x90000047  }
0x1a7: {  	s0 =	stileid.u32;
	[bflag:$0x2] =	sbarrier.arrive $0xFFFF  }
0x1a8: {  	p0 =	sne.s32 s0, $0x0;
	s0 =	rddreg [dreg:$0x3]  }
0x1a9: {  	s0 =	sadd.s32 @!p0 $0x100000, s0  }
0x1aa: {  	[sflag:s0] =	ssyncadd.tile.s32 @!p0 $0x1;
	_ =	shalt  }
.Lfunc_end2:
_tile_overlayer_lowered:
.L_overlay_start_2:
0x1ab: {  	(tag) =	ssettag $0x2  }
0x1ac: {  	s0 =	rddreg [dreg:$0x0];
	s2 =	stileid.u32  }
0x1ad: {  	s1 =	rddreg [dreg:$0x1];
	p0 =	sne.s32 s2, $0x0  }
0x1ae: {  	s3 =	rddreg [dreg:$0x2];
	[bflag:$0x3] =	sbarrier.arrive $0xFFFF;
	s2 =	simm.s32 @!p0 $0x1C04  }
0x1af: {  	[timem:s3], [sflag:s2] =	dma.local @!p0 [hbm:s0], s1  }
0x1b0: {  	s0 =	simm.s32 @!p0 $0x4  }
0x1b1: {  	_ =	swait.ge @!p0 [sflag:s0], s1  }
0x1b2: {  	s1 =	ssub.s32 @!p0 $0x0, s1;
	[sflag:s0] =	ssyncset.done @!p0 $0x0  }
0x1b3: {  	[sflag:s0] =	ssyncadd.s32 @!p0 s1  }
0x1b4: {  	[bflag:$0x3] =	sbarrier.arrive $0xFFFF  }
0x1b5: {  	_ =	shalt  }

</sc_bundles>
